<compile_context>
chip_gen: v7x
topology: tpu7x:2x2x1
jax: 0.10.2.dev20260603
libtpu: 0.0.44.dev20260713+nightly
codegen_flags: <defaults>
</compile_context>

<pallas_src>
import functools

import jax
import jax.numpy as jnp
from jax import lax
from jax.experimental import pallas as pl
from jax.experimental.pallas import tpu as pltpu
from jax.experimental.pallas import tpu_sc as plsc

N_NODES = 10000
N_EDGES = 320000
D_IN = 128
N_GRAPHS = 32

NT = 16
NPAD = 10240
NSL = NPAD // NT
EPT = N_EDGES // NT
CHUNK = 128
NCH = -(-EPT // CHUNK)
EPT_PAD = NCH * CHUNK
DUMMY = N_NODES + 16
LANES = 16


def _dot(a, b):
    return jnp.dot(a, b, precision=lax.Precision.HIGHEST)


def _bf(a):
    return a.astype(jnp.bfloat16).astype(jnp.float32)


def _tc_body(x_ref, w1_ref, w2_ref, w3_ref, w4_ref, wl_ref,
             b1_ref, b2_ref, b3_ref, b4_ref, bl_ref, y_ref, c_ref):
    w1, w2, w3, w4, wl = (_bf(w1_ref[...]), _bf(w2_ref[...]),
                          _bf(w3_ref[...]), _bf(w4_ref[...]),
                          _bf(wl_ref[...]))
    w4l = _dot(w4, wl)
    w34l = _dot(w3, w4l)
    w234l = _dot(w2, w34l)
    wfull = _dot(w1, w234l)
    y_ref[...] = _dot(_bf(x_ref[...]), wfull)
    beta1 = _dot(b1_ref[...], w234l)
    beta2 = _dot(b2_ref[...], w34l)
    beta3 = _dot(b3_ref[...], w4l)
    beta4 = _dot(b4_ref[...], wl)
    vals = jnp.concatenate(
        [beta1, beta2, beta3, beta4, bl_ref[...],
         jnp.zeros((3, 1), jnp.float32)], axis=0)
    c_ref[...] = jnp.broadcast_to(vals, (8, 128))


_tc_collapse = pl.pallas_call(
    _tc_body,
    out_shape=[
        jax.ShapeDtypeStruct((N_NODES, 1), jnp.float32),
        jax.ShapeDtypeStruct((8, 128), jnp.float32),
    ],
)


def _rsqrt16(d):
    dsafe = jnp.maximum(d, 1.0)
    bits = plsc.bitcast(dsafe, jnp.int32)
    y = plsc.bitcast(jnp.int32(0x5F3759DF) - lax.shift_right_logical(bits, 1),
                     jnp.float32)
    half = dsafe * 0.5
    for _ in range(3):
        y = y * (1.5 - half * y * y)
    return jnp.where(d >= 0.5, y, 0.0)


def _sc_body(y_hbm, edges_hbm, batch_hbm, consts_hbm,
             out_hbm, ts_hbm,
             row_f, col_t, gbuf, tsl, dloc, tbuf, zbuf, ones_t, batch_t,
             cbuf, finbuf, acc, segacc, cntacc, sem):
    c = lax.axis_index("c")
    s = lax.axis_index("s")
    zero16 = jnp.zeros((LANES,), jnp.float32)
    one16 = jnp.ones((LANES,), jnp.float32)
    izero16 = jnp.zeros((LANES,), jnp.int32)
    dummy16 = jnp.full((LANES,), DUMMY, jnp.int32)
    g16 = jnp.full((LANES,), N_GRAPHS, jnp.int32)

    def _drain_chunks(j, _):
        pltpu.make_async_copy(gbuf.at[pl.ds(j * CHUNK, CHUNK)],
                              acc.at[col_t.at[j]], sem).wait()
        return 0

    ebase = s * EPT
    pltpu.async_copy(edges_hbm.at[pl.ds(ebase, EPT)],
                     row_f.at[pl.ds(0, EPT)], sem)

    def _col_stage(j, _):
        pltpu.async_copy(edges_hbm.at[pl.ds(N_EDGES + ebase + j * CHUNK, CHUNK)],
                         col_t.at[j], sem)
        return 0
    lax.fori_loop(0, NCH - 1, _col_stage, 0)
    pltpu.async_copy(edges_hbm.at[pl.ds(N_EDGES + ebase + (NCH - 1) * CHUNK, EPT - (NCH - 1) * CHUNK)],
                     col_t.at[NCH - 1, pl.ds(0, EPT - (NCH - 1) * CHUNK)], sem)

    @pl.when(s < NT - 1)
    def _():
        def _batch_stage(j, _):
            pltpu.async_copy(batch_hbm.at[pl.ds(s * NSL + j * CHUNK, CHUNK)],
                             batch_t.at[j], sem)
            return 0
        lax.fori_loop(0, NSL // CHUNK, _batch_stage, 0)

    @pl.when(s == NT - 1)
    def _():
        def _batch_stage15(j, _):
            pltpu.async_copy(batch_hbm.at[pl.ds(s * NSL + j * CHUNK, CHUNK)],
                             batch_t.at[j], sem)
            return 0
        lax.fori_loop(0, 3, _batch_stage15, 0)
        pltpu.async_copy(batch_hbm.at[pl.ds(s * NSL + 3 * CHUNK, LANES)],
                         batch_t.at[3, pl.ds(0, LANES)], sem)

    pltpu.sync_copy(consts_hbm, cbuf)

    def _fill_small(i, _):
        zbuf[pl.ds(i * LANES, LANES)] = zero16
        ones_t[pl.ds(i * LANES, LANES)] = one16
        return 0
    lax.fori_loop(0, NSL // LANES, _fill_small, 0)

    def _fill_g(i, _):
        base = i * (8 * LANES)
        for u in range(8):
            gbuf[pl.ds(base + u * LANES, LANES)] = one16
        return 0
    lax.fori_loop(0, EPT_PAD // (8 * LANES), _fill_g, 0)

    pltpu.make_async_copy(edges_hbm.at[pl.ds(ebase, EPT)],
                          row_f.at[pl.ds(0, EPT)], sem).wait()

    def _col_drain(j, _):
        pltpu.make_async_copy(edges_hbm.at[pl.ds(N_EDGES + ebase + j * CHUNK, CHUNK)],
                              col_t.at[j], sem).wait()
        return 0
    lax.fori_loop(0, NCH - 1, _col_drain, 0)
    pltpu.make_async_copy(edges_hbm.at[pl.ds(N_EDGES + ebase + (NCH - 1) * CHUNK, EPT - (NCH - 1) * CHUNK)],
                          col_t.at[NCH - 1, pl.ds(0, EPT - (NCH - 1) * CHUNK)], sem).wait()

    @pl.when(s < NT - 1)
    def _():
        def _batch_drain(j, _):
            pltpu.make_async_copy(batch_hbm.at[pl.ds(s * NSL + j * CHUNK, CHUNK)],
                                  batch_t.at[j], sem).wait()
            return 0
        lax.fori_loop(0, NSL // CHUNK, _batch_drain, 0)

    @pl.when(s == NT - 1)
    def _():
        def _batch_drain15(j, _):
            pltpu.make_async_copy(batch_hbm.at[pl.ds(s * NSL + j * CHUNK, CHUNK)],
                                  batch_t.at[j], sem).wait()
            return 0
        lax.fori_loop(0, 3, _batch_drain15, 0)
        pltpu.make_async_copy(batch_hbm.at[pl.ds(s * NSL + 3 * CHUNK, LANES)],
                              batch_t.at[3, pl.ds(0, LANES)], sem).wait()
        for u in range(1, CHUNK // LANES):
            batch_t[3, pl.ds(u * LANES, LANES)] = g16
        for u in range(CHUNK // LANES):
            batch_t[4, pl.ds(u * LANES, LANES)] = g16

    for u in range((EPT_PAD - EPT) // LANES):
        row_f[pl.ds(EPT + u * LANES, LANES)] = izero16
    tail = EPT - (NCH - 1) * CHUNK
    for u in range((CHUNK - tail) // LANES):
        col_t[NCH - 1, pl.ds(tail + u * LANES, LANES)] = dummy16

    pltpu.sync_copy(zbuf, acc.at[pl.ds(s * NSL, NSL)])

    @pl.when(s == 0)
    def _():
        pltpu.sync_copy(zbuf.at[pl.ds(0, 64)], segacc)
        pltpu.sync_copy(zbuf.at[pl.ds(0, 64)], cntacc)

    plsc.subcore_barrier()

    def _deg(j, _):
        pltpu.async_copy(gbuf.at[pl.ds(j * CHUNK, CHUNK)],
                         acc.at[col_t.at[j]], sem, add=True)
        return 0
    lax.fori_loop(0, NCH, _deg, 0)
    lax.fori_loop(0, NCH, _drain_chunks, 0)
    plsc.subcore_barrier()

    pltpu.sync_copy(acc.at[pl.ds(s * NSL, NSL)], tbuf)

    def _dis(i, _):
        dloc[pl.ds(i * LANES, LANES)] = _rsqrt16(tbuf[pl.ds(i * LANES, LANES)])
        return 0
    lax.fori_loop(0, NSL // LANES, _dis, 0)

    pltpu.sync_copy(y_hbm.at[pl.ds(s * NSL, NSL)], tbuf)

    def _scale0(i, _):
        sl = pl.ds(i * LANES, LANES)
        tbuf[sl] = tbuf[sl] * dloc[sl]
        return 0
    lax.fori_loop(0, NSL // LANES, _scale0, 0)
    pltpu.sync_copy(tbuf, ts_hbm.at[c, pl.ds(s * NSL, NSL)])
    pltpu.sync_copy(zbuf, acc.at[pl.ds(s * NSL, NSL)])
    plsc.subcore_barrier()

    for k in range(4):
        pltpu.sync_copy(ts_hbm.at[c], tsl)

        def _round_chunk(j, _):
            base = j * CHUNK
            for u in range(CHUNK // LANES):
                sl = pl.ds(base + u * LANES, LANES)
                gbuf[sl] = plsc.load_gather(tsl, [row_f[sl]])
            pltpu.async_copy(gbuf.at[pl.ds(base, CHUNK)],
                             acc.at[col_t.at[j]], sem, add=True)
            return 0
        lax.fori_loop(0, NCH, _round_chunk, 0)
        lax.fori_loop(0, NCH, _drain_chunks, 0)
        plsc.subcore_barrier()

        pltpu.sync_copy(acc.at[pl.ds(s * NSL, NSL)], tbuf)
        bk = cbuf[k, pl.ds(0, LANES)]
        if k < 3:
            def _upd(i, _):
                sl = pl.ds(i * LANES, LANES)
                dv = dloc[sl]
                tbuf[sl] = dv * (dv * tbuf[sl] + bk)
                return 0
            lax.fori_loop(0, NSL // LANES, _upd, 0)
            pltpu.sync_copy(tbuf, ts_hbm.at[c, pl.ds(s * NSL, NSL)])
            pltpu.sync_copy(zbuf, acc.at[pl.ds(s * NSL, NSL)])
            plsc.subcore_barrier()
        else:
            def _upd4(i, _):
                sl = pl.ds(i * LANES, LANES)
                tbuf[sl] = dloc[sl] * tbuf[sl] + bk
                return 0
            lax.fori_loop(0, NSL // LANES, _upd4, 0)

    def _seg(j, _):
        pltpu.sync_copy(tbuf.at[pl.ds(j * CHUNK, CHUNK)],
                        segacc.at[batch_t.at[j]], add=True)
        pltpu.sync_copy(ones_t.at[pl.ds(0, CHUNK)],
                        cntacc.at[batch_t.at[j]], add=True)
        return 0
    lax.fori_loop(0, NSL // CHUNK, _seg, 0)
    plsc.subcore_barrier()

    @pl.when(jnp.logical_and(s == 0, c == 0))
    def _():
        pltpu.sync_copy(segacc, finbuf)
        pltpu.sync_copy(cntacc, tbuf.at[pl.ds(0, 64)])
        c0 = tbuf[pl.ds(0, LANES)]
        c1 = tbuf[pl.ds(LANES, LANES)]
        mc = jnp.max(jnp.maximum(c0, c1))
        blv = cbuf[4, pl.ds(0, LANES)]
        finbuf[pl.ds(0, LANES)] = finbuf[pl.ds(0, LANES)] / mc + blv
        finbuf[pl.ds(LANES, LANES)] = finbuf[pl.ds(LANES, LANES)] / mc + blv
        pltpu.sync_copy(finbuf.at[pl.ds(0, N_GRAPHS)], out_hbm)


_sc_propagate = functools.partial(
    pl.kernel,
    out_type=[
        jax.ShapeDtypeStruct((N_GRAPHS,), jnp.float32),
        jax.ShapeDtypeStruct((1, NPAD), jnp.float32),
    ],
    mesh=plsc.VectorSubcoreMesh(core_axis_name="c", subcore_axis_name="s", num_cores=1),
    compiler_params=pltpu.CompilerParams(needs_layout_passes=False),
    scratch_types=[
        pltpu.VMEM((EPT_PAD,), jnp.int32),
        pltpu.VMEM((NCH, CHUNK), jnp.int32),
        pltpu.VMEM((EPT_PAD,), jnp.float32),
        pltpu.VMEM((NPAD,), jnp.float32),
        pltpu.VMEM((NSL,), jnp.float32),
        pltpu.VMEM((NSL,), jnp.float32),
        pltpu.VMEM((NSL,), jnp.float32),
        pltpu.VMEM((NSL,), jnp.float32),
        pltpu.VMEM((NSL // CHUNK, CHUNK), jnp.int32),
        pltpu.VMEM((8, CHUNK), jnp.float32),
        pltpu.VMEM((64,), jnp.float32),
        pltpu.VMEM_SHARED((NPAD,), jnp.float32),
        pltpu.VMEM_SHARED((64,), jnp.float32),
        pltpu.VMEM_SHARED((64,), jnp.float32),
        pltpu.SemaphoreType.DMA,
    ],
)(_sc_body)


def kernel(x, edge_index, batch, W1, b1, W2, b2, W3, b3, W4, b4, Wl, bl):
    y, consts = _tc_collapse(
        x, W1, W2, W3, W4, Wl,
        b1.reshape(1, -1), b2.reshape(1, -1), b3.reshape(1, -1),
        b4.reshape(1, -1), bl.reshape(1, 1))
    y_pad = jnp.pad(y[:, 0], (0, NPAD - N_NODES))
    out, _ = _sc_propagate(y_pad, edge_index.reshape(2 * N_EDGES), batch,
                           consts)
    return out.reshape(N_GRAPHS, 1)

# --- scband reference (transcript-rebuilt; emitter-appended) ---
"""Pipeline reference for scband-gcnregression-50139448213625 (READ-ONLY COPY).

The authoritative reference and input builder live on the scoring server;
editing this copy changes nothing except your own understanding.
"""

import jax, jax.numpy as jnp
import numpy as np

N_NODES = 10000
N_EDGES = 320000
D_IN = 128
HID = 64
D_OUT = 64
N_GRAPHS = 32


def gcn_layer(x, edge_index, W, b):
    # x: [N, d_in], edge_index: [2, E] (row=source, col=target)
    h = x @ W
    row = edge_index[0]
    col = edge_index[1]
    N = x.shape[0]
    deg = jnp.zeros((N,), h.dtype).at[col].add(1.0)
    deg_inv_sqrt = jnp.where(deg > 0, deg ** -0.5, 0.0)
    norm = deg_inv_sqrt[row] * deg_inv_sqrt[col]
    msg = norm[:, None] * h[row]
    out = jnp.zeros((N, W.shape[1]), h.dtype).at[col].add(msg)
    return out + b


def setup_inputs(seed: int = 0) -> dict:
    key = jax.random.key(seed)
    ks = jax.random.split(key, 16)
    x = jax.random.normal(ks[0], (N_NODES, D_IN), dtype=jnp.float32)
    edge_index = jax.random.randint(ks[1], (2, N_EDGES), 0, N_NODES)
    batch = jnp.sort(jax.random.randint(ks[2], (N_NODES,), 0, N_GRAPHS))
    def lin(k, fi, fo):
        return jax.random.normal(k, (fi, fo), dtype=jnp.float32) / np.sqrt(fi)
    return {
        "x": x,
        "edge_index": edge_index,
        "batch": batch,
        "W1": lin(ks[3], D_IN, HID), "b1": jnp.zeros((HID,), jnp.float32),
        "W2": lin(ks[4], HID, HID), "b2": jnp.zeros((HID,), jnp.float32),
        "W3": lin(ks[5], HID, HID), "b3": jnp.zeros((HID,), jnp.float32),
        "W4": lin(ks[6], HID, D_OUT), "b4": jnp.zeros((D_OUT,), jnp.float32),
        "Wl": lin(ks[7], D_OUT, 1),
        "bl": jnp.zeros((1,), jnp.float32),
    }


def reference(x, edge_index, batch, W1, b1, W2, b2, W3, b3, W4, b4, Wl, bl):
    h = gcn_layer(x, edge_index, W1, b1)
    h = gcn_layer(h, edge_index, W2, b2)
    h = gcn_layer(h, edge_index, W3, b3)
    h = gcn_layer(h, edge_index, W4, b4)
    # to_dense_batch(...).mean(dim=1): sum per graph divided by max nodes/graph (zero-padded mean)
    sums = jax.ops.segment_sum(h, batch, num_segments=N_GRAPHS)
    counts = jnp.zeros((N_GRAPHS,), h.dtype).at[batch].add(1.0)
    max_count = jnp.max(counts)
    x_new = sums / max_count
    out = x_new @ Wl + bl
    return out

if __name__ == "__main__":
    import jax
    _d = setup_inputs()
    print(jax.jit(kernel)(*tuple(_d.values())))

</pallas_src>

<mosaic_0001>
#map = affine_map<(d0, d1) -> (0)>
#map1 = affine_map<(d0, d1) -> (0, 0)>
module attributes {stable_mosaic.version = 14 : i64} {
  func.func @_sc_body(%arg0: i32, %arg1: i32, %arg2: memref<10240xf32, #tpu.memory_space<hbm>>, %arg3: memref<640000xi32, #tpu.memory_space<hbm>>, %arg4: memref<10000xi32, #tpu.memory_space<hbm>>, %arg5: memref<8x128xf32, #tpu.memory_space<hbm>>, %arg6: memref<32xf32, #tpu.memory_space<hbm>>, %arg7: memref<1x10240xf32, #tpu.memory_space<hbm>>, %arg8: memref<20096xi32, #tpu.memory_space<vmem>>, %arg9: memref<157x128xi32, #tpu.memory_space<vmem>>, %arg10: memref<20096xf32, #tpu.memory_space<vmem>>, %arg11: memref<10240xf32, #tpu.memory_space<vmem>>, %arg12: memref<640xf32, #tpu.memory_space<vmem>>, %arg13: memref<640xf32, #tpu.memory_space<vmem>>, %arg14: memref<640xf32, #tpu.memory_space<vmem>>, %arg15: memref<640xf32, #tpu.memory_space<vmem>>, %arg16: memref<5x128xi32, #tpu.memory_space<vmem>>, %arg17: memref<8x128xf32, #tpu.memory_space<vmem>>, %arg18: memref<64xf32, #tpu.memory_space<vmem>>, %arg19: memref<10240xf32, #tpu.memory_space<vmem_shared>>, %arg20: memref<64xf32, #tpu.memory_space<vmem_shared>>, %arg21: memref<64xf32, #tpu.memory_space<vmem_shared>>, %arg22: memref<!tpu.dma_semaphore, #tpu.memory_space<semaphore_mem>>) attributes {dimension_semantics = [#tpu.dimension_semantics<core_parallel>, #tpu.dimension_semantics<subcore_parallel>], iteration_bounds = array<i64: 1, 16>, scalar_prefetch = 0 : i64, scratch_operands = 15 : i64, tpu.core_type = #tpu.core_type<sc_vector_subcore>, window_params = [{transform_indices = #map}, {transform_indices = #map}, {transform_indices = #map}, {transform_indices = #map1}, {transform_indices = #map}, {transform_indices = #map1}]} {
    %broadcast_in_dim3A = arith.constant 0.000000e+00 : f32
    %broadcast_in_dim3A_0 = vector.broadcast %broadcast_in_dim3A : f32 to vector<16xf32>
    %broadcast_in_dim3A_1 = arith.constant 1.000000e+00 : f32
    %broadcast_in_dim3A_2 = vector.broadcast %broadcast_in_dim3A_1 : f32 to vector<16xf32>
    %broadcast_in_dim3A_3 = arith.constant 0 : i32
    %broadcast_in_dim3A_4 = vector.broadcast %broadcast_in_dim3A_3 : i32 to vector<16xi32>
    %broadcast_in_dim3A_5 = arith.constant 10016 : i32
    %broadcast_in_dim3A_6 = vector.broadcast %broadcast_in_dim3A_5 : i32 to vector<16xi32>
    %broadcast_in_dim3A_7 = arith.constant 32 : i32
    %broadcast_in_dim3A_8 = vector.broadcast %broadcast_in_dim3A_7 : i32 to vector<16xi32>
    %mul3A = arith.constant 20000 : i32
    %mul3A_9 = arith.muli %arg1, %mul3A : i32
    %dma_start3A = arith.constant 0 : i32
    %dma_start3A_10 = tpu.memref_slice %arg8[%dma_start3A] : memref<20096xi32, #tpu.memory_space<vmem>> -> memref<20000xi32, #tpu.memory_space<vmem>>
    %dma_start3A_11 = tpu.memref_slice %arg3[%mul3A_9] : memref<640000xi32, #tpu.memory_space<hbm>> -> memref<20000xi32, #tpu.memory_space<hbm>>
    %dma_start3A_12 = arith.constant 0 : i32
    %dma_start3A_13 = tpu.memref_slice %arg8[%dma_start3A_12] : memref<20096xi32, #tpu.memory_space<vmem>> -> memref<20000xi32, #tpu.memory_space<vmem>>
    %dma_start3A_14 = tpu.memref_slice %arg3[%mul3A_9] : memref<640000xi32, #tpu.memory_space<hbm>> -> memref<20000xi32, #tpu.memory_space<hbm>>
    tpu.enqueue_dma source(%dma_start3A_14 : memref<20000xi32, #tpu.memory_space<hbm>>) target(%dma_start3A_13 : memref<20000xi32, #tpu.memory_space<vmem>>) target_semaphore(%arg22 : memref<!tpu.dma_semaphore, #tpu.memory_space<semaphore_mem>>)
    %scan3A = arith.constant 0 : i32
    %scan3A_15 = arith.constant 0 : i32
    %scan3A_16 = arith.constant 156 : i32
    %scan3A_17 = arith.addi %scan3A_15, %scan3A_16 : i32
    %scan3A_18 = arith.constant 1 : i32
    %scan3A_19 = scf.for %scan3A_309 = %scan3A_15 to %scan3A_17 step %scan3A_18 iter_args(%scan3A_310 = %scan3A) -> (i32)  : i32 {
      %add3A_311 = arith.constant 320000 : i32
      %add3A_312 = arith.addi %add3A_311, %mul3A_9 : i32
      %mul3A_313 = arith.constant 128 : i32
      %mul3A_314 = arith.muli %scan3A_309, %mul3A_313 : i32
      %add3A_315 = arith.addi %add3A_312, %mul3A_314 : i32
      %dma_start3A_316 = arith.constant 0 : i32
      %dma_start3A_317 = tpu.memref_slice %arg9[%scan3A_309, %dma_start3A_316] : memref<157x128xi32, #tpu.memory_space<vmem>> -> memref<1x128xi32, #tpu.memory_space<vmem>>
      %dma_start3A_318 = tpu.memref_squeeze %dma_start3A_317 : memref<1x128xi32, #tpu.memory_space<vmem>> -> memref<128xi32, #tpu.memory_space<vmem>>
      %dma_start3A_319 = tpu.memref_slice %arg3[%add3A_315] : memref<640000xi32, #tpu.memory_space<hbm>> -> memref<128xi32, #tpu.memory_space<hbm>>
      %dma_start3A_320 = arith.constant 0 : i32
      %dma_start3A_321 = tpu.memref_slice %arg9[%scan3A_309, %dma_start3A_320] : memref<157x128xi32, #tpu.memory_space<vmem>> -> memref<1x128xi32, #tpu.memory_space<vmem>>
      %dma_start3A_322 = tpu.memref_squeeze %dma_start3A_321 : memref<1x128xi32, #tpu.memory_space<vmem>> -> memref<128xi32, #tpu.memory_space<vmem>>
      %dma_start3A_323 = tpu.memref_slice %arg3[%add3A_315] : memref<640000xi32, #tpu.memory_space<hbm>> -> memref<128xi32, #tpu.memory_space<hbm>>
      tpu.enqueue_dma source(%dma_start3A_323 : memref<128xi32, #tpu.memory_space<hbm>>) target(%dma_start3A_322 : memref<128xi32, #tpu.memory_space<vmem>>) target_semaphore(%arg22 : memref<!tpu.dma_semaphore, #tpu.memory_space<semaphore_mem>>)
      %scan3A_324 = arith.constant 0 : i32
      scf.yield %scan3A_324 : i32
    }
    %scan3A_20 = arith.constant 156 : i32
    %add3A = arith.constant 320000 : i32
    %add3A_21 = arith.addi %add3A, %mul3A_9 : i32
    %add3A_22 = arith.constant 19968 : i32
    %add3A_23 = arith.addi %add3A_21, %add3A_22 : i32
    %dma_start3A_24 = arith.constant 156 : i32
    %dma_start3A_25 = arith.constant 0 : i32
    %dma_start3A_26 = tpu.memref_slice %arg9[%dma_start3A_24, %dma_start3A_25] : memref<157x128xi32, #tpu.memory_space<vmem>> -> memref<1x32xi32, #tpu.memory_space<vmem>>
    %dma_start3A_27 = tpu.memref_squeeze %dma_start3A_26 : memref<1x32xi32, #tpu.memory_space<vmem>> -> memref<32xi32, #tpu.memory_space<vmem>>
    %dma_start3A_28 = tpu.memref_slice %arg3[%add3A_23] : memref<640000xi32, #tpu.memory_space<hbm>> -> memref<32xi32, #tpu.memory_space<hbm>>
    %dma_start3A_29 = arith.constant 0 : i32
    %dma_start3A_30 = tpu.memref_slice %arg9[%dma_start3A_24, %dma_start3A_29] : memref<157x128xi32, #tpu.memory_space<vmem>> -> memref<1x32xi32, #tpu.memory_space<vmem>>
    %dma_start3A_31 = tpu.memref_squeeze %dma_start3A_30 : memref<1x32xi32, #tpu.memory_space<vmem>> -> memref<32xi32, #tpu.memory_space<vmem>>
    %dma_start3A_32 = tpu.memref_slice %arg3[%add3A_23] : memref<640000xi32, #tpu.memory_space<hbm>> -> memref<32xi32, #tpu.memory_space<hbm>>
    tpu.enqueue_dma source(%dma_start3A_32 : memref<32xi32, #tpu.memory_space<hbm>>) target(%dma_start3A_31 : memref<32xi32, #tpu.memory_space<vmem>>) target_semaphore(%arg22 : memref<!tpu.dma_semaphore, #tpu.memory_space<semaphore_mem>>)
    %lt3A = arith.constant 15 : i32
    %lt3A_33 = arith.cmpi slt, %arg1, %lt3A : i32
    %convert_element_type3A = arith.extui %lt3A_33 : i1 to i32
    %cond3A = arith.constant 0 : i32
    %cond3A_34 = arith.cmpi ne, %convert_element_type3A, %cond3A : i32
    scf.if %cond3A_34 {
      %scan3A_309 = arith.constant 0 : i32
      %scan3A_310 = arith.constant 0 : i32
      %scan3A_311 = arith.constant 5 : i32
      %scan3A_312 = arith.addi %scan3A_310, %scan3A_311 : i32
      %scan3A_313 = arith.constant 1 : i32
      %scan3A_314 = scf.for %scan3A_316 = %scan3A_310 to %scan3A_312 step %scan3A_313 iter_args(%scan3A_317 = %scan3A_309) -> (i32)  : i32 {
        %mul3A_318 = arith.constant 640 : i32
        %mul3A_319 = arith.muli %arg1, %mul3A_318 : i32
        %mul3A_320 = arith.constant 128 : i32
        %mul3A_321 = arith.muli %scan3A_316, %mul3A_320 : i32
        %add3A_322 = arith.addi %mul3A_319, %mul3A_321 : i32
        %dma_start3A_323 = arith.constant 0 : i32
        %dma_start3A_324 = tpu.memref_slice %arg16[%scan3A_316, %dma_start3A_323] : memref<5x128xi32, #tpu.memory_space<vmem>> -> memref<1x128xi32, #tpu.memory_space<vmem>>
        %dma_start3A_325 = tpu.memref_squeeze %dma_start3A_324 : memref<1x128xi32, #tpu.memory_space<vmem>> -> memref<128xi32, #tpu.memory_space<vmem>>
        %dma_start3A_326 = tpu.memref_slice %arg4[%add3A_322] : memref<10000xi32, #tpu.memory_space<hbm>> -> memref<128xi32, #tpu.memory_space<hbm>>
        %dma_start3A_327 = arith.constant 0 : i32
        %dma_start3A_328 = tpu.memref_slice %arg16[%scan3A_316, %dma_start3A_327] : memref<5x128xi32, #tpu.memory_space<vmem>> -> memref<1x128xi32, #tpu.memory_space<vmem>>
        %dma_start3A_329 = tpu.memref_squeeze %dma_start3A_328 : memref<1x128xi32, #tpu.memory_space<vmem>> -> memref<128xi32, #tpu.memory_space<vmem>>
        %dma_start3A_330 = tpu.memref_slice %arg4[%add3A_322] : memref<10000xi32, #tpu.memory_space<hbm>> -> memref<128xi32, #tpu.memory_space<hbm>>
        tpu.enqueue_dma source(%dma_start3A_330 : memref<128xi32, #tpu.memory_space<hbm>>) target(%dma_start3A_329 : memref<128xi32, #tpu.memory_space<vmem>>) target_semaphore(%arg22 : memref<!tpu.dma_semaphore, #tpu.memory_space<semaphore_mem>>)
        %scan3A_331 = arith.constant 0 : i32
        scf.yield %scan3A_331 : i32
      }
      %scan3A_315 = arith.constant 5 : i32
    } else {
    }
    %eq3A = arith.constant 15 : i32
    %eq3A_35 = arith.cmpi eq, %arg1, %eq3A : i32
    %convert_element_type3A_36 = arith.extui %eq3A_35 : i1 to i32
    %cond3A_37 = arith.constant 0 : i32
    %cond3A_38 = arith.cmpi ne, %convert_element_type3A_36, %cond3A_37 : i32
    scf.if %cond3A_38 {
      %scan3A_309 = arith.constant 0 : i32
      %scan3A_310 = arith.constant 0 : i32
      %scan3A_311 = arith.constant 3 : i32
      %scan3A_312 = arith.addi %scan3A_310, %scan3A_311 : i32
      %scan3A_313 = arith.constant 1 : i32
      %scan3A_314 = scf.for %scan3A_329 = %scan3A_310 to %scan3A_312 step %scan3A_313 iter_args(%scan3A_330 = %scan3A_309) -> (i32)  : i32 {
        %mul3A_331 = arith.constant 640 : i32
        %mul3A_332 = arith.muli %arg1, %mul3A_331 : i32
        %mul3A_333 = arith.constant 128 : i32
        %mul3A_334 = arith.muli %scan3A_329, %mul3A_333 : i32
        %add3A_335 = arith.addi %mul3A_332, %mul3A_334 : i32
        %dma_start3A_336 = arith.constant 0 : i32
        %dma_start3A_337 = tpu.memref_slice %arg16[%scan3A_329, %dma_start3A_336] : memref<5x128xi32, #tpu.memory_space<vmem>> -> memref<1x128xi32, #tpu.memory_space<vmem>>
        %dma_start3A_338 = tpu.memref_squeeze %dma_start3A_337 : memref<1x128xi32, #tpu.memory_space<vmem>> -> memref<128xi32, #tpu.memory_space<vmem>>
        %dma_start3A_339 = tpu.memref_slice %arg4[%add3A_335] : memref<10000xi32, #tpu.memory_space<hbm>> -> memref<128xi32, #tpu.memory_space<hbm>>
        %dma_start3A_340 = arith.constant 0 : i32
        %dma_start3A_341 = tpu.memref_slice %arg16[%scan3A_329, %dma_start3A_340] : memref<5x128xi32, #tpu.memory_space<vmem>> -> memref<1x128xi32, #tpu.memory_space<vmem>>
        %dma_start3A_342 = tpu.memref_squeeze %dma_start3A_341 : memref<1x128xi32, #tpu.memory_space<vmem>> -> memref<128xi32, #tpu.memory_space<vmem>>
        %dma_start3A_343 = tpu.memref_slice %arg4[%add3A_335] : memref<10000xi32, #tpu.memory_space<hbm>> -> memref<128xi32, #tpu.memory_space<hbm>>
        tpu.enqueue_dma source(%dma_start3A_343 : memref<128xi32, #tpu.memory_space<hbm>>) target(%dma_start3A_342 : memref<128xi32, #tpu.memory_space<vmem>>) target_semaphore(%arg22 : memref<!tpu.dma_semaphore, #tpu.memory_space<semaphore_mem>>)
        %scan3A_344 = arith.constant 0 : i32
        scf.yield %scan3A_344 : i32
      }
      %scan3A_315 = arith.constant 3 : i32
      %mul3A_316 = arith.constant 640 : i32
      %mul3A_317 = arith.muli %arg1, %mul3A_316 : i32
      %add3A_318 = arith.constant 384 : i32
      %add3A_319 = arith.addi %mul3A_317, %add3A_318 : i32
      %dma_start3A_320 = arith.constant 3 : i32
      %dma_start3A_321 = arith.constant 0 : i32
      %dma_start3A_322 = tpu.memref_slice %arg16[%dma_start3A_320, %dma_start3A_321] : memref<5x128xi32, #tpu.memory_space<vmem>> -> memref<1x16xi32, #tpu.memory_space<vmem>>
      %dma_start3A_323 = tpu.memref_squeeze %dma_start3A_322 : memref<1x16xi32, #tpu.memory_space<vmem>> -> memref<16xi32, #tpu.memory_space<vmem>>
      %dma_start3A_324 = tpu.memref_slice %arg4[%add3A_319] : memref<10000xi32, #tpu.memory_space<hbm>> -> memref<16xi32, #tpu.memory_space<hbm>>
      %dma_start3A_325 = arith.constant 0 : i32
      %dma_start3A_326 = tpu.memref_slice %arg16[%dma_start3A_320, %dma_start3A_325] : memref<5x128xi32, #tpu.memory_space<vmem>> -> memref<1x16xi32, #tpu.memory_space<vmem>>
      %dma_start3A_327 = tpu.memref_squeeze %dma_start3A_326 : memref<1x16xi32, #tpu.memory_space<vmem>> -> memref<16xi32, #tpu.memory_space<vmem>>
      %dma_start3A_328 = tpu.memref_slice %arg4[%add3A_319] : memref<10000xi32, #tpu.memory_space<hbm>> -> memref<16xi32, #tpu.memory_space<hbm>>
      tpu.enqueue_dma source(%dma_start3A_328 : memref<16xi32, #tpu.memory_space<hbm>>) target(%dma_start3A_327 : memref<16xi32, #tpu.memory_space<vmem>>) target_semaphore(%arg22 : memref<!tpu.dma_semaphore, #tpu.memory_space<semaphore_mem>>)
    } else {
    }
    "tpu.region"() ({
      %run_scoped3A = tpu.sem_alloc : memref<!tpu.dma_semaphore, #tpu.memory_space<semaphore_mem>>
      tpu.enqueue_dma source(%arg5 : memref<8x128xf32, #tpu.memory_space<hbm>>) target(%arg17 : memref<8x128xf32, #tpu.memory_space<vmem>>) target_semaphore(%run_scoped3A : memref<!tpu.dma_semaphore, #tpu.memory_space<semaphore_mem>>)
      tpu.wait_dma2 semaphore(%run_scoped3A : memref<!tpu.dma_semaphore, #tpu.memory_space<semaphore_mem>>) src(%arg5 : memref<8x128xf32, #tpu.memory_space<hbm>>) dst(%arg17 : memref<8x128xf32, #tpu.memory_space<vmem>>)
      tpu.yield
    }) : () -> ()
    %scan3A_39 = arith.constant 0 : i32
    %scan3A_40 = arith.constant 0 : i32
    %scan3A_41 = arith.constant 40 : i32
    %scan3A_42 = arith.addi %scan3A_40, %scan3A_41 : i32
    %scan3A_43 = arith.constant 1 : i32
    %scan3A_44 = scf.for %scan3A_309 = %scan3A_40 to %scan3A_42 step %scan3A_43 iter_args(%scan3A_310 = %scan3A_39) -> (i32)  : i32 {
      %mul3A_311 = arith.constant 16 : i32
      %mul3A_312 = arith.muli %scan3A_309, %mul3A_311 : i32
      %swap3A_313 = arith.index_cast %mul3A_312 : i32 to index
      %swap3A_314 = tpu.vector_load %arg14[%swap3A_313] {strides = array<i32>} : memref<640xf32, #tpu.memory_space<vmem>>, vector<16xf32>,
      tpu.vector_store %arg14[%swap3A_313], %broadcast_in_dim3A_0 {strides = array<i32>} : memref<640xf32, #tpu.memory_space<vmem>>, vector<16xf32>,
      %mul3A_315 = arith.constant 16 : i32
      %mul3A_316 = arith.muli %scan3A_309, %mul3A_315 : i32
      %swap3A_317 = arith.index_cast %mul3A_316 : i32 to index
      %swap3A_318 = tpu.vector_load %arg15[%swap3A_317] {strides = array<i32>} : memref<640xf32, #tpu.memory_space<vmem>>, vector<16xf32>,
      tpu.vector_store %arg15[%swap3A_317], %broadcast_in_dim3A_2 {strides = array<i32>} : memref<640xf32, #tpu.memory_space<vmem>>, vector<16xf32>,
      %scan3A_319 = arith.constant 0 : i32
      scf.yield %scan3A_319 : i32
    }
    %scan3A_45 = arith.constant 40 : i32
    %scan3A_46 = arith.constant 0 : i32
    %scan3A_47 = arith.constant 0 : i32
    %scan3A_48 = arith.constant 157 : i32
    %scan3A_49 = arith.addi %scan3A_47, %scan3A_48 : i32
    %scan3A_50 = arith.constant 1 : i32
    %scan3A_51 = scf.for %scan3A_309 = %scan3A_47 to %scan3A_49 step %scan3A_50 iter_args(%scan3A_310 = %scan3A_46) -> (i32)  : i32 {
      %mul3A_311 = arith.constant 128 : i32
      %mul3A_312 = arith.muli %scan3A_309, %mul3A_311 : i32
      %add3A_313 = arith.constant 0 : i32
      %add3A_314 = arith.addi %mul3A_312, %add3A_313 : i32
      %swap3A_315 = arith.index_cast %add3A_314 : i32 to index
      %swap3A_316 = tpu.vector_load %arg10[%swap3A_315] {strides = array<i32>} : memref<20096xf32, #tpu.memory_space<vmem>>, vector<16xf32>,
      tpu.vector_store %arg10[%swap3A_315], %broadcast_in_dim3A_2 {strides = array<i32>} : memref<20096xf32, #tpu.memory_space<vmem>>, vector<16xf32>,
      %add3A_317 = arith.constant 16 : i32
      %add3A_318 = arith.addi %mul3A_312, %add3A_317 : i32
      %swap3A_319 = arith.index_cast %add3A_318 : i32 to index
      %swap3A_320 = tpu.vector_load %arg10[%swap3A_319] {strides = array<i32>} : memref<20096xf32, #tpu.memory_space<vmem>>, vector<16xf32>,
      tpu.vector_store %arg10[%swap3A_319], %broadcast_in_dim3A_2 {strides = array<i32>} : memref<20096xf32, #tpu.memory_space<vmem>>, vector<16xf32>,
      %add3A_321 = arith.constant 32 : i32
      %add3A_322 = arith.addi %mul3A_312, %add3A_321 : i32
      %swap3A_323 = arith.index_cast %add3A_322 : i32 to index
      %swap3A_324 = tpu.vector_load %arg10[%swap3A_323] {strides = array<i32>} : memref<20096xf32, #tpu.memory_space<vmem>>, vector<16xf32>,
      tpu.vector_store %arg10[%swap3A_323], %broadcast_in_dim3A_2 {strides = array<i32>} : memref<20096xf32, #tpu.memory_space<vmem>>, vector<16xf32>,
      %add3A_325 = arith.constant 48 : i32
      %add3A_326 = arith.addi %mul3A_312, %add3A_325 : i32
      %swap3A_327 = arith.index_cast %add3A_326 : i32 to index
      %swap3A_328 = tpu.vector_load %arg10[%swap3A_327] {strides = array<i32>} : memref<20096xf32, #tpu.memory_space<vmem>>, vector<16xf32>,
      tpu.vector_store %arg10[%swap3A_327], %broadcast_in_dim3A_2 {strides = array<i32>} : memref<20096xf32, #tpu.memory_space<vmem>>, vector<16xf32>,
      %add3A_329 = arith.constant 64 : i32
      %add3A_330 = arith.addi %mul3A_312, %add3A_329 : i32
      %swap3A_331 = arith.index_cast %add3A_330 : i32 to index
      %swap3A_332 = tpu.vector_load %arg10[%swap3A_331] {strides = array<i32>} : memref<20096xf32, #tpu.memory_space<vmem>>, vector<16xf32>,
      tpu.vector_store %arg10[%swap3A_331], %broadcast_in_dim3A_2 {strides = array<i32>} : memref<20096xf32, #tpu.memory_space<vmem>>, vector<16xf32>,
      %add3A_333 = arith.constant 80 : i32
      %add3A_334 = arith.addi %mul3A_312, %add3A_333 : i32
      %swap3A_335 = arith.index_cast %add3A_334 : i32 to index
      %swap3A_336 = tpu.vector_load %arg10[%swap3A_335] {strides = array<i32>} : memref<20096xf32, #tpu.memory_space<vmem>>, vector<16xf32>,
      tpu.vector_store %arg10[%swap3A_335], %broadcast_in_dim3A_2 {strides = array<i32>} : memref<20096xf32, #tpu.memory_space<vmem>>, vector<16xf32>,
      %add3A_337 = arith.constant 96 : i32
      %add3A_338 = arith.addi %mul3A_312, %add3A_337 : i32
      %swap3A_339 = arith.index_cast %add3A_338 : i32 to index
      %swap3A_340 = tpu.vector_load %arg10[%swap3A_339] {strides = array<i32>} : memref<20096xf32, #tpu.memory_space<vmem>>, vector<16xf32>,
      tpu.vector_store %arg10[%swap3A_339], %broadcast_in_dim3A_2 {strides = array<i32>} : memref<20096xf32, #tpu.memory_space<vmem>>, vector<16xf32>,
      %add3A_341 = arith.constant 112 : i32
      %add3A_342 = arith.addi %mul3A_312, %add3A_341 : i32
      %swap3A_343 = arith.index_cast %add3A_342 : i32 to index
      %swap3A_344 = tpu.vector_load %arg10[%swap3A_343] {strides = array<i32>} : memref<20096xf32, #tpu.memory_space<vmem>>, vector<16xf32>,
      tpu.vector_store %arg10[%swap3A_343], %broadcast_in_dim3A_2 {strides = array<i32>} : memref<20096xf32, #tpu.memory_space<vmem>>, vector<16xf32>,
      %scan3A_345 = arith.constant 0 : i32
      scf.yield %scan3A_345 : i32
    }
    %scan3A_52 = arith.constant 157 : i32
    %dma_wait3A = arith.constant 0 : i32
    %dma_wait3A_53 = tpu.memref_slice %arg8[%dma_wait3A] : memref<20096xi32, #tpu.memory_space<vmem>> -> memref<20000xi32, #tpu.memory_space<vmem>>
    %dma_wait3A_54 = tpu.memref_slice %arg3[%mul3A_9] : memref<640000xi32, #tpu.memory_space<hbm>> -> memref<20000xi32, #tpu.memory_space<hbm>>
    %dma_wait3A_55 = arith.constant 0 : i32
    %dma_wait3A_56 = tpu.memref_slice %arg8[%dma_wait3A_55] : memref<20096xi32, #tpu.memory_space<vmem>> -> memref<20000xi32, #tpu.memory_space<vmem>>
    %dma_wait3A_57 = tpu.memref_slice %arg3[%mul3A_9] : memref<640000xi32, #tpu.memory_space<hbm>> -> memref<20000xi32, #tpu.memory_space<hbm>>
    tpu.wait_dma2 semaphore(%arg22 : memref<!tpu.dma_semaphore, #tpu.memory_space<semaphore_mem>>) src(%dma_wait3A_57 : memref<20000xi32, #tpu.memory_space<hbm>>) dst(%dma_wait3A_56 : memref<20000xi32, #tpu.memory_space<vmem>>)
    %scan3A_58 = arith.constant 0 : i32
    %scan3A_59 = arith.constant 0 : i32
    %scan3A_60 = arith.constant 156 : i32
    %scan3A_61 = arith.addi %scan3A_59, %scan3A_60 : i32
    %scan3A_62 = arith.constant 1 : i32
    %scan3A_63 = scf.for %scan3A_309 = %scan3A_59 to %scan3A_61 step %scan3A_62 iter_args(%scan3A_310 = %scan3A_58) -> (i32)  : i32 {
      %add3A_311 = arith.constant 320000 : i32
      %add3A_312 = arith.addi %add3A_311, %mul3A_9 : i32
      %mul3A_313 = arith.constant 128 : i32
      %mul3A_314 = arith.muli %scan3A_309, %mul3A_313 : i32
      %add3A_315 = arith.addi %add3A_312, %mul3A_314 : i32
      %dma_wait3A_316 = arith.constant 0 : i32
      %dma_wait3A_317 = tpu.memref_slice %arg9[%scan3A_309, %dma_wait3A_316] : memref<157x128xi32, #tpu.memory_space<vmem>> -> memref<1x128xi32, #tpu.memory_space<vmem>>
      %dma_wait3A_318 = tpu.memref_squeeze %dma_wait3A_317 : memref<1x128xi32, #tpu.memory_space<vmem>> -> memref<128xi32, #tpu.memory_space<vmem>>
      %dma_wait3A_319 = tpu.memref_slice %arg3[%add3A_315] : memref<640000xi32, #tpu.memory_space<hbm>> -> memref<128xi32, #tpu.memory_space<hbm>>
      %dma_wait3A_320 = arith.constant 0 : i32
      %dma_wait3A_321 = tpu.memref_slice %arg9[%scan3A_309, %dma_wait3A_320] : memref<157x128xi32, #tpu.memory_space<vmem>> -> memref<1x128xi32, #tpu.memory_space<vmem>>
      %dma_wait3A_322 = tpu.memref_squeeze %dma_wait3A_321 : memref<1x128xi32, #tpu.memory_space<vmem>> -> memref<128xi32, #tpu.memory_space<vmem>>
      %dma_wait3A_323 = tpu.memref_slice %arg3[%add3A_315] : memref<640000xi32, #tpu.memory_space<hbm>> -> memref<128xi32, #tpu.memory_space<hbm>>
      tpu.wait_dma2 semaphore(%arg22 : memref<!tpu.dma_semaphore, #tpu.memory_space<semaphore_mem>>) src(%dma_wait3A_323 : memref<128xi32, #tpu.memory_space<hbm>>) dst(%dma_wait3A_322 : memref<128xi32, #tpu.memory_space<vmem>>)
      %scan3A_324 = arith.constant 0 : i32
      scf.yield %scan3A_324 : i32
    }
    %scan3A_64 = arith.constant 156 : i32
    %add3A_65 = arith.constant 320000 : i32
    %add3A_66 = arith.addi %add3A_65, %mul3A_9 : i32
    %add3A_67 = arith.constant 19968 : i32
    %add3A_68 = arith.addi %add3A_66, %add3A_67 : i32
    %dma_wait3A_69 = arith.constant 156 : i32
    %dma_wait3A_70 = arith.constant 0 : i32
    %dma_wait3A_71 = tpu.memref_slice %arg9[%dma_wait3A_69, %dma_wait3A_70] : memref<157x128xi32, #tpu.memory_space<vmem>> -> memref<1x32xi32, #tpu.memory_space<vmem>>
    %dma_wait3A_72 = tpu.memref_squeeze %dma_wait3A_71 : memref<1x32xi32, #tpu.memory_space<vmem>> -> memref<32xi32, #tpu.memory_space<vmem>>
    %dma_wait3A_73 = tpu.memref_slice %arg3[%add3A_68] : memref<640000xi32, #tpu.memory_space<hbm>> -> memref<32xi32, #tpu.memory_space<hbm>>
    %dma_wait3A_74 = arith.constant 0 : i32
    %dma_wait3A_75 = tpu.memref_slice %arg9[%dma_wait3A_69, %dma_wait3A_74] : memref<157x128xi32, #tpu.memory_space<vmem>> -> memref<1x32xi32, #tpu.memory_space<vmem>>
    %dma_wait3A_76 = tpu.memref_squeeze %dma_wait3A_75 : memref<1x32xi32, #tpu.memory_space<vmem>> -> memref<32xi32, #tpu.memory_space<vmem>>
    %dma_wait3A_77 = tpu.memref_slice %arg3[%add3A_68] : memref<640000xi32, #tpu.memory_space<hbm>> -> memref<32xi32, #tpu.memory_space<hbm>>
    tpu.wait_dma2 semaphore(%arg22 : memref<!tpu.dma_semaphore, #tpu.memory_space<semaphore_mem>>) src(%dma_wait3A_77 : memref<32xi32, #tpu.memory_space<hbm>>) dst(%dma_wait3A_76 : memref<32xi32, #tpu.memory_space<vmem>>)
    %lt3A_78 = arith.constant 15 : i32
    %lt3A_79 = arith.cmpi slt, %arg1, %lt3A_78 : i32
    %convert_element_type3A_80 = arith.extui %lt3A_79 : i1 to i32
    %cond3A_81 = arith.constant 0 : i32
    %cond3A_82 = arith.cmpi ne, %convert_element_type3A_80, %cond3A_81 : i32
    scf.if %cond3A_82 {
      %scan3A_309 = arith.constant 0 : i32
      %scan3A_310 = arith.constant 0 : i32
      %scan3A_311 = arith.constant 5 : i32
      %scan3A_312 = arith.addi %scan3A_310, %scan3A_311 : i32
      %scan3A_313 = arith.constant 1 : i32
      %scan3A_314 = scf.for %scan3A_316 = %scan3A_310 to %scan3A_312 step %scan3A_313 iter_args(%scan3A_317 = %scan3A_309) -> (i32)  : i32 {
        %mul3A_318 = arith.constant 640 : i32
        %mul3A_319 = arith.muli %arg1, %mul3A_318 : i32
        %mul3A_320 = arith.constant 128 : i32
        %mul3A_321 = arith.muli %scan3A_316, %mul3A_320 : i32
        %add3A_322 = arith.addi %mul3A_319, %mul3A_321 : i32
        %dma_wait3A_323 = arith.constant 0 : i32
        %dma_wait3A_324 = tpu.memref_slice %arg16[%scan3A_316, %dma_wait3A_323] : memref<5x128xi32, #tpu.memory_space<vmem>> -> memref<1x128xi32, #tpu.memory_space<vmem>>
        %dma_wait3A_325 = tpu.memref_squeeze %dma_wait3A_324 : memref<1x128xi32, #tpu.memory_space<vmem>> -> memref<128xi32, #tpu.memory_space<vmem>>
        %dma_wait3A_326 = tpu.memref_slice %arg4[%add3A_322] : memref<10000xi32, #tpu.memory_space<hbm>> -> memref<128xi32, #tpu.memory_space<hbm>>
        %dma_wait3A_327 = arith.constant 0 : i32
        %dma_wait3A_328 = tpu.memref_slice %arg16[%scan3A_316, %dma_wait3A_327] : memref<5x128xi32, #tpu.memory_space<vmem>> -> memref<1x128xi32, #tpu.memory_space<vmem>>
        %dma_wait3A_329 = tpu.memref_squeeze %dma_wait3A_328 : memref<1x128xi32, #tpu.memory_space<vmem>> -> memref<128xi32, #tpu.memory_space<vmem>>
        %dma_wait3A_330 = tpu.memref_slice %arg4[%add3A_322] : memref<10000xi32, #tpu.memory_space<hbm>> -> memref<128xi32, #tpu.memory_space<hbm>>
        tpu.wait_dma2 semaphore(%arg22 : memref<!tpu.dma_semaphore, #tpu.memory_space<semaphore_mem>>) src(%dma_wait3A_330 : memref<128xi32, #tpu.memory_space<hbm>>) dst(%dma_wait3A_329 : memref<128xi32, #tpu.memory_space<vmem>>)
        %scan3A_331 = arith.constant 0 : i32
        scf.yield %scan3A_331 : i32
      }
      %scan3A_315 = arith.constant 5 : i32
    } else {
    }
    %eq3A_83 = arith.constant 15 : i32
    %eq3A_84 = arith.cmpi eq, %arg1, %eq3A_83 : i32
    %convert_element_type3A_85 = arith.extui %eq3A_84 : i1 to i32
    %cond3A_86 = arith.constant 0 : i32
    %cond3A_87 = arith.cmpi ne, %convert_element_type3A_85, %cond3A_86 : i32
    scf.if %cond3A_87 {
      %scan3A_309 = arith.constant 0 : i32
      %scan3A_310 = arith.constant 0 : i32
      %scan3A_311 = arith.constant 3 : i32
      %scan3A_312 = arith.addi %scan3A_310, %scan3A_311 : i32
      %scan3A_313 = arith.constant 1 : i32
      %scan3A_314 = scf.for %scan3A_389 = %scan3A_310 to %scan3A_312 step %scan3A_313 iter_args(%scan3A_390 = %scan3A_309) -> (i32)  : i32 {
        %mul3A_391 = arith.constant 640 : i32
        %mul3A_392 = arith.muli %arg1, %mul3A_391 : i32
        %mul3A_393 = arith.constant 128 : i32
        %mul3A_394 = arith.muli %scan3A_389, %mul3A_393 : i32
        %add3A_395 = arith.addi %mul3A_392, %mul3A_394 : i32
        %dma_wait3A_396 = arith.constant 0 : i32
        %dma_wait3A_397 = tpu.memref_slice %arg16[%scan3A_389, %dma_wait3A_396] : memref<5x128xi32, #tpu.memory_space<vmem>> -> memref<1x128xi32, #tpu.memory_space<vmem>>
        %dma_wait3A_398 = tpu.memref_squeeze %dma_wait3A_397 : memref<1x128xi32, #tpu.memory_space<vmem>> -> memref<128xi32, #tpu.memory_space<vmem>>
        %dma_wait3A_399 = tpu.memref_slice %arg4[%add3A_395] : memref<10000xi32, #tpu.memory_space<hbm>> -> memref<128xi32, #tpu.memory_space<hbm>>
        %dma_wait3A_400 = arith.constant 0 : i32
        %dma_wait3A_401 = tpu.memref_slice %arg16[%scan3A_389, %dma_wait3A_400] : memref<5x128xi32, #tpu.memory_space<vmem>> -> memref<1x128xi32, #tpu.memory_space<vmem>>
        %dma_wait3A_402 = tpu.memref_squeeze %dma_wait3A_401 : memref<1x128xi32, #tpu.memory_space<vmem>> -> memref<128xi32, #tpu.memory_space<vmem>>
        %dma_wait3A_403 = tpu.memref_slice %arg4[%add3A_395] : memref<10000xi32, #tpu.memory_space<hbm>> -> memref<128xi32, #tpu.memory_space<hbm>>
        tpu.wait_dma2 semaphore(%arg22 : memref<!tpu.dma_semaphore, #tpu.memory_space<semaphore_mem>>) src(%dma_wait3A_403 : memref<128xi32, #tpu.memory_space<hbm>>) dst(%dma_wait3A_402 : memref<128xi32, #tpu.memory_space<vmem>>)
        %scan3A_404 = arith.constant 0 : i32
        scf.yield %scan3A_404 : i32
      }
      %scan3A_315 = arith.constant 3 : i32
      %mul3A_316 = arith.constant 640 : i32
      %mul3A_317 = arith.muli %arg1, %mul3A_316 : i32
      %add3A_318 = arith.constant 384 : i32
      %add3A_319 = arith.addi %mul3A_317, %add3A_318 : i32
      %dma_wait3A_320 = arith.constant 3 : i32
      %dma_wait3A_321 = arith.constant 0 : i32
      %dma_wait3A_322 = tpu.memref_slice %arg16[%dma_wait3A_320, %dma_wait3A_321] : memref<5x128xi32, #tpu.memory_space<vmem>> -> memref<1x16xi32, #tpu.memory_space<vmem>>
      %dma_wait3A_323 = tpu.memref_squeeze %dma_wait3A_322 : memref<1x16xi32, #tpu.memory_space<vmem>> -> memref<16xi32, #tpu.memory_space<vmem>>
      %dma_wait3A_324 = tpu.memref_slice %arg4[%add3A_319] : memref<10000xi32, #tpu.memory_space<hbm>> -> memref<16xi32, #tpu.memory_space<hbm>>
      %dma_wait3A_325 = arith.constant 0 : i32
      %dma_wait3A_326 = tpu.memref_slice %arg16[%dma_wait3A_320, %dma_wait3A_325] : memref<5x128xi32, #tpu.memory_space<vmem>> -> memref<1x16xi32, #tpu.memory_space<vmem>>
      %dma_wait3A_327 = tpu.memref_squeeze %dma_wait3A_326 : memref<1x16xi32, #tpu.memory_space<vmem>> -> memref<16xi32, #tpu.memory_space<vmem>>
      %dma_wait3A_328 = tpu.memref_slice %arg4[%add3A_319] : memref<10000xi32, #tpu.memory_space<hbm>> -> memref<16xi32, #tpu.memory_space<hbm>>
      tpu.wait_dma2 semaphore(%arg22 : memref<!tpu.dma_semaphore, #tpu.memory_space<semaphore_mem>>) src(%dma_wait3A_328 : memref<16xi32, #tpu.memory_space<hbm>>) dst(%dma_wait3A_327 : memref<16xi32, #tpu.memory_space<vmem>>)
      %swap3A_329 = arith.constant 3 : i32
      %swap3A_330 = arith.index_cast %swap3A_329 : i32 to index
      %swap3A_331 = arith.constant 16 : index
      %swap3A_332 = tpu.vector_load %arg16[%swap3A_330, %swap3A_331] {strides = array<i32>} : memref<5x128xi32, #tpu.memory_space<vmem>>, vector<16xi32>,
      tpu.vector_store %arg16[%swap3A_330, %swap3A_331], %broadcast_in_dim3A_8 {strides = array<i32>} : memref<5x128xi32, #tpu.memory_space<vmem>>, vector<16xi32>,
      %swap3A_333 = arith.constant 3 : i32
      %swap3A_334 = arith.index_cast %swap3A_333 : i32 to index
      %swap3A_335 = arith.constant 32 : index
      %swap3A_336 = tpu.vector_load %arg16[%swap3A_334, %swap3A_335] {strides = array<i32>} : memref<5x128xi32, #tpu.memory_space<vmem>>, vector<16xi32>,
      tpu.vector_store %arg16[%swap3A_334, %swap3A_335], %broadcast_in_dim3A_8 {strides = array<i32>} : memref<5x128xi32, #tpu.memory_space<vmem>>, vector<16xi32>,
      %swap3A_337 = arith.constant 3 : i32
      %swap3A_338 = arith.index_cast %swap3A_337 : i32 to index
      %swap3A_339 = arith.constant 48 : index
      %swap3A_340 = tpu.vector_load %arg16[%swap3A_338, %swap3A_339] {strides = array<i32>} : memref<5x128xi32, #tpu.memory_space<vmem>>, vector<16xi32>,
      tpu.vector_store %arg16[%swap3A_338, %swap3A_339], %broadcast_in_dim3A_8 {strides = array<i32>} : memref<5x128xi32, #tpu.memory_space<vmem>>, vector<16xi32>,
      %swap3A_341 = arith.constant 3 : i32
      %swap3A_342 = arith.index_cast %swap3A_341 : i32 to index
      %swap3A_343 = arith.constant 64 : index
      %swap3A_344 = tpu.vector_load %arg16[%swap3A_342, %swap3A_343] {strides = array<i32>} : memref<5x128xi32, #tpu.memory_space<vmem>>, vector<16xi32>,
      tpu.vector_store %arg16[%swap3A_342, %swap3A_343], %broadcast_in_dim3A_8 {strides = array<i32>} : memref<5x128xi32, #tpu.memory_space<vmem>>, vector<16xi32>,
      %swap3A_345 = arith.constant 3 : i32
      %swap3A_346 = arith.index_cast %swap3A_345 : i32 to index
      %swap3A_347 = arith.constant 80 : index
      %swap3A_348 = tpu.vector_load %arg16[%swap3A_346, %swap3A_347] {strides = array<i32>} : memref<5x128xi32, #tpu.memory_space<vmem>>, vector<16xi32>,
      tpu.vector_store %arg16[%swap3A_346, %swap3A_347], %broadcast_in_dim3A_8 {strides = array<i32>} : memref<5x128xi32, #tpu.memory_space<vmem>>, vector<16xi32>,
      %swap3A_349 = arith.constant 3 : i32
      %swap3A_350 = arith.index_cast %swap3A_349 : i32 to index
      %swap3A_351 = arith.constant 96 : index
      %swap3A_352 = tpu.vector_load %arg16[%swap3A_350, %swap3A_351] {strides = array<i32>} : memref<5x128xi32, #tpu.memory_space<vmem>>, vector<16xi32>,
      tpu.vector_store %arg16[%swap3A_350, %swap3A_351], %broadcast_in_dim3A_8 {strides = array<i32>} : memref<5x128xi32, #tpu.memory_space<vmem>>, vector<16xi32>,
      %swap3A_353 = arith.constant 3 : i32
      %swap3A_354 = arith.index_cast %swap3A_353 : i32 to index
      %swap3A_355 = arith.constant 112 : index
      %swap3A_356 = tpu.vector_load %arg16[%swap3A_354, %swap3A_355] {strides = array<i32>} : memref<5x128xi32, #tpu.memory_space<vmem>>, vector<16xi32>,
      tpu.vector_store %arg16[%swap3A_354, %swap3A_355], %broadcast_in_dim3A_8 {strides = array<i32>} : memref<5x128xi32, #tpu.memory_space<vmem>>, vector<16xi32>,
      %swap3A_357 = arith.constant 4 : i32
      %swap3A_358 = arith.index_cast %swap3A_357 : i32 to index
      %swap3A_359 = arith.constant 0 : index
      %swap3A_360 = tpu.vector_load %arg16[%swap3A_358, %swap3A_359] {strides = array<i32>} : memref<5x128xi32, #tpu.memory_space<vmem>>, vector<16xi32>,
      tpu.vector_store %arg16[%swap3A_358, %swap3A_359], %broadcast_in_dim3A_8 {strides = array<i32>} : memref<5x128xi32, #tpu.memory_space<vmem>>, vector<16xi32>,
      %swap3A_361 = arith.constant 4 : i32
      %swap3A_362 = arith.index_cast %swap3A_361 : i32 to index
      %swap3A_363 = arith.constant 16 : index
      %swap3A_364 = tpu.vector_load %arg16[%swap3A_362, %swap3A_363] {strides = array<i32>} : memref<5x128xi32, #tpu.memory_space<vmem>>, vector<16xi32>,
      tpu.vector_store %arg16[%swap3A_362, %swap3A_363], %broadcast_in_dim3A_8 {strides = array<i32>} : memref<5x128xi32, #tpu.memory_space<vmem>>, vector<16xi32>,
      %swap3A_365 = arith.constant 4 : i32
      %swap3A_366 = arith.index_cast %swap3A_365 : i32 to index
      %swap3A_367 = arith.constant 32 : index
      %swap3A_368 = tpu.vector_load %arg16[%swap3A_366, %swap3A_367] {strides = array<i32>} : memref<5x128xi32, #tpu.memory_space<vmem>>, vector<16xi32>,
      tpu.vector_store %arg16[%swap3A_366, %swap3A_367], %broadcast_in_dim3A_8 {strides = array<i32>} : memref<5x128xi32, #tpu.memory_space<vmem>>, vector<16xi32>,
      %swap3A_369 = arith.constant 4 : i32
      %swap3A_370 = arith.index_cast %swap3A_369 : i32 to index
      %swap3A_371 = arith.constant 48 : index
      %swap3A_372 = tpu.vector_load %arg16[%swap3A_370, %swap3A_371] {strides = array<i32>} : memref<5x128xi32, #tpu.memory_space<vmem>>, vector<16xi32>,
      tpu.vector_store %arg16[%swap3A_370, %swap3A_371], %broadcast_in_dim3A_8 {strides = array<i32>} : memref<5x128xi32, #tpu.memory_space<vmem>>, vector<16xi32>,
      %swap3A_373 = arith.constant 4 : i32
      %swap3A_374 = arith.index_cast %swap3A_373 : i32 to index
      %swap3A_375 = arith.constant 64 : index
      %swap3A_376 = tpu.vector_load %arg16[%swap3A_374, %swap3A_375] {strides = array<i32>} : memref<5x128xi32, #tpu.memory_space<vmem>>, vector<16xi32>,
      tpu.vector_store %arg16[%swap3A_374, %swap3A_375], %broadcast_in_dim3A_8 {strides = array<i32>} : memref<5x128xi32, #tpu.memory_space<vmem>>, vector<16xi32>,
      %swap3A_377 = arith.constant 4 : i32
      %swap3A_378 = arith.index_cast %swap3A_377 : i32 to index
      %swap3A_379 = arith.constant 80 : index
      %swap3A_380 = tpu.vector_load %arg16[%swap3A_378, %swap3A_379] {strides = array<i32>} : memref<5x128xi32, #tpu.memory_space<vmem>>, vector<16xi32>,
      tpu.vector_store %arg16[%swap3A_378, %swap3A_379], %broadcast_in_dim3A_8 {strides = array<i32>} : memref<5x128xi32, #tpu.memory_space<vmem>>, vector<16xi32>,
      %swap3A_381 = arith.constant 4 : i32
      %swap3A_382 = arith.index_cast %swap3A_381 : i32 to index
      %swap3A_383 = arith.constant 96 : index
      %swap3A_384 = tpu.vector_load %arg16[%swap3A_382, %swap3A_383] {strides = array<i32>} : memref<5x128xi32, #tpu.memory_space<vmem>>, vector<16xi32>,
      tpu.vector_store %arg16[%swap3A_382, %swap3A_383], %broadcast_in_dim3A_8 {strides = array<i32>} : memref<5x128xi32, #tpu.memory_space<vmem>>, vector<16xi32>,
      %swap3A_385 = arith.constant 4 : i32
      %swap3A_386 = arith.index_cast %swap3A_385 : i32 to index
      %swap3A_387 = arith.constant 112 : index
      %swap3A_388 = tpu.vector_load %arg16[%swap3A_386, %swap3A_387] {strides = array<i32>} : memref<5x128xi32, #tpu.memory_space<vmem>>, vector<16xi32>,
      tpu.vector_store %arg16[%swap3A_386, %swap3A_387], %broadcast_in_dim3A_8 {strides = array<i32>} : memref<5x128xi32, #tpu.memory_space<vmem>>, vector<16xi32>,
    } else {
    }
    %swap3A = arith.constant 20000 : index
    %swap3A_88 = tpu.vector_load %arg8[%swap3A] {strides = array<i32>} : memref<20096xi32, #tpu.memory_space<vmem>>, vector<16xi32>,
    tpu.vector_store %arg8[%swap3A], %broadcast_in_dim3A_4 {strides = array<i32>} : memref<20096xi32, #tpu.memory_space<vmem>>, vector<16xi32>,
    %swap3A_89 = arith.constant 20016 : index
    %swap3A_90 = tpu.vector_load %arg8[%swap3A_89] {strides = array<i32>} : memref<20096xi32, #tpu.memory_space<vmem>>, vector<16xi32>,
    tpu.vector_store %arg8[%swap3A_89], %broadcast_in_dim3A_4 {strides = array<i32>} : memref<20096xi32, #tpu.memory_space<vmem>>, vector<16xi32>,
    %swap3A_91 = arith.constant 20032 : index
    %swap3A_92 = tpu.vector_load %arg8[%swap3A_91] {strides = array<i32>} : memref<20096xi32, #tpu.memory_space<vmem>>, vector<16xi32>,
    tpu.vector_store %arg8[%swap3A_91], %broadcast_in_dim3A_4 {strides = array<i32>} : memref<20096xi32, #tpu.memory_space<vmem>>, vector<16xi32>,
    %swap3A_93 = arith.constant 20048 : index
    %swap3A_94 = tpu.vector_load %arg8[%swap3A_93] {strides = array<i32>} : memref<20096xi32, #tpu.memory_space<vmem>>, vector<16xi32>,
    tpu.vector_store %arg8[%swap3A_93], %broadcast_in_dim3A_4 {strides = array<i32>} : memref<20096xi32, #tpu.memory_space<vmem>>, vector<16xi32>,
    %swap3A_95 = arith.constant 20064 : index
    %swap3A_96 = tpu.vector_load %arg8[%swap3A_95] {strides = array<i32>} : memref<20096xi32, #tpu.memory_space<vmem>>, vector<16xi32>,
    tpu.vector_store %arg8[%swap3A_95], %broadcast_in_dim3A_4 {strides = array<i32>} : memref<20096xi32, #tpu.memory_space<vmem>>, vector<16xi32>,
    %swap3A_97 = arith.constant 20080 : index
    %swap3A_98 = tpu.vector_load %arg8[%swap3A_97] {strides = array<i32>} : memref<20096xi32, #tpu.memory_space<vmem>>, vector<16xi32>,
    tpu.vector_store %arg8[%swap3A_97], %broadcast_in_dim3A_4 {strides = array<i32>} : memref<20096xi32, #tpu.memory_space<vmem>>, vector<16xi32>,
    %swap3A_99 = arith.constant 156 : i32
    %swap3A_100 = arith.index_cast %swap3A_99 : i32 to index
    %swap3A_101 = arith.constant 32 : index
    %swap3A_102 = tpu.vector_load %arg9[%swap3A_100, %swap3A_101] {strides = array<i32>} : memref<157x128xi32, #tpu.memory_space<vmem>>, vector<16xi32>,
    tpu.vector_store %arg9[%swap3A_100, %swap3A_101], %broadcast_in_dim3A_6 {strides = array<i32>} : memref<157x128xi32, #tpu.memory_space<vmem>>, vector<16xi32>,
    %swap3A_103 = arith.constant 156 : i32
    %swap3A_104 = arith.index_cast %swap3A_103 : i32 to index
    %swap3A_105 = arith.constant 48 : index
    %swap3A_106 = tpu.vector_load %arg9[%swap3A_104, %swap3A_105] {strides = array<i32>} : memref<157x128xi32, #tpu.memory_space<vmem>>, vector<16xi32>,
    tpu.vector_store %arg9[%swap3A_104, %swap3A_105], %broadcast_in_dim3A_6 {strides = array<i32>} : memref<157x128xi32, #tpu.memory_space<vmem>>, vector<16xi32>,
    %swap3A_107 = arith.constant 156 : i32
    %swap3A_108 = arith.index_cast %swap3A_107 : i32 to index
    %swap3A_109 = arith.constant 64 : index
    %swap3A_110 = tpu.vector_load %arg9[%swap3A_108, %swap3A_109] {strides = array<i32>} : memref<157x128xi32, #tpu.memory_space<vmem>>, vector<16xi32>,
    tpu.vector_store %arg9[%swap3A_108, %swap3A_109], %broadcast_in_dim3A_6 {strides = array<i32>} : memref<157x128xi32, #tpu.memory_space<vmem>>, vector<16xi32>,
    %swap3A_111 = arith.constant 156 : i32
    %swap3A_112 = arith.index_cast %swap3A_111 : i32 to index
    %swap3A_113 = arith.constant 80 : index
    %swap3A_114 = tpu.vector_load %arg9[%swap3A_112, %swap3A_113] {strides = array<i32>} : memref<157x128xi32, #tpu.memory_space<vmem>>, vector<16xi32>,
    tpu.vector_store %arg9[%swap3A_112, %swap3A_113], %broadcast_in_dim3A_6 {strides = array<i32>} : memref<157x128xi32, #tpu.memory_space<vmem>>, vector<16xi32>,
    %swap3A_115 = arith.constant 156 : i32
    %swap3A_116 = arith.index_cast %swap3A_115 : i32 to index
    %swap3A_117 = arith.constant 96 : index
    %swap3A_118 = tpu.vector_load %arg9[%swap3A_116, %swap3A_117] {strides = array<i32>} : memref<157x128xi32, #tpu.memory_space<vmem>>, vector<16xi32>,
    tpu.vector_store %arg9[%swap3A_116, %swap3A_117], %broadcast_in_dim3A_6 {strides = array<i32>} : memref<157x128xi32, #tpu.memory_space<vmem>>, vector<16xi32>,
    %swap3A_119 = arith.constant 156 : i32
    %swap3A_120 = arith.index_cast %swap3A_119 : i32 to index
    %swap3A_121 = arith.constant 112 : index
    %swap3A_122 = tpu.vector_load %arg9[%swap3A_120, %swap3A_121] {strides = array<i32>} : memref<157x128xi32, #tpu.memory_space<vmem>>, vector<16xi32>,
    tpu.vector_store %arg9[%swap3A_120, %swap3A_121], %broadcast_in_dim3A_6 {strides = array<i32>} : memref<157x128xi32, #tpu.memory_space<vmem>>, vector<16xi32>,
    %mul3A_123 = arith.constant 640 : i32
    %mul3A_124 = arith.muli %arg1, %mul3A_123 : i32
    "tpu.region"() ({
      %run_scoped3A = tpu.sem_alloc : memref<!tpu.dma_semaphore, #tpu.memory_space<semaphore_mem>>
      %dma_start3A_309 = tpu.memref_slice %arg19[%mul3A_124] : memref<10240xf32, #tpu.memory_space<vmem_shared>> -> memref<640xf32, #tpu.memory_space<vmem_shared>>
      %dma_start3A_310 = tpu.memref_slice %arg19[%mul3A_124] : memref<10240xf32, #tpu.memory_space<vmem_shared>> -> memref<640xf32, #tpu.memory_space<vmem_shared>>
      tpu.enqueue_dma source(%arg14 : memref<640xf32, #tpu.memory_space<vmem>>) target(%dma_start3A_310 : memref<640xf32, #tpu.memory_space<vmem_shared>>) target_semaphore(%run_scoped3A : memref<!tpu.dma_semaphore, #tpu.memory_space<semaphore_mem>>)
      %dma_wait3A_311 = tpu.memref_slice %arg19[%mul3A_124] : memref<10240xf32, #tpu.memory_space<vmem_shared>> -> memref<640xf32, #tpu.memory_space<vmem_shared>>
      %dma_wait3A_312 = tpu.memref_slice %arg19[%mul3A_124] : memref<10240xf32, #tpu.memory_space<vmem_shared>> -> memref<640xf32, #tpu.memory_space<vmem_shared>>
      tpu.wait_dma2 semaphore(%run_scoped3A : memref<!tpu.dma_semaphore, #tpu.memory_space<semaphore_mem>>) src(%arg14 : memref<640xf32, #tpu.memory_space<vmem>>) dst(%dma_wait3A_312 : memref<640xf32, #tpu.memory_space<vmem_shared>>)
      tpu.yield
    }) : () -> ()
    %eq3A_125 = arith.constant 0 : i32
    %eq3A_126 = arith.cmpi eq, %arg1, %eq3A_125 : i32
    %convert_element_type3A_127 = arith.extui %eq3A_126 : i1 to i32
    %cond3A_128 = arith.constant 0 : i32
    %cond3A_129 = arith.cmpi ne, %convert_element_type3A_127, %cond3A_128 : i32
    scf.if %cond3A_129 {
      "tpu.region"() ({
        %run_scoped3A = tpu.sem_alloc : memref<!tpu.dma_semaphore, #tpu.memory_space<semaphore_mem>>
        %dma_start3A_309 = arith.constant 0 : i32
        %dma_start3A_310 = tpu.memref_slice %arg14[%dma_start3A_309] : memref<640xf32, #tpu.memory_space<vmem>> -> memref<64xf32, #tpu.memory_space<vmem>>
        %dma_start3A_311 = arith.constant 0 : i32
        %dma_start3A_312 = tpu.memref_slice %arg14[%dma_start3A_311] : memref<640xf32, #tpu.memory_space<vmem>> -> memref<64xf32, #tpu.memory_space<vmem>>
        tpu.enqueue_dma source(%dma_start3A_312 : memref<64xf32, #tpu.memory_space<vmem>>) target(%arg20 : memref<64xf32, #tpu.memory_space<vmem_shared>>) target_semaphore(%run_scoped3A : memref<!tpu.dma_semaphore, #tpu.memory_space<semaphore_mem>>)
        %dma_wait3A_313 = arith.constant 0 : i32
        %dma_wait3A_314 = tpu.memref_slice %arg14[%dma_wait3A_313] : memref<640xf32, #tpu.memory_space<vmem>> -> memref<64xf32, #tpu.memory_space<vmem>>
        %dma_wait3A_315 = arith.constant 0 : i32
        %dma_wait3A_316 = tpu.memref_slice %arg14[%dma_wait3A_315] : memref<640xf32, #tpu.memory_space<vmem>> -> memref<64xf32, #tpu.memory_space<vmem>>
        tpu.wait_dma2 semaphore(%run_scoped3A : memref<!tpu.dma_semaphore, #tpu.memory_space<semaphore_mem>>) src(%dma_wait3A_316 : memref<64xf32, #tpu.memory_space<vmem>>) dst(%arg20 : memref<64xf32, #tpu.memory_space<vmem_shared>>)
        tpu.yield
      }) : () -> ()
      "tpu.region"() ({
        %run_scoped3A = tpu.sem_alloc : memref<!tpu.dma_semaphore, #tpu.memory_space<semaphore_mem>>
        %dma_start3A_309 = arith.constant 0 : i32
        %dma_start3A_310 = tpu.memref_slice %arg14[%dma_start3A_309] : memref<640xf32, #tpu.memory_space<vmem>> -> memref<64xf32, #tpu.memory_space<vmem>>
        %dma_start3A_311 = arith.constant 0 : i32
        %dma_start3A_312 = tpu.memref_slice %arg14[%dma_start3A_311] : memref<640xf32, #tpu.memory_space<vmem>> -> memref<64xf32, #tpu.memory_space<vmem>>
        tpu.enqueue_dma source(%dma_start3A_312 : memref<64xf32, #tpu.memory_space<vmem>>) target(%arg21 : memref<64xf32, #tpu.memory_space<vmem_shared>>) target_semaphore(%run_scoped3A : memref<!tpu.dma_semaphore, #tpu.memory_space<semaphore_mem>>)
        %dma_wait3A_313 = arith.constant 0 : i32
        %dma_wait3A_314 = tpu.memref_slice %arg14[%dma_wait3A_313] : memref<640xf32, #tpu.memory_space<vmem>> -> memref<64xf32, #tpu.memory_space<vmem>>
        %dma_wait3A_315 = arith.constant 0 : i32
        %dma_wait3A_316 = tpu.memref_slice %arg14[%dma_wait3A_315] : memref<640xf32, #tpu.memory_space<vmem>> -> memref<64xf32, #tpu.memory_space<vmem>>
        tpu.wait_dma2 semaphore(%run_scoped3A : memref<!tpu.dma_semaphore, #tpu.memory_space<semaphore_mem>>) src(%dma_wait3A_316 : memref<64xf32, #tpu.memory_space<vmem>>) dst(%arg21 : memref<64xf32, #tpu.memory_space<vmem_shared>>)
        tpu.yield
      }) : () -> ()
    } else {
    }
    %barrier3A = arith.constant 0 : index
    tpu.barrier barrier_id(%barrier3A)
    %scan3A_130 = arith.constant 0 : i32
    %scan3A_131 = arith.constant 0 : i32
    %scan3A_132 = arith.constant 157 : i32
    %scan3A_133 = arith.addi %scan3A_131, %scan3A_132 : i32
    %scan3A_134 = arith.constant 1 : i32
    %scan3A_135 = scf.for %scan3A_309 = %scan3A_131 to %scan3A_133 step %scan3A_134 iter_args(%scan3A_310 = %scan3A_130) -> (i32)  : i32 {
      %mul3A_311 = arith.constant 128 : i32
      %mul3A_312 = arith.muli %scan3A_309, %mul3A_311 : i32
      %dma_start3A_313 = tpu.memref_slice %arg10[%mul3A_312] : memref<20096xf32, #tpu.memory_space<vmem>> -> memref<128xf32, #tpu.memory_space<vmem>>
      %dma_start3A_314 = arith.constant 0 : i32
      %dma_start3A_315 = tpu.memref_slice %arg9[%scan3A_309, %dma_start3A_314] : memref<157x128xi32, #tpu.memory_space<vmem>> -> memref<1x128xi32, #tpu.memory_space<vmem>>
      %dma_start3A_316 = tpu.memref_squeeze %dma_start3A_315 : memref<1x128xi32, #tpu.memory_space<vmem>> -> memref<128xi32, #tpu.memory_space<vmem>>
      %dma_start3A_317 = arith.constant 0 : i32
      %dma_start3A_318 = tpu.memref_slice %arg19[%dma_start3A_317] : memref<10240xf32, #tpu.memory_space<vmem_shared>> -> memref<10240xf32, #tpu.memory_space<vmem_shared>>
      tpu.enqueue_indirect_dma source(%dma_start3A_313 : memref<128xf32, #tpu.memory_space<vmem>>) target(%dma_start3A_318 : memref<10240xf32, #tpu.memory_space<vmem_shared>>) offsets(%dma_start3A_316 : memref<128xi32, #tpu.memory_space<vmem>>) semaphore(%arg22 : memref<!tpu.dma_semaphore, #tpu.memory_space<semaphore_mem>>) {add = true}
      %scan3A_319 = arith.constant 0 : i32
      scf.yield %scan3A_319 : i32
    }
    %scan3A_136 = arith.constant 157 : i32
    %scan3A_137 = arith.constant 0 : i32
    %scan3A_138 = arith.constant 0 : i32
    %scan3A_139 = arith.constant 157 : i32
    %scan3A_140 = arith.addi %scan3A_138, %scan3A_139 : i32
    %scan3A_141 = arith.constant 1 : i32
    %scan3A_142 = scf.for %scan3A_309 = %scan3A_138 to %scan3A_140 step %scan3A_141 iter_args(%scan3A_310 = %scan3A_137) -> (i32)  : i32 {
      %mul3A_311 = arith.constant 128 : i32
      %mul3A_312 = arith.muli %scan3A_309, %mul3A_311 : i32
      %dma_wait3A_313 = tpu.memref_slice %arg10[%mul3A_312] : memref<20096xf32, #tpu.memory_space<vmem>> -> memref<128xf32, #tpu.memory_space<vmem>>
      %dma_wait3A_314 = arith.constant 0 : i32
      %dma_wait3A_315 = tpu.memref_slice %arg9[%scan3A_309, %dma_wait3A_314] : memref<157x128xi32, #tpu.memory_space<vmem>> -> memref<1x128xi32, #tpu.memory_space<vmem>>
      %dma_wait3A_316 = tpu.memref_squeeze %dma_wait3A_315 : memref<1x128xi32, #tpu.memory_space<vmem>> -> memref<128xi32, #tpu.memory_space<vmem>>
      %dma_wait3A_317 = arith.constant 0 : i32
      %dma_wait3A_318 = tpu.memref_slice %arg19[%dma_wait3A_317] : memref<10240xf32, #tpu.memory_space<vmem_shared>> -> memref<10240xf32, #tpu.memory_space<vmem_shared>>
      tpu.wait_indirect_dma semaphore(%arg22 : memref<!tpu.dma_semaphore, #tpu.memory_space<semaphore_mem>>) src(%dma_wait3A_313 : memref<128xf32, #tpu.memory_space<vmem>>) dst(%dma_wait3A_318 : memref<10240xf32, #tpu.memory_space<vmem_shared>>)
      %scan3A_319 = arith.constant 0 : i32
      scf.yield %scan3A_319 : i32
    }
    %scan3A_143 = arith.constant 157 : i32
    %barrier3A_144 = arith.constant 0 : index
    tpu.barrier barrier_id(%barrier3A_144)
    %mul3A_145 = arith.constant 640 : i32
    %mul3A_146 = arith.muli %arg1, %mul3A_145 : i32
    "tpu.region"() ({
      %run_scoped3A = tpu.sem_alloc : memref<!tpu.dma_semaphore, #tpu.memory_space<semaphore_mem>>
      %dma_start3A_309 = tpu.memref_slice %arg19[%mul3A_146] : memref<10240xf32, #tpu.memory_space<vmem_shared>> -> memref<640xf32, #tpu.memory_space<vmem_shared>>
      %dma_start3A_310 = tpu.memref_slice %arg19[%mul3A_146] : memref<10240xf32, #tpu.memory_space<vmem_shared>> -> memref<640xf32, #tpu.memory_space<vmem_shared>>
      tpu.enqueue_dma source(%dma_start3A_310 : memref<640xf32, #tpu.memory_space<vmem_shared>>) target(%arg13 : memref<640xf32, #tpu.memory_space<vmem>>) target_semaphore(%run_scoped3A : memref<!tpu.dma_semaphore, #tpu.memory_space<semaphore_mem>>)
      %dma_wait3A_311 = tpu.memref_slice %arg19[%mul3A_146] : memref<10240xf32, #tpu.memory_space<vmem_shared>> -> memref<640xf32, #tpu.memory_space<vmem_shared>>
      %dma_wait3A_312 = tpu.memref_slice %arg19[%mul3A_146] : memref<10240xf32, #tpu.memory_space<vmem_shared>> -> memref<640xf32, #tpu.memory_space<vmem_shared>>
      tpu.wait_dma2 semaphore(%run_scoped3A : memref<!tpu.dma_semaphore, #tpu.memory_space<semaphore_mem>>) src(%dma_wait3A_312 : memref<640xf32, #tpu.memory_space<vmem_shared>>) dst(%arg13 : memref<640xf32, #tpu.memory_space<vmem>>)
      tpu.yield
    }) : () -> ()
    %scan3A_147 = arith.constant 0 : i32
    %scan3A_148 = arith.constant 0 : i32
    %scan3A_149 = arith.constant 40 : i32
    %scan3A_150 = arith.addi %scan3A_148, %scan3A_149 : i32
    %scan3A_151 = arith.constant 1 : i32
    %scan3A_152 = scf.for %scan3A_309 = %scan3A_148 to %scan3A_150 step %scan3A_151 iter_args(%scan3A_310 = %scan3A_147) -> (i32)  : i32 {
      %mul3A_311 = arith.constant 16 : i32
      %mul3A_312 = arith.muli %scan3A_309, %mul3A_311 : i32
      %get3A_313 = arith.index_cast %mul3A_312 : i32 to index
      %get3A_314 = tpu.vector_load %arg13[%get3A_313] {strides = array<i32>} : memref<640xf32, #tpu.memory_space<vmem>>, vector<16xf32>,
      %max3A = arith.constant 1.000000e+00 : f32
      %max3A_315 = vector.broadcast %max3A : f32 to vector<16xf32>
      %max3A_316 = arith.maximumf %get3A_314, %max3A_315 : vector<16xf32>
      %bitcast3A = vector.bitcast %max3A_316 : vector<16xf32> to vector<16xi32>
      %shift_right_logical3A = arith.constant 1 : i32
      %shift_right_logical3A_317 = vector.broadcast %shift_right_logical3A : i32 to vector<16xi32>
      %shift_right_logical3A_318 = arith.shrui %bitcast3A, %shift_right_logical3A_317 : vector<16xi32>
      %sub3A = arith.constant 1597463007 : i32
      %sub3A_319 = vector.broadcast %sub3A : i32 to vector<16xi32>
      %sub3A_320 = arith.subi %sub3A_319, %shift_right_logical3A_318 : vector<16xi32>
      %bitcast3A_321 = vector.bitcast %sub3A_320 : vector<16xi32> to vector<16xf32>
      %mul3A_322 = arith.constant 5.000000e-01 : f32
      %mul3A_323 = vector.broadcast %mul3A_322 : f32 to vector<16xf32>
      %mul3A_324 = arith.mulf %max3A_316, %mul3A_323 : vector<16xf32>
      %mul3A_325 = arith.mulf %mul3A_324, %bitcast3A_321 : vector<16xf32>
      %mul3A_326 = arith.mulf %mul3A_325, %bitcast3A_321 : vector<16xf32>
      %sub3A_327 = arith.constant 1.500000e+00 : f32
      %sub3A_328 = vector.broadcast %sub3A_327 : f32 to vector<16xf32>
      %sub3A_329 = arith.subf %sub3A_328, %mul3A_326 : vector<16xf32>
      %mul3A_330 = arith.mulf %bitcast3A_321, %sub3A_329 : vector<16xf32>
      %mul3A_331 = arith.mulf %mul3A_324, %mul3A_330 : vector<16xf32>
      %mul3A_332 = arith.mulf %mul3A_331, %mul3A_330 : vector<16xf32>
      %sub3A_333 = arith.constant 1.500000e+00 : f32
      %sub3A_334 = vector.broadcast %sub3A_333 : f32 to vector<16xf32>
      %sub3A_335 = arith.subf %sub3A_334, %mul3A_332 : vector<16xf32>
      %mul3A_336 = arith.mulf %mul3A_330, %sub3A_335 : vector<16xf32>
      %mul3A_337 = arith.mulf %mul3A_324, %mul3A_336 : vector<16xf32>
      %mul3A_338 = arith.mulf %mul3A_337, %mul3A_336 : vector<16xf32>
      %sub3A_339 = arith.constant 1.500000e+00 : f32
      %sub3A_340 = vector.broadcast %sub3A_339 : f32 to vector<16xf32>
      %sub3A_341 = arith.subf %sub3A_340, %mul3A_338 : vector<16xf32>
      %mul3A_342 = arith.mulf %mul3A_336, %sub3A_341 : vector<16xf32>
      %ge3A = arith.constant 5.000000e-01 : f32
      %ge3A_343 = vector.broadcast %ge3A : f32 to vector<16xf32>
      %ge3A_344 = arith.cmpf oge, %get3A_314, %ge3A_343 : vector<16xf32>
      %jit3A = arith.constant 0.000000e+00 : f32
      %broadcast_in_dim3A_345 = vector.broadcast %jit3A : f32 to vector<16xf32>
      %select_n3A = arith.select %ge3A_344, %mul3A_342, %broadcast_in_dim3A_345 : vector<16xi1>, vector<16xf32>
      %mul3A_346 = arith.constant 16 : i32
      %mul3A_347 = arith.muli %scan3A_309, %mul3A_346 : i32
      %swap3A_348 = arith.index_cast %mul3A_347 : i32 to index
      %swap3A_349 = tpu.vector_load %arg12[%swap3A_348] {strides = array<i32>} : memref<640xf32, #tpu.memory_space<vmem>>, vector<16xf32>,
      tpu.vector_store %arg12[%swap3A_348], %select_n3A {strides = array<i32>} : memref<640xf32, #tpu.memory_space<vmem>>, vector<16xf32>,
      %scan3A_350 = arith.constant 0 : i32
      scf.yield %scan3A_350 : i32
    }
    %scan3A_153 = arith.constant 40 : i32
    %mul3A_154 = arith.constant 640 : i32
    %mul3A_155 = arith.muli %arg1, %mul3A_154 : i32
    "tpu.region"() ({
      %run_scoped3A = tpu.sem_alloc : memref<!tpu.dma_semaphore, #tpu.memory_space<semaphore_mem>>
      %dma_start3A_309 = tpu.memref_slice %arg2[%mul3A_155] : memref<10240xf32, #tpu.memory_space<hbm>> -> memref<640xf32, #tpu.memory_space<hbm>>
      %dma_start3A_310 = tpu.memref_slice %arg2[%mul3A_155] : memref<10240xf32, #tpu.memory_space<hbm>> -> memref<640xf32, #tpu.memory_space<hbm>>
      tpu.enqueue_dma source(%dma_start3A_310 : memref<640xf32, #tpu.memory_space<hbm>>) target(%arg13 : memref<640xf32, #tpu.memory_space<vmem>>) target_semaphore(%run_scoped3A : memref<!tpu.dma_semaphore, #tpu.memory_space<semaphore_mem>>)
      %dma_wait3A_311 = tpu.memref_slice %arg2[%mul3A_155] : memref<10240xf32, #tpu.memory_space<hbm>> -> memref<640xf32, #tpu.memory_space<hbm>>
      %dma_wait3A_312 = tpu.memref_slice %arg2[%mul3A_155] : memref<10240xf32, #tpu.memory_space<hbm>> -> memref<640xf32, #tpu.memory_space<hbm>>
      tpu.wait_dma2 semaphore(%run_scoped3A : memref<!tpu.dma_semaphore, #tpu.memory_space<semaphore_mem>>) src(%dma_wait3A_312 : memref<640xf32, #tpu.memory_space<hbm>>) dst(%arg13 : memref<640xf32, #tpu.memory_space<vmem>>)
      tpu.yield
    }) : () -> ()
    %scan3A_156 = arith.constant 0 : i32
    %scan3A_157 = arith.constant 0 : i32
    %scan3A_158 = arith.constant 40 : i32
    %scan3A_159 = arith.addi %scan3A_157, %scan3A_158 : i32
    %scan3A_160 = arith.constant 1 : i32
    %scan3A_161 = scf.for %scan3A_309 = %scan3A_157 to %scan3A_159 step %scan3A_160 iter_args(%scan3A_310 = %scan3A_156) -> (i32)  : i32 {
      %mul3A_311 = arith.constant 16 : i32
      %mul3A_312 = arith.muli %scan3A_309, %mul3A_311 : i32
      %get3A_313 = arith.index_cast %mul3A_312 : i32 to index
      %get3A_314 = tpu.vector_load %arg13[%get3A_313] {strides = array<i32>} : memref<640xf32, #tpu.memory_space<vmem>>, vector<16xf32>,
      %get3A_315 = arith.index_cast %mul3A_312 : i32 to index
      %get3A_316 = tpu.vector_load %arg12[%get3A_315] {strides = array<i32>} : memref<640xf32, #tpu.memory_space<vmem>>, vector<16xf32>,
      %mul3A_317 = arith.mulf %get3A_314, %get3A_316 : vector<16xf32>
      %swap3A_318 = arith.index_cast %mul3A_312 : i32 to index
      %swap3A_319 = tpu.vector_load %arg13[%swap3A_318] {strides = array<i32>} : memref<640xf32, #tpu.memory_space<vmem>>, vector<16xf32>,
      tpu.vector_store %arg13[%swap3A_318], %mul3A_317 {strides = array<i32>} : memref<640xf32, #tpu.memory_space<vmem>>, vector<16xf32>,
      %scan3A_320 = arith.constant 0 : i32
      scf.yield %scan3A_320 : i32
    }
    %scan3A_162 = arith.constant 40 : i32
    %mul3A_163 = arith.constant 640 : i32
    %mul3A_164 = arith.muli %arg1, %mul3A_163 : i32
    "tpu.region"() ({
      %run_scoped3A = tpu.sem_alloc : memref<!tpu.dma_semaphore, #tpu.memory_space<semaphore_mem>>
      %dma_start3A_309 = tpu.memref_slice %arg7[%arg0, %mul3A_164] : memref<1x10240xf32, #tpu.memory_space<hbm>> -> memref<1x640xf32, #tpu.memory_space<hbm>>
      %dma_start3A_310 = tpu.memref_squeeze %dma_start3A_309 : memref<1x640xf32, #tpu.memory_space<hbm>> -> memref<640xf32, #tpu.memory_space<hbm>>
      %dma_start3A_311 = tpu.memref_slice %arg7[%arg0, %mul3A_164] : memref<1x10240xf32, #tpu.memory_space<hbm>> -> memref<1x640xf32, #tpu.memory_space<hbm>>
      %dma_start3A_312 = tpu.memref_squeeze %dma_start3A_311 : memref<1x640xf32, #tpu.memory_space<hbm>> -> memref<640xf32, #tpu.memory_space<hbm>>
      tpu.enqueue_dma source(%arg13 : memref<640xf32, #tpu.memory_space<vmem>>) target(%dma_start3A_312 : memref<640xf32, #tpu.memory_space<hbm>>) target_semaphore(%run_scoped3A : memref<!tpu.dma_semaphore, #tpu.memory_space<semaphore_mem>>)
      %dma_wait3A_313 = tpu.memref_slice %arg7[%arg0, %mul3A_164] : memref<1x10240xf32, #tpu.memory_space<hbm>> -> memref<1x640xf32, #tpu.memory_space<hbm>>
      %dma_wait3A_314 = tpu.memref_squeeze %dma_wait3A_313 : memref<1x640xf32, #tpu.memory_space<hbm>> -> memref<640xf32, #tpu.memory_space<hbm>>
      %dma_wait3A_315 = tpu.memref_slice %arg7[%arg0, %mul3A_164] : memref<1x10240xf32, #tpu.memory_space<hbm>> -> memref<1x640xf32, #tpu.memory_space<hbm>>
      %dma_wait3A_316 = tpu.memref_squeeze %dma_wait3A_315 : memref<1x640xf32, #tpu.memory_space<hbm>> -> memref<640xf32, #tpu.memory_space<hbm>>
      tpu.wait_dma2 semaphore(%run_scoped3A : memref<!tpu.dma_semaphore, #tpu.memory_space<semaphore_mem>>) src(%arg13 : memref<640xf32, #tpu.memory_space<vmem>>) dst(%dma_wait3A_316 : memref<640xf32, #tpu.memory_space<hbm>>)
      tpu.yield
    }) : () -> ()
    %mul3A_165 = arith.constant 640 : i32
    %mul3A_166 = arith.muli %arg1, %mul3A_165 : i32
    "tpu.region"() ({
      %run_scoped3A = tpu.sem_alloc : memref<!tpu.dma_semaphore, #tpu.memory_space<semaphore_mem>>
      %dma_start3A_309 = tpu.memref_slice %arg19[%mul3A_166] : memref<10240xf32, #tpu.memory_space<vmem_shared>> -> memref<640xf32, #tpu.memory_space<vmem_shared>>
      %dma_start3A_310 = tpu.memref_slice %arg19[%mul3A_166] : memref<10240xf32, #tpu.memory_space<vmem_shared>> -> memref<640xf32, #tpu.memory_space<vmem_shared>>
      tpu.enqueue_dma source(%arg14 : memref<640xf32, #tpu.memory_space<vmem>>) target(%dma_start3A_310 : memref<640xf32, #tpu.memory_space<vmem_shared>>) target_semaphore(%run_scoped3A : memref<!tpu.dma_semaphore, #tpu.memory_space<semaphore_mem>>)
      %dma_wait3A_311 = tpu.memref_slice %arg19[%mul3A_166] : memref<10240xf32, #tpu.memory_space<vmem_shared>> -> memref<640xf32, #tpu.memory_space<vmem_shared>>
      %dma_wait3A_312 = tpu.memref_slice %arg19[%mul3A_166] : memref<10240xf32, #tpu.memory_space<vmem_shared>> -> memref<640xf32, #tpu.memory_space<vmem_shared>>
      tpu.wait_dma2 semaphore(%run_scoped3A : memref<!tpu.dma_semaphore, #tpu.memory_space<semaphore_mem>>) src(%arg14 : memref<640xf32, #tpu.memory_space<vmem>>) dst(%dma_wait3A_312 : memref<640xf32, #tpu.memory_space<vmem_shared>>)
      tpu.yield
    }) : () -> ()
    %barrier3A_167 = arith.constant 0 : index
    tpu.barrier barrier_id(%barrier3A_167)
    "tpu.region"() ({
      %run_scoped3A = tpu.sem_alloc : memref<!tpu.dma_semaphore, #tpu.memory_space<semaphore_mem>>
      %dma_start3A_309 = arith.constant 0 : i32
      %dma_start3A_310 = tpu.memref_slice %arg7[%arg0, %dma_start3A_309] : memref<1x10240xf32, #tpu.memory_space<hbm>> -> memref<1x10240xf32, #tpu.memory_space<hbm>>
      %dma_start3A_311 = tpu.memref_squeeze %dma_start3A_310 : memref<1x10240xf32, #tpu.memory_space<hbm>> -> memref<10240xf32, #tpu.memory_space<hbm>>
      %dma_start3A_312 = arith.constant 0 : i32
      %dma_start3A_313 = tpu.memref_slice %arg7[%arg0, %dma_start3A_312] : memref<1x10240xf32, #tpu.memory_space<hbm>> -> memref<1x10240xf32, #tpu.memory_space<hbm>>
      %dma_start3A_314 = tpu.memref_squeeze %dma_start3A_313 : memref<1x10240xf32, #tpu.memory_space<hbm>> -> memref<10240xf32, #tpu.memory_space<hbm>>
      tpu.enqueue_dma source(%dma_start3A_314 : memref<10240xf32, #tpu.memory_space<hbm>>) target(%arg11 : memref<10240xf32, #tpu.memory_space<vmem>>) target_semaphore(%run_scoped3A : memref<!tpu.dma_semaphore, #tpu.memory_space<semaphore_mem>>)
      %dma_wait3A_315 = arith.constant 0 : i32
      %dma_wait3A_316 = tpu.memref_slice %arg7[%arg0, %dma_wait3A_315] : memref<1x10240xf32, #tpu.memory_space<hbm>> -> memref<1x10240xf32, #tpu.memory_space<hbm>>
      %dma_wait3A_317 = tpu.memref_squeeze %dma_wait3A_316 : memref<1x10240xf32, #tpu.memory_space<hbm>> -> memref<10240xf32, #tpu.memory_space<hbm>>
      %dma_wait3A_318 = arith.constant 0 : i32
      %dma_wait3A_319 = tpu.memref_slice %arg7[%arg0, %dma_wait3A_318] : memref<1x10240xf32, #tpu.memory_space<hbm>> -> memref<1x10240xf32, #tpu.memory_space<hbm>>
      %dma_wait3A_320 = tpu.memref_squeeze %dma_wait3A_319 : memref<1x10240xf32, #tpu.memory_space<hbm>> -> memref<10240xf32, #tpu.memory_space<hbm>>
      tpu.wait_dma2 semaphore(%run_scoped3A : memref<!tpu.dma_semaphore, #tpu.memory_space<semaphore_mem>>) src(%dma_wait3A_320 : memref<10240xf32, #tpu.memory_space<hbm>>) dst(%arg11 : memref<10240xf32, #tpu.memory_space<vmem>>)
      tpu.yield
    }) : () -> ()
    %scan3A_168 = arith.constant 0 : i32
    %scan3A_169 = arith.constant 0 : i32
    %scan3A_170 = arith.constant 157 : i32
    %scan3A_171 = arith.addi %scan3A_169, %scan3A_170 : i32
    %scan3A_172 = arith.constant 1 : i32
    %scan3A_173 = scf.for %scan3A_309 = %scan3A_169 to %scan3A_171 step %scan3A_172 iter_args(%scan3A_310 = %scan3A_168) -> (i32)  : i32 {
      %mul3A_311 = arith.constant 128 : i32
      %mul3A_312 = arith.muli %scan3A_309, %mul3A_311 : i32
      %add3A_313 = arith.constant 0 : i32
      %add3A_314 = arith.addi %mul3A_312, %add3A_313 : i32
      %get3A_315 = arith.index_cast %add3A_314 : i32 to index
      %get3A_316 = tpu.vector_load %arg8[%get3A_315] {strides = array<i32>} : memref<20096xi32, #tpu.memory_space<vmem>>, vector<16xi32>,
      %gather3A = tpu.vector_load_idx %arg11[%get3A_316] : memref<10240xf32, #tpu.memory_space<vmem>>[vector<16xi32>], vector<16xf32>,
      %swap3A_317 = arith.index_cast %add3A_314 : i32 to index
      %swap3A_318 = tpu.vector_load %arg10[%swap3A_317] {strides = array<i32>} : memref<20096xf32, #tpu.memory_space<vmem>>, vector<16xf32>,
      tpu.vector_store %arg10[%swap3A_317], %gather3A {strides = array<i32>} : memref<20096xf32, #tpu.memory_space<vmem>>, vector<16xf32>,
      %add3A_319 = arith.constant 16 : i32
      %add3A_320 = arith.addi %mul3A_312, %add3A_319 : i32
      %get3A_321 = arith.index_cast %add3A_320 : i32 to index
      %get3A_322 = tpu.vector_load %arg8[%get3A_321] {strides = array<i32>} : memref<20096xi32, #tpu.memory_space<vmem>>, vector<16xi32>,
      %gather3A_323 = tpu.vector_load_idx %arg11[%get3A_322] : memref<10240xf32, #tpu.memory_space<vmem>>[vector<16xi32>], vector<16xf32>,
      %swap3A_324 = arith.index_cast %add3A_320 : i32 to index
      %swap3A_325 = tpu.vector_load %arg10[%swap3A_324] {strides = array<i32>} : memref<20096xf32, #tpu.memory_space<vmem>>, vector<16xf32>,
      tpu.vector_store %arg10[%swap3A_324], %gather3A_323 {strides = array<i32>} : memref<20096xf32, #tpu.memory_space<vmem>>, vector<16xf32>,
      %add3A_326 = arith.constant 32 : i32
      %add3A_327 = arith.addi %mul3A_312, %add3A_326 : i32
      %get3A_328 = arith.index_cast %add3A_327 : i32 to index
      %get3A_329 = tpu.vector_load %arg8[%get3A_328] {strides = array<i32>} : memref<20096xi32, #tpu.memory_space<vmem>>, vector<16xi32>,
      %gather3A_330 = tpu.vector_load_idx %arg11[%get3A_329] : memref<10240xf32, #tpu.memory_space<vmem>>[vector<16xi32>], vector<16xf32>,
      %swap3A_331 = arith.index_cast %add3A_327 : i32 to index
      %swap3A_332 = tpu.vector_load %arg10[%swap3A_331] {strides = array<i32>} : memref<20096xf32, #tpu.memory_space<vmem>>, vector<16xf32>,
      tpu.vector_store %arg10[%swap3A_331], %gather3A_330 {strides = array<i32>} : memref<20096xf32, #tpu.memory_space<vmem>>, vector<16xf32>,
      %add3A_333 = arith.constant 48 : i32
      %add3A_334 = arith.addi %mul3A_312, %add3A_333 : i32
      %get3A_335 = arith.index_cast %add3A_334 : i32 to index
      %get3A_336 = tpu.vector_load %arg8[%get3A_335] {strides = array<i32>} : memref<20096xi32, #tpu.memory_space<vmem>>, vector<16xi32>,
      %gather3A_337 = tpu.vector_load_idx %arg11[%get3A_336] : memref<10240xf32, #tpu.memory_space<vmem>>[vector<16xi32>], vector<16xf32>,
      %swap3A_338 = arith.index_cast %add3A_334 : i32 to index
      %swap3A_339 = tpu.vector_load %arg10[%swap3A_338] {strides = array<i32>} : memref<20096xf32, #tpu.memory_space<vmem>>, vector<16xf32>,
      tpu.vector_store %arg10[%swap3A_338], %gather3A_337 {strides = array<i32>} : memref<20096xf32, #tpu.memory_space<vmem>>, vector<16xf32>,
      %add3A_340 = arith.constant 64 : i32
      %add3A_341 = arith.addi %mul3A_312, %add3A_340 : i32
      %get3A_342 = arith.index_cast %add3A_341 : i32 to index
      %get3A_343 = tpu.vector_load %arg8[%get3A_342] {strides = array<i32>} : memref<20096xi32, #tpu.memory_space<vmem>>, vector<16xi32>,
      %gather3A_344 = tpu.vector_load_idx %arg11[%get3A_343] : memref<10240xf32, #tpu.memory_space<vmem>>[vector<16xi32>], vector<16xf32>,
      %swap3A_345 = arith.index_cast %add3A_341 : i32 to index
      %swap3A_346 = tpu.vector_load %arg10[%swap3A_345] {strides = array<i32>} : memref<20096xf32, #tpu.memory_space<vmem>>, vector<16xf32>,
      tpu.vector_store %arg10[%swap3A_345], %gather3A_344 {strides = array<i32>} : memref<20096xf32, #tpu.memory_space<vmem>>, vector<16xf32>,
      %add3A_347 = arith.constant 80 : i32
      %add3A_348 = arith.addi %mul3A_312, %add3A_347 : i32
      %get3A_349 = arith.index_cast %add3A_348 : i32 to index
      %get3A_350 = tpu.vector_load %arg8[%get3A_349] {strides = array<i32>} : memref<20096xi32, #tpu.memory_space<vmem>>, vector<16xi32>,
      %gather3A_351 = tpu.vector_load_idx %arg11[%get3A_350] : memref<10240xf32, #tpu.memory_space<vmem>>[vector<16xi32>], vector<16xf32>,
      %swap3A_352 = arith.index_cast %add3A_348 : i32 to index
      %swap3A_353 = tpu.vector_load %arg10[%swap3A_352] {strides = array<i32>} : memref<20096xf32, #tpu.memory_space<vmem>>, vector<16xf32>,
      tpu.vector_store %arg10[%swap3A_352], %gather3A_351 {strides = array<i32>} : memref<20096xf32, #tpu.memory_space<vmem>>, vector<16xf32>,
      %add3A_354 = arith.constant 96 : i32
      %add3A_355 = arith.addi %mul3A_312, %add3A_354 : i32
      %get3A_356 = arith.index_cast %add3A_355 : i32 to index
      %get3A_357 = tpu.vector_load %arg8[%get3A_356] {strides = array<i32>} : memref<20096xi32, #tpu.memory_space<vmem>>, vector<16xi32>,
      %gather3A_358 = tpu.vector_load_idx %arg11[%get3A_357] : memref<10240xf32, #tpu.memory_space<vmem>>[vector<16xi32>], vector<16xf32>,
      %swap3A_359 = arith.index_cast %add3A_355 : i32 to index
      %swap3A_360 = tpu.vector_load %arg10[%swap3A_359] {strides = array<i32>} : memref<20096xf32, #tpu.memory_space<vmem>>, vector<16xf32>,
      tpu.vector_store %arg10[%swap3A_359], %gather3A_358 {strides = array<i32>} : memref<20096xf32, #tpu.memory_space<vmem>>, vector<16xf32>,
      %add3A_361 = arith.constant 112 : i32
      %add3A_362 = arith.addi %mul3A_312, %add3A_361 : i32
      %get3A_363 = arith.index_cast %add3A_362 : i32 to index
      %get3A_364 = tpu.vector_load %arg8[%get3A_363] {strides = array<i32>} : memref<20096xi32, #tpu.memory_space<vmem>>, vector<16xi32>,
      %gather3A_365 = tpu.vector_load_idx %arg11[%get3A_364] : memref<10240xf32, #tpu.memory_space<vmem>>[vector<16xi32>], vector<16xf32>,
      %swap3A_366 = arith.index_cast %add3A_362 : i32 to index
      %swap3A_367 = tpu.vector_load %arg10[%swap3A_366] {strides = array<i32>} : memref<20096xf32, #tpu.memory_space<vmem>>, vector<16xf32>,
      tpu.vector_store %arg10[%swap3A_366], %gather3A_365 {strides = array<i32>} : memref<20096xf32, #tpu.memory_space<vmem>>, vector<16xf32>,
      %dma_start3A_368 = tpu.memref_slice %arg10[%mul3A_312] : memref<20096xf32, #tpu.memory_space<vmem>> -> memref<128xf32, #tpu.memory_space<vmem>>
      %dma_start3A_369 = arith.constant 0 : i32
      %dma_start3A_370 = tpu.memref_slice %arg9[%scan3A_309, %dma_start3A_369] : memref<157x128xi32, #tpu.memory_space<vmem>> -> memref<1x128xi32, #tpu.memory_space<vmem>>
      %dma_start3A_371 = tpu.memref_squeeze %dma_start3A_370 : memref<1x128xi32, #tpu.memory_space<vmem>> -> memref<128xi32, #tpu.memory_space<vmem>>
      %dma_start3A_372 = arith.constant 0 : i32
      %dma_start3A_373 = tpu.memref_slice %arg19[%dma_start3A_372] : memref<10240xf32, #tpu.memory_space<vmem_shared>> -> memref<10240xf32, #tpu.memory_space<vmem_shared>>
      tpu.enqueue_indirect_dma source(%dma_start3A_368 : memref<128xf32, #tpu.memory_space<vmem>>) target(%dma_start3A_373 : memref<10240xf32, #tpu.memory_space<vmem_shared>>) offsets(%dma_start3A_371 : memref<128xi32, #tpu.memory_space<vmem>>) semaphore(%arg22 : memref<!tpu.dma_semaphore, #tpu.memory_space<semaphore_mem>>) {add = true}
      %scan3A_374 = arith.constant 0 : i32
      scf.yield %scan3A_374 : i32
    }
    %scan3A_174 = arith.constant 157 : i32
    %scan3A_175 = arith.constant 0 : i32
    %scan3A_176 = arith.constant 0 : i32
    %scan3A_177 = arith.constant 157 : i32
    %scan3A_178 = arith.addi %scan3A_176, %scan3A_177 : i32
    %scan3A_179 = arith.constant 1 : i32
    %scan3A_180 = scf.for %scan3A_309 = %scan3A_176 to %scan3A_178 step %scan3A_179 iter_args(%scan3A_310 = %scan3A_175) -> (i32)  : i32 {
      %mul3A_311 = arith.constant 128 : i32
      %mul3A_312 = arith.muli %scan3A_309, %mul3A_311 : i32
      %dma_wait3A_313 = tpu.memref_slice %arg10[%mul3A_312] : memref<20096xf32, #tpu.memory_space<vmem>> -> memref<128xf32, #tpu.memory_space<vmem>>
      %dma_wait3A_314 = arith.constant 0 : i32
      %dma_wait3A_315 = tpu.memref_slice %arg9[%scan3A_309, %dma_wait3A_314] : memref<157x128xi32, #tpu.memory_space<vmem>> -> memref<1x128xi32, #tpu.memory_space<vmem>>
      %dma_wait3A_316 = tpu.memref_squeeze %dma_wait3A_315 : memref<1x128xi32, #tpu.memory_space<vmem>> -> memref<128xi32, #tpu.memory_space<vmem>>
      %dma_wait3A_317 = arith.constant 0 : i32
      %dma_wait3A_318 = tpu.memref_slice %arg19[%dma_wait3A_317] : memref<10240xf32, #tpu.memory_space<vmem_shared>> -> memref<10240xf32, #tpu.memory_space<vmem_shared>>
      tpu.wait_indirect_dma semaphore(%arg22 : memref<!tpu.dma_semaphore, #tpu.memory_space<semaphore_mem>>) src(%dma_wait3A_313 : memref<128xf32, #tpu.memory_space<vmem>>) dst(%dma_wait3A_318 : memref<10240xf32, #tpu.memory_space<vmem_shared>>)
      %scan3A_319 = arith.constant 0 : i32
      scf.yield %scan3A_319 : i32
    }
    %scan3A_181 = arith.constant 157 : i32
    %barrier3A_182 = arith.constant 0 : index
    tpu.barrier barrier_id(%barrier3A_182)
    %mul3A_183 = arith.constant 640 : i32
    %mul3A_184 = arith.muli %arg1, %mul3A_183 : i32
    "tpu.region"() ({
      %run_scoped3A = tpu.sem_alloc : memref<!tpu.dma_semaphore, #tpu.memory_space<semaphore_mem>>
      %dma_start3A_309 = tpu.memref_slice %arg19[%mul3A_184] : memref<10240xf32, #tpu.memory_space<vmem_shared>> -> memref<640xf32, #tpu.memory_space<vmem_shared>>
      %dma_start3A_310 = tpu.memref_slice %arg19[%mul3A_184] : memref<10240xf32, #tpu.memory_space<vmem_shared>> -> memref<640xf32, #tpu.memory_space<vmem_shared>>
      tpu.enqueue_dma source(%dma_start3A_310 : memref<640xf32, #tpu.memory_space<vmem_shared>>) target(%arg13 : memref<640xf32, #tpu.memory_space<vmem>>) target_semaphore(%run_scoped3A : memref<!tpu.dma_semaphore, #tpu.memory_space<semaphore_mem>>)
      %dma_wait3A_311 = tpu.memref_slice %arg19[%mul3A_184] : memref<10240xf32, #tpu.memory_space<vmem_shared>> -> memref<640xf32, #tpu.memory_space<vmem_shared>>
      %dma_wait3A_312 = tpu.memref_slice %arg19[%mul3A_184] : memref<10240xf32, #tpu.memory_space<vmem_shared>> -> memref<640xf32, #tpu.memory_space<vmem_shared>>
      tpu.wait_dma2 semaphore(%run_scoped3A : memref<!tpu.dma_semaphore, #tpu.memory_space<semaphore_mem>>) src(%dma_wait3A_312 : memref<640xf32, #tpu.memory_space<vmem_shared>>) dst(%arg13 : memref<640xf32, #tpu.memory_space<vmem>>)
      tpu.yield
    }) : () -> ()
    %get3A = arith.constant 0 : i32
    %get3A_185 = arith.index_cast %get3A : i32 to index
    %get3A_186 = arith.constant 0 : index
    %get3A_187 = tpu.vector_load %arg17[%get3A_185, %get3A_186] {strides = array<i32>} : memref<8x128xf32, #tpu.memory_space<vmem>>, vector<16xf32>,
    %scan3A_188 = arith.constant 0 : i32
    %scan3A_189 = arith.constant 0 : i32
    %scan3A_190 = arith.constant 40 : i32
    %scan3A_191 = arith.addi %scan3A_189, %scan3A_190 : i32
    %scan3A_192 = arith.constant 1 : i32
    %scan3A_193 = scf.for %scan3A_309 = %scan3A_189 to %scan3A_191 step %scan3A_192 iter_args(%scan3A_310 = %scan3A_188) -> (i32)  : i32 {
      %mul3A_311 = arith.constant 16 : i32
      %mul3A_312 = arith.muli %scan3A_309, %mul3A_311 : i32
      %get3A_313 = arith.index_cast %mul3A_312 : i32 to index
      %get3A_314 = tpu.vector_load %arg12[%get3A_313] {strides = array<i32>} : memref<640xf32, #tpu.memory_space<vmem>>, vector<16xf32>,
      %get3A_315 = arith.index_cast %mul3A_312 : i32 to index
      %get3A_316 = tpu.vector_load %arg13[%get3A_315] {strides = array<i32>} : memref<640xf32, #tpu.memory_space<vmem>>, vector<16xf32>,
      %mul3A_317 = arith.mulf %get3A_314, %get3A_316 : vector<16xf32>
      %add3A_318 = arith.addf %mul3A_317, %get3A_187 : vector<16xf32>
      %mul3A_319 = arith.mulf %get3A_314, %add3A_318 : vector<16xf32>
      %swap3A_320 = arith.index_cast %mul3A_312 : i32 to index
      %swap3A_321 = tpu.vector_load %arg13[%swap3A_320] {strides = array<i32>} : memref<640xf32, #tpu.memory_space<vmem>>, vector<16xf32>,
      tpu.vector_store %arg13[%swap3A_320], %mul3A_319 {strides = array<i32>} : memref<640xf32, #tpu.memory_space<vmem>>, vector<16xf32>,
      %scan3A_322 = arith.constant 0 : i32
      scf.yield %scan3A_322 : i32
    }
    %scan3A_194 = arith.constant 40 : i32
    %mul3A_195 = arith.constant 640 : i32
    %mul3A_196 = arith.muli %arg1, %mul3A_195 : i32
    "tpu.region"() ({
      %run_scoped3A = tpu.sem_alloc : memref<!tpu.dma_semaphore, #tpu.memory_space<semaphore_mem>>
      %dma_start3A_309 = tpu.memref_slice %arg7[%arg0, %mul3A_196] : memref<1x10240xf32, #tpu.memory_space<hbm>> -> memref<1x640xf32, #tpu.memory_space<hbm>>
      %dma_start3A_310 = tpu.memref_squeeze %dma_start3A_309 : memref<1x640xf32, #tpu.memory_space<hbm>> -> memref<640xf32, #tpu.memory_space<hbm>>
      %dma_start3A_311 = tpu.memref_slice %arg7[%arg0, %mul3A_196] : memref<1x10240xf32, #tpu.memory_space<hbm>> -> memref<1x640xf32, #tpu.memory_space<hbm>>
      %dma_start3A_312 = tpu.memref_squeeze %dma_start3A_311 : memref<1x640xf32, #tpu.memory_space<hbm>> -> memref<640xf32, #tpu.memory_space<hbm>>
      tpu.enqueue_dma source(%arg13 : memref<640xf32, #tpu.memory_space<vmem>>) target(%dma_start3A_312 : memref<640xf32, #tpu.memory_space<hbm>>) target_semaphore(%run_scoped3A : memref<!tpu.dma_semaphore, #tpu.memory_space<semaphore_mem>>)
      %dma_wait3A_313 = tpu.memref_slice %arg7[%arg0, %mul3A_196] : memref<1x10240xf32, #tpu.memory_space<hbm>> -> memref<1x640xf32, #tpu.memory_space<hbm>>
      %dma_wait3A_314 = tpu.memref_squeeze %dma_wait3A_313 : memref<1x640xf32, #tpu.memory_space<hbm>> -> memref<640xf32, #tpu.memory_space<hbm>>
      %dma_wait3A_315 = tpu.memref_slice %arg7[%arg0, %mul3A_196] : memref<1x10240xf32, #tpu.memory_space<hbm>> -> memref<1x640xf32, #tpu.memory_space<hbm>>
      %dma_wait3A_316 = tpu.memref_squeeze %dma_wait3A_315 : memref<1x640xf32, #tpu.memory_space<hbm>> -> memref<640xf32, #tpu.memory_space<hbm>>
      tpu.wait_dma2 semaphore(%run_scoped3A : memref<!tpu.dma_semaphore, #tpu.memory_space<semaphore_mem>>) src(%arg13 : memref<640xf32, #tpu.memory_space<vmem>>) dst(%dma_wait3A_316 : memref<640xf32, #tpu.memory_space<hbm>>)
      tpu.yield
    }) : () -> ()
    %mul3A_197 = arith.constant 640 : i32
    %mul3A_198 = arith.muli %arg1, %mul3A_197 : i32
    "tpu.region"() ({
      %run_scoped3A = tpu.sem_alloc : memref<!tpu.dma_semaphore, #tpu.memory_space<semaphore_mem>>
      %dma_start3A_309 = tpu.memref_slice %arg19[%mul3A_198] : memref<10240xf32, #tpu.memory_space<vmem_shared>> -> memref<640xf32, #tpu.memory_space<vmem_shared>>
      %dma_start3A_310 = tpu.memref_slice %arg19[%mul3A_198] : memref<10240xf32, #tpu.memory_space<vmem_shared>> -> memref<640xf32, #tpu.memory_space<vmem_shared>>
      tpu.enqueue_dma source(%arg14 : memref<640xf32, #tpu.memory_space<vmem>>) target(%dma_start3A_310 : memref<640xf32, #tpu.memory_space<vmem_shared>>) target_semaphore(%run_scoped3A : memref<!tpu.dma_semaphore, #tpu.memory_space<semaphore_mem>>)
      %dma_wait3A_311 = tpu.memref_slice %arg19[%mul3A_198] : memref<10240xf32, #tpu.memory_space<vmem_shared>> -> memref<640xf32, #tpu.memory_space<vmem_shared>>
      %dma_wait3A_312 = tpu.memref_slice %arg19[%mul3A_198] : memref<10240xf32, #tpu.memory_space<vmem_shared>> -> memref<640xf32, #tpu.memory_space<vmem_shared>>
      tpu.wait_dma2 semaphore(%run_scoped3A : memref<!tpu.dma_semaphore, #tpu.memory_space<semaphore_mem>>) src(%arg14 : memref<640xf32, #tpu.memory_space<vmem>>) dst(%dma_wait3A_312 : memref<640xf32, #tpu.memory_space<vmem_shared>>)
      tpu.yield
    }) : () -> ()
    %barrier3A_199 = arith.constant 0 : index
    tpu.barrier barrier_id(%barrier3A_199)
    "tpu.region"() ({
      %run_scoped3A = tpu.sem_alloc : memref<!tpu.dma_semaphore, #tpu.memory_space<semaphore_mem>>
      %dma_start3A_309 = arith.constant 0 : i32
      %dma_start3A_310 = tpu.memref_slice %arg7[%arg0, %dma_start3A_309] : memref<1x10240xf32, #tpu.memory_space<hbm>> -> memref<1x10240xf32, #tpu.memory_space<hbm>>
      %dma_start3A_311 = tpu.memref_squeeze %dma_start3A_310 : memref<1x10240xf32, #tpu.memory_space<hbm>> -> memref<10240xf32, #tpu.memory_space<hbm>>
      %dma_start3A_312 = arith.constant 0 : i32
      %dma_start3A_313 = tpu.memref_slice %arg7[%arg0, %dma_start3A_312] : memref<1x10240xf32, #tpu.memory_space<hbm>> -> memref<1x10240xf32, #tpu.memory_space<hbm>>
      %dma_start3A_314 = tpu.memref_squeeze %dma_start3A_313 : memref<1x10240xf32, #tpu.memory_space<hbm>> -> memref<10240xf32, #tpu.memory_space<hbm>>
      tpu.enqueue_dma source(%dma_start3A_314 : memref<10240xf32, #tpu.memory_space<hbm>>) target(%arg11 : memref<10240xf32, #tpu.memory_space<vmem>>) target_semaphore(%run_scoped3A : memref<!tpu.dma_semaphore, #tpu.memory_space<semaphore_mem>>)
      %dma_wait3A_315 = arith.constant 0 : i32
      %dma_wait3A_316 = tpu.memref_slice %arg7[%arg0, %dma_wait3A_315] : memref<1x10240xf32, #tpu.memory_space<hbm>> -> memref<1x10240xf32, #tpu.memory_space<hbm>>
      %dma_wait3A_317 = tpu.memref_squeeze %dma_wait3A_316 : memref<1x10240xf32, #tpu.memory_space<hbm>> -> memref<10240xf32, #tpu.memory_space<hbm>>
      %dma_wait3A_318 = arith.constant 0 : i32
      %dma_wait3A_319 = tpu.memref_slice %arg7[%arg0, %dma_wait3A_318] : memref<1x10240xf32, #tpu.memory_space<hbm>> -> memref<1x10240xf32, #tpu.memory_space<hbm>>
      %dma_wait3A_320 = tpu.memref_squeeze %dma_wait3A_319 : memref<1x10240xf32, #tpu.memory_space<hbm>> -> memref<10240xf32, #tpu.memory_space<hbm>>
      tpu.wait_dma2 semaphore(%run_scoped3A : memref<!tpu.dma_semaphore, #tpu.memory_space<semaphore_mem>>) src(%dma_wait3A_320 : memref<10240xf32, #tpu.memory_space<hbm>>) dst(%arg11 : memref<10240xf32, #tpu.memory_space<vmem>>)
      tpu.yield
    }) : () -> ()
    %scan3A_200 = arith.constant 0 : i32
    %scan3A_201 = arith.constant 0 : i32
    %scan3A_202 = arith.constant 157 : i32
    %scan3A_203 = arith.addi %scan3A_201, %scan3A_202 : i32
    %scan3A_204 = arith.constant 1 : i32
    %scan3A_205 = scf.for %scan3A_309 = %scan3A_201 to %scan3A_203 step %scan3A_204 iter_args(%scan3A_310 = %scan3A_200) -> (i32)  : i32 {
      %mul3A_311 = arith.constant 128 : i32
      %mul3A_312 = arith.muli %scan3A_309, %mul3A_311 : i32
      %add3A_313 = arith.constant 0 : i32
      %add3A_314 = arith.addi %mul3A_312, %add3A_313 : i32
      %get3A_315 = arith.index_cast %add3A_314 : i32 to index
      %get3A_316 = tpu.vector_load %arg8[%get3A_315] {strides = array<i32>} : memref<20096xi32, #tpu.memory_space<vmem>>, vector<16xi32>,
      %gather3A = tpu.vector_load_idx %arg11[%get3A_316] : memref<10240xf32, #tpu.memory_space<vmem>>[vector<16xi32>], vector<16xf32>,
      %swap3A_317 = arith.index_cast %add3A_314 : i32 to index
      %swap3A_318 = tpu.vector_load %arg10[%swap3A_317] {strides = array<i32>} : memref<20096xf32, #tpu.memory_space<vmem>>, vector<16xf32>,
      tpu.vector_store %arg10[%swap3A_317], %gather3A {strides = array<i32>} : memref<20096xf32, #tpu.memory_space<vmem>>, vector<16xf32>,
      %add3A_319 = arith.constant 16 : i32
      %add3A_320 = arith.addi %mul3A_312, %add3A_319 : i32
      %get3A_321 = arith.index_cast %add3A_320 : i32 to index
      %get3A_322 = tpu.vector_load %arg8[%get3A_321] {strides = array<i32>} : memref<20096xi32, #tpu.memory_space<vmem>>, vector<16xi32>,
      %gather3A_323 = tpu.vector_load_idx %arg11[%get3A_322] : memref<10240xf32, #tpu.memory_space<vmem>>[vector<16xi32>], vector<16xf32>,
      %swap3A_324 = arith.index_cast %add3A_320 : i32 to index
      %swap3A_325 = tpu.vector_load %arg10[%swap3A_324] {strides = array<i32>} : memref<20096xf32, #tpu.memory_space<vmem>>, vector<16xf32>,
      tpu.vector_store %arg10[%swap3A_324], %gather3A_323 {strides = array<i32>} : memref<20096xf32, #tpu.memory_space<vmem>>, vector<16xf32>,
      %add3A_326 = arith.constant 32 : i32
      %add3A_327 = arith.addi %mul3A_312, %add3A_326 : i32
      %get3A_328 = arith.index_cast %add3A_327 : i32 to index
      %get3A_329 = tpu.vector_load %arg8[%get3A_328] {strides = array<i32>} : memref<20096xi32, #tpu.memory_space<vmem>>, vector<16xi32>,
      %gather3A_330 = tpu.vector_load_idx %arg11[%get3A_329] : memref<10240xf32, #tpu.memory_space<vmem>>[vector<16xi32>], vector<16xf32>,
      %swap3A_331 = arith.index_cast %add3A_327 : i32 to index
      %swap3A_332 = tpu.vector_load %arg10[%swap3A_331] {strides = array<i32>} : memref<20096xf32, #tpu.memory_space<vmem>>, vector<16xf32>,
      tpu.vector_store %arg10[%swap3A_331], %gather3A_330 {strides = array<i32>} : memref<20096xf32, #tpu.memory_space<vmem>>, vector<16xf32>,
      %add3A_333 = arith.constant 48 : i32
      %add3A_334 = arith.addi %mul3A_312, %add3A_333 : i32
      %get3A_335 = arith.index_cast %add3A_334 : i32 to index
      %get3A_336 = tpu.vector_load %arg8[%get3A_335] {strides = array<i32>} : memref<20096xi32, #tpu.memory_space<vmem>>, vector<16xi32>,
      %gather3A_337 = tpu.vector_load_idx %arg11[%get3A_336] : memref<10240xf32, #tpu.memory_space<vmem>>[vector<16xi32>], vector<16xf32>,
      %swap3A_338 = arith.index_cast %add3A_334 : i32 to index
      %swap3A_339 = tpu.vector_load %arg10[%swap3A_338] {strides = array<i32>} : memref<20096xf32, #tpu.memory_space<vmem>>, vector<16xf32>,
      tpu.vector_store %arg10[%swap3A_338], %gather3A_337 {strides = array<i32>} : memref<20096xf32, #tpu.memory_space<vmem>>, vector<16xf32>,
      %add3A_340 = arith.constant 64 : i32
      %add3A_341 = arith.addi %mul3A_312, %add3A_340 : i32
      %get3A_342 = arith.index_cast %add3A_341 : i32 to index
      %get3A_343 = tpu.vector_load %arg8[%get3A_342] {strides = array<i32>} : memref<20096xi32, #tpu.memory_space<vmem>>, vector<16xi32>,
      %gather3A_344 = tpu.vector_load_idx %arg11[%get3A_343] : memref<10240xf32, #tpu.memory_space<vmem>>[vector<16xi32>], vector<16xf32>,
      %swap3A_345 = arith.index_cast %add3A_341 : i32 to index
      %swap3A_346 = tpu.vector_load %arg10[%swap3A_345] {strides = array<i32>} : memref<20096xf32, #tpu.memory_space<vmem>>, vector<16xf32>,
      tpu.vector_store %arg10[%swap3A_345], %gather3A_344 {strides = array<i32>} : memref<20096xf32, #tpu.memory_space<vmem>>, vector<16xf32>,
      %add3A_347 = arith.constant 80 : i32
      %add3A_348 = arith.addi %mul3A_312, %add3A_347 : i32
      %get3A_349 = arith.index_cast %add3A_348 : i32 to index
      %get3A_350 = tpu.vector_load %arg8[%get3A_349] {strides = array<i32>} : memref<20096xi32, #tpu.memory_space<vmem>>, vector<16xi32>,
      %gather3A_351 = tpu.vector_load_idx %arg11[%get3A_350] : memref<10240xf32, #tpu.memory_space<vmem>>[vector<16xi32>], vector<16xf32>,
      %swap3A_352 = arith.index_cast %add3A_348 : i32 to index
      %swap3A_353 = tpu.vector_load %arg10[%swap3A_352] {strides = array<i32>} : memref<20096xf32, #tpu.memory_space<vmem>>, vector<16xf32>,
      tpu.vector_store %arg10[%swap3A_352], %gather3A_351 {strides = array<i32>} : memref<20096xf32, #tpu.memory_space<vmem>>, vector<16xf32>,
      %add3A_354 = arith.constant 96 : i32
      %add3A_355 = arith.addi %mul3A_312, %add3A_354 : i32
      %get3A_356 = arith.index_cast %add3A_355 : i32 to index
      %get3A_357 = tpu.vector_load %arg8[%get3A_356] {strides = array<i32>} : memref<20096xi32, #tpu.memory_space<vmem>>, vector<16xi32>,
      %gather3A_358 = tpu.vector_load_idx %arg11[%get3A_357] : memref<10240xf32, #tpu.memory_space<vmem>>[vector<16xi32>], vector<16xf32>,
      %swap3A_359 = arith.index_cast %add3A_355 : i32 to index
      %swap3A_360 = tpu.vector_load %arg10[%swap3A_359] {strides = array<i32>} : memref<20096xf32, #tpu.memory_space<vmem>>, vector<16xf32>,
      tpu.vector_store %arg10[%swap3A_359], %gather3A_358 {strides = array<i32>} : memref<20096xf32, #tpu.memory_space<vmem>>, vector<16xf32>,
      %add3A_361 = arith.constant 112 : i32
      %add3A_362 = arith.addi %mul3A_312, %add3A_361 : i32
      %get3A_363 = arith.index_cast %add3A_362 : i32 to index
      %get3A_364 = tpu.vector_load %arg8[%get3A_363] {strides = array<i32>} : memref<20096xi32, #tpu.memory_space<vmem>>, vector<16xi32>,
      %gather3A_365 = tpu.vector_load_idx %arg11[%get3A_364] : memref<10240xf32, #tpu.memory_space<vmem>>[vector<16xi32>], vector<16xf32>,
      %swap3A_366 = arith.index_cast %add3A_362 : i32 to index
      %swap3A_367 = tpu.vector_load %arg10[%swap3A_366] {strides = array<i32>} : memref<20096xf32, #tpu.memory_space<vmem>>, vector<16xf32>,
      tpu.vector_store %arg10[%swap3A_366], %gather3A_365 {strides = array<i32>} : memref<20096xf32, #tpu.memory_space<vmem>>, vector<16xf32>,
      %dma_start3A_368 = tpu.memref_slice %arg10[%mul3A_312] : memref<20096xf32, #tpu.memory_space<vmem>> -> memref<128xf32, #tpu.memory_space<vmem>>
      %dma_start3A_369 = arith.constant 0 : i32
      %dma_start3A_370 = tpu.memref_slice %arg9[%scan3A_309, %dma_start3A_369] : memref<157x128xi32, #tpu.memory_space<vmem>> -> memref<1x128xi32, #tpu.memory_space<vmem>>
      %dma_start3A_371 = tpu.memref_squeeze %dma_start3A_370 : memref<1x128xi32, #tpu.memory_space<vmem>> -> memref<128xi32, #tpu.memory_space<vmem>>
      %dma_start3A_372 = arith.constant 0 : i32
      %dma_start3A_373 = tpu.memref_slice %arg19[%dma_start3A_372] : memref<10240xf32, #tpu.memory_space<vmem_shared>> -> memref<10240xf32, #tpu.memory_space<vmem_shared>>
      tpu.enqueue_indirect_dma source(%dma_start3A_368 : memref<128xf32, #tpu.memory_space<vmem>>) target(%dma_start3A_373 : memref<10240xf32, #tpu.memory_space<vmem_shared>>) offsets(%dma_start3A_371 : memref<128xi32, #tpu.memory_space<vmem>>) semaphore(%arg22 : memref<!tpu.dma_semaphore, #tpu.memory_space<semaphore_mem>>) {add = true}
      %scan3A_374 = arith.constant 0 : i32
      scf.yield %scan3A_374 : i32
    }
    %scan3A_206 = arith.constant 157 : i32
    %scan3A_207 = arith.constant 0 : i32
    %scan3A_208 = arith.constant 0 : i32
    %scan3A_209 = arith.constant 157 : i32
    %scan3A_210 = arith.addi %scan3A_208, %scan3A_209 : i32
    %scan3A_211 = arith.constant 1 : i32
    %scan3A_212 = scf.for %scan3A_309 = %scan3A_208 to %scan3A_210 step %scan3A_211 iter_args(%scan3A_310 = %scan3A_207) -> (i32)  : i32 {
      %mul3A_311 = arith.constant 128 : i32
      %mul3A_312 = arith.muli %scan3A_309, %mul3A_311 : i32
      %dma_wait3A_313 = tpu.memref_slice %arg10[%mul3A_312] : memref<20096xf32, #tpu.memory_space<vmem>> -> memref<128xf32, #tpu.memory_space<vmem>>
      %dma_wait3A_314 = arith.constant 0 : i32
      %dma_wait3A_315 = tpu.memref_slice %arg9[%scan3A_309, %dma_wait3A_314] : memref<157x128xi32, #tpu.memory_space<vmem>> -> memref<1x128xi32, #tpu.memory_space<vmem>>
      %dma_wait3A_316 = tpu.memref_squeeze %dma_wait3A_315 : memref<1x128xi32, #tpu.memory_space<vmem>> -> memref<128xi32, #tpu.memory_space<vmem>>
      %dma_wait3A_317 = arith.constant 0 : i32
      %dma_wait3A_318 = tpu.memref_slice %arg19[%dma_wait3A_317] : memref<10240xf32, #tpu.memory_space<vmem_shared>> -> memref<10240xf32, #tpu.memory_space<vmem_shared>>
      tpu.wait_indirect_dma semaphore(%arg22 : memref<!tpu.dma_semaphore, #tpu.memory_space<semaphore_mem>>) src(%dma_wait3A_313 : memref<128xf32, #tpu.memory_space<vmem>>) dst(%dma_wait3A_318 : memref<10240xf32, #tpu.memory_space<vmem_shared>>)
      %scan3A_319 = arith.constant 0 : i32
      scf.yield %scan3A_319 : i32
    }
    %scan3A_213 = arith.constant 157 : i32
    %barrier3A_214 = arith.constant 0 : index
    tpu.barrier barrier_id(%barrier3A_214)
    %mul3A_215 = arith.constant 640 : i32
    %mul3A_216 = arith.muli %arg1, %mul3A_215 : i32
    "tpu.region"() ({
      %run_scoped3A = tpu.sem_alloc : memref<!tpu.dma_semaphore, #tpu.memory_space<semaphore_mem>>
      %dma_start3A_309 = tpu.memref_slice %arg19[%mul3A_216] : memref<10240xf32, #tpu.memory_space<vmem_shared>> -> memref<640xf32, #tpu.memory_space<vmem_shared>>
      %dma_start3A_310 = tpu.memref_slice %arg19[%mul3A_216] : memref<10240xf32, #tpu.memory_space<vmem_shared>> -> memref<640xf32, #tpu.memory_space<vmem_shared>>
      tpu.enqueue_dma source(%dma_start3A_310 : memref<640xf32, #tpu.memory_space<vmem_shared>>) target(%arg13 : memref<640xf32, #tpu.memory_space<vmem>>) target_semaphore(%run_scoped3A : memref<!tpu.dma_semaphore, #tpu.memory_space<semaphore_mem>>)
      %dma_wait3A_311 = tpu.memref_slice %arg19[%mul3A_216] : memref<10240xf32, #tpu.memory_space<vmem_shared>> -> memref<640xf32, #tpu.memory_space<vmem_shared>>
      %dma_wait3A_312 = tpu.memref_slice %arg19[%mul3A_216] : memref<10240xf32, #tpu.memory_space<vmem_shared>> -> memref<640xf32, #tpu.memory_space<vmem_shared>>
      tpu.wait_dma2 semaphore(%run_scoped3A : memref<!tpu.dma_semaphore, #tpu.memory_space<semaphore_mem>>) src(%dma_wait3A_312 : memref<640xf32, #tpu.memory_space<vmem_shared>>) dst(%arg13 : memref<640xf32, #tpu.memory_space<vmem>>)
      tpu.yield
    }) : () -> ()
    %get3A_217 = arith.constant 1 : i32
    %get3A_218 = arith.index_cast %get3A_217 : i32 to index
    %get3A_219 = arith.constant 0 : index
    %get3A_220 = tpu.vector_load %arg17[%get3A_218, %get3A_219] {strides = array<i32>} : memref<8x128xf32, #tpu.memory_space<vmem>>, vector<16xf32>,
    %scan3A_221 = arith.constant 0 : i32
    %scan3A_222 = arith.constant 0 : i32
    %scan3A_223 = arith.constant 40 : i32
    %scan3A_224 = arith.addi %scan3A_222, %scan3A_223 : i32
    %scan3A_225 = arith.constant 1 : i32
    %scan3A_226 = scf.for %scan3A_309 = %scan3A_222 to %scan3A_224 step %scan3A_225 iter_args(%scan3A_310 = %scan3A_221) -> (i32)  : i32 {
      %mul3A_311 = arith.constant 16 : i32
      %mul3A_312 = arith.muli %scan3A_309, %mul3A_311 : i32
      %get3A_313 = arith.index_cast %mul3A_312 : i32 to index
      %get3A_314 = tpu.vector_load %arg12[%get3A_313] {strides = array<i32>} : memref<640xf32, #tpu.memory_space<vmem>>, vector<16xf32>,
      %get3A_315 = arith.index_cast %mul3A_312 : i32 to index
      %get3A_316 = tpu.vector_load %arg13[%get3A_315] {strides = array<i32>} : memref<640xf32, #tpu.memory_space<vmem>>, vector<16xf32>,
      %mul3A_317 = arith.mulf %get3A_314, %get3A_316 : vector<16xf32>
      %add3A_318 = arith.addf %mul3A_317, %get3A_220 : vector<16xf32>
      %mul3A_319 = arith.mulf %get3A_314, %add3A_318 : vector<16xf32>
      %swap3A_320 = arith.index_cast %mul3A_312 : i32 to index
      %swap3A_321 = tpu.vector_load %arg13[%swap3A_320] {strides = array<i32>} : memref<640xf32, #tpu.memory_space<vmem>>, vector<16xf32>,
      tpu.vector_store %arg13[%swap3A_320], %mul3A_319 {strides = array<i32>} : memref<640xf32, #tpu.memory_space<vmem>>, vector<16xf32>,
      %scan3A_322 = arith.constant 0 : i32
      scf.yield %scan3A_322 : i32
    }
    %scan3A_227 = arith.constant 40 : i32
    %mul3A_228 = arith.constant 640 : i32
    %mul3A_229 = arith.muli %arg1, %mul3A_228 : i32
    "tpu.region"() ({
      %run_scoped3A = tpu.sem_alloc : memref<!tpu.dma_semaphore, #tpu.memory_space<semaphore_mem>>
      %dma_start3A_309 = tpu.memref_slice %arg7[%arg0, %mul3A_229] : memref<1x10240xf32, #tpu.memory_space<hbm>> -> memref<1x640xf32, #tpu.memory_space<hbm>>
      %dma_start3A_310 = tpu.memref_squeeze %dma_start3A_309 : memref<1x640xf32, #tpu.memory_space<hbm>> -> memref<640xf32, #tpu.memory_space<hbm>>
      %dma_start3A_311 = tpu.memref_slice %arg7[%arg0, %mul3A_229] : memref<1x10240xf32, #tpu.memory_space<hbm>> -> memref<1x640xf32, #tpu.memory_space<hbm>>
      %dma_start3A_312 = tpu.memref_squeeze %dma_start3A_311 : memref<1x640xf32, #tpu.memory_space<hbm>> -> memref<640xf32, #tpu.memory_space<hbm>>
      tpu.enqueue_dma source(%arg13 : memref<640xf32, #tpu.memory_space<vmem>>) target(%dma_start3A_312 : memref<640xf32, #tpu.memory_space<hbm>>) target_semaphore(%run_scoped3A : memref<!tpu.dma_semaphore, #tpu.memory_space<semaphore_mem>>)
      %dma_wait3A_313 = tpu.memref_slice %arg7[%arg0, %mul3A_229] : memref<1x10240xf32, #tpu.memory_space<hbm>> -> memref<1x640xf32, #tpu.memory_space<hbm>>
      %dma_wait3A_314 = tpu.memref_squeeze %dma_wait3A_313 : memref<1x640xf32, #tpu.memory_space<hbm>> -> memref<640xf32, #tpu.memory_space<hbm>>
      %dma_wait3A_315 = tpu.memref_slice %arg7[%arg0, %mul3A_229] : memref<1x10240xf32, #tpu.memory_space<hbm>> -> memref<1x640xf32, #tpu.memory_space<hbm>>
      %dma_wait3A_316 = tpu.memref_squeeze %dma_wait3A_315 : memref<1x640xf32, #tpu.memory_space<hbm>> -> memref<640xf32, #tpu.memory_space<hbm>>
      tpu.wait_dma2 semaphore(%run_scoped3A : memref<!tpu.dma_semaphore, #tpu.memory_space<semaphore_mem>>) src(%arg13 : memref<640xf32, #tpu.memory_space<vmem>>) dst(%dma_wait3A_316 : memref<640xf32, #tpu.memory_space<hbm>>)
      tpu.yield
    }) : () -> ()
    %mul3A_230 = arith.constant 640 : i32
    %mul3A_231 = arith.muli %arg1, %mul3A_230 : i32
    "tpu.region"() ({
      %run_scoped3A = tpu.sem_alloc : memref<!tpu.dma_semaphore, #tpu.memory_space<semaphore_mem>>
      %dma_start3A_309 = tpu.memref_slice %arg19[%mul3A_231] : memref<10240xf32, #tpu.memory_space<vmem_shared>> -> memref<640xf32, #tpu.memory_space<vmem_shared>>
      %dma_start3A_310 = tpu.memref_slice %arg19[%mul3A_231] : memref<10240xf32, #tpu.memory_space<vmem_shared>> -> memref<640xf32, #tpu.memory_space<vmem_shared>>
      tpu.enqueue_dma source(%arg14 : memref<640xf32, #tpu.memory_space<vmem>>) target(%dma_start3A_310 : memref<640xf32, #tpu.memory_space<vmem_shared>>) target_semaphore(%run_scoped3A : memref<!tpu.dma_semaphore, #tpu.memory_space<semaphore_mem>>)
      %dma_wait3A_311 = tpu.memref_slice %arg19[%mul3A_231] : memref<10240xf32, #tpu.memory_space<vmem_shared>> -> memref<640xf32, #tpu.memory_space<vmem_shared>>
      %dma_wait3A_312 = tpu.memref_slice %arg19[%mul3A_231] : memref<10240xf32, #tpu.memory_space<vmem_shared>> -> memref<640xf32, #tpu.memory_space<vmem_shared>>
      tpu.wait_dma2 semaphore(%run_scoped3A : memref<!tpu.dma_semaphore, #tpu.memory_space<semaphore_mem>>) src(%arg14 : memref<640xf32, #tpu.memory_space<vmem>>) dst(%dma_wait3A_312 : memref<640xf32, #tpu.memory_space<vmem_shared>>)
      tpu.yield
    }) : () -> ()
    %barrier3A_232 = arith.constant 0 : index
    tpu.barrier barrier_id(%barrier3A_232)
    "tpu.region"() ({
      %run_scoped3A = tpu.sem_alloc : memref<!tpu.dma_semaphore, #tpu.memory_space<semaphore_mem>>
      %dma_start3A_309 = arith.constant 0 : i32
      %dma_start3A_310 = tpu.memref_slice %arg7[%arg0, %dma_start3A_309] : memref<1x10240xf32, #tpu.memory_space<hbm>> -> memref<1x10240xf32, #tpu.memory_space<hbm>>
      %dma_start3A_311 = tpu.memref_squeeze %dma_start3A_310 : memref<1x10240xf32, #tpu.memory_space<hbm>> -> memref<10240xf32, #tpu.memory_space<hbm>>
      %dma_start3A_312 = arith.constant 0 : i32
      %dma_start3A_313 = tpu.memref_slice %arg7[%arg0, %dma_start3A_312] : memref<1x10240xf32, #tpu.memory_space<hbm>> -> memref<1x10240xf32, #tpu.memory_space<hbm>>
      %dma_start3A_314 = tpu.memref_squeeze %dma_start3A_313 : memref<1x10240xf32, #tpu.memory_space<hbm>> -> memref<10240xf32, #tpu.memory_space<hbm>>
      tpu.enqueue_dma source(%dma_start3A_314 : memref<10240xf32, #tpu.memory_space<hbm>>) target(%arg11 : memref<10240xf32, #tpu.memory_space<vmem>>) target_semaphore(%run_scoped3A : memref<!tpu.dma_semaphore, #tpu.memory_space<semaphore_mem>>)
      %dma_wait3A_315 = arith.constant 0 : i32
      %dma_wait3A_316 = tpu.memref_slice %arg7[%arg0, %dma_wait3A_315] : memref<1x10240xf32, #tpu.memory_space<hbm>> -> memref<1x10240xf32, #tpu.memory_space<hbm>>
      %dma_wait3A_317 = tpu.memref_squeeze %dma_wait3A_316 : memref<1x10240xf32, #tpu.memory_space<hbm>> -> memref<10240xf32, #tpu.memory_space<hbm>>
      %dma_wait3A_318 = arith.constant 0 : i32
      %dma_wait3A_319 = tpu.memref_slice %arg7[%arg0, %dma_wait3A_318] : memref<1x10240xf32, #tpu.memory_space<hbm>> -> memref<1x10240xf32, #tpu.memory_space<hbm>>
      %dma_wait3A_320 = tpu.memref_squeeze %dma_wait3A_319 : memref<1x10240xf32, #tpu.memory_space<hbm>> -> memref<10240xf32, #tpu.memory_space<hbm>>
      tpu.wait_dma2 semaphore(%run_scoped3A : memref<!tpu.dma_semaphore, #tpu.memory_space<semaphore_mem>>) src(%dma_wait3A_320 : memref<10240xf32, #tpu.memory_space<hbm>>) dst(%arg11 : memref<10240xf32, #tpu.memory_space<vmem>>)
      tpu.yield
    }) : () -> ()
    %scan3A_233 = arith.constant 0 : i32
    %scan3A_234 = arith.constant 0 : i32
    %scan3A_235 = arith.constant 157 : i32
    %scan3A_236 = arith.addi %scan3A_234, %scan3A_235 : i32
    %scan3A_237 = arith.constant 1 : i32
    %scan3A_238 = scf.for %scan3A_309 = %scan3A_234 to %scan3A_236 step %scan3A_237 iter_args(%scan3A_310 = %scan3A_233) -> (i32)  : i32 {
      %mul3A_311 = arith.constant 128 : i32
      %mul3A_312 = arith.muli %scan3A_309, %mul3A_311 : i32
      %add3A_313 = arith.constant 0 : i32
      %add3A_314 = arith.addi %mul3A_312, %add3A_313 : i32
      %get3A_315 = arith.index_cast %add3A_314 : i32 to index
      %get3A_316 = tpu.vector_load %arg8[%get3A_315] {strides = array<i32>} : memref<20096xi32, #tpu.memory_space<vmem>>, vector<16xi32>,
      %gather3A = tpu.vector_load_idx %arg11[%get3A_316] : memref<10240xf32, #tpu.memory_space<vmem>>[vector<16xi32>], vector<16xf32>,
      %swap3A_317 = arith.index_cast %add3A_314 : i32 to index
      %swap3A_318 = tpu.vector_load %arg10[%swap3A_317] {strides = array<i32>} : memref<20096xf32, #tpu.memory_space<vmem>>, vector<16xf32>,
      tpu.vector_store %arg10[%swap3A_317], %gather3A {strides = array<i32>} : memref<20096xf32, #tpu.memory_space<vmem>>, vector<16xf32>,
      %add3A_319 = arith.constant 16 : i32
      %add3A_320 = arith.addi %mul3A_312, %add3A_319 : i32
      %get3A_321 = arith.index_cast %add3A_320 : i32 to index
      %get3A_322 = tpu.vector_load %arg8[%get3A_321] {strides = array<i32>} : memref<20096xi32, #tpu.memory_space<vmem>>, vector<16xi32>,
      %gather3A_323 = tpu.vector_load_idx %arg11[%get3A_322] : memref<10240xf32, #tpu.memory_space<vmem>>[vector<16xi32>], vector<16xf32>,
      %swap3A_324 = arith.index_cast %add3A_320 : i32 to index
      %swap3A_325 = tpu.vector_load %arg10[%swap3A_324] {strides = array<i32>} : memref<20096xf32, #tpu.memory_space<vmem>>, vector<16xf32>,
      tpu.vector_store %arg10[%swap3A_324], %gather3A_323 {strides = array<i32>} : memref<20096xf32, #tpu.memory_space<vmem>>, vector<16xf32>,
      %add3A_326 = arith.constant 32 : i32
      %add3A_327 = arith.addi %mul3A_312, %add3A_326 : i32
      %get3A_328 = arith.index_cast %add3A_327 : i32 to index
      %get3A_329 = tpu.vector_load %arg8[%get3A_328] {strides = array<i32>} : memref<20096xi32, #tpu.memory_space<vmem>>, vector<16xi32>,
      %gather3A_330 = tpu.vector_load_idx %arg11[%get3A_329] : memref<10240xf32, #tpu.memory_space<vmem>>[vector<16xi32>], vector<16xf32>,
      %swap3A_331 = arith.index_cast %add3A_327 : i32 to index
      %swap3A_332 = tpu.vector_load %arg10[%swap3A_331] {strides = array<i32>} : memref<20096xf32, #tpu.memory_space<vmem>>, vector<16xf32>,
      tpu.vector_store %arg10[%swap3A_331], %gather3A_330 {strides = array<i32>} : memref<20096xf32, #tpu.memory_space<vmem>>, vector<16xf32>,
      %add3A_333 = arith.constant 48 : i32
      %add3A_334 = arith.addi %mul3A_312, %add3A_333 : i32
      %get3A_335 = arith.index_cast %add3A_334 : i32 to index
      %get3A_336 = tpu.vector_load %arg8[%get3A_335] {strides = array<i32>} : memref<20096xi32, #tpu.memory_space<vmem>>, vector<16xi32>,
      %gather3A_337 = tpu.vector_load_idx %arg11[%get3A_336] : memref<10240xf32, #tpu.memory_space<vmem>>[vector<16xi32>], vector<16xf32>,
      %swap3A_338 = arith.index_cast %add3A_334 : i32 to index
      %swap3A_339 = tpu.vector_load %arg10[%swap3A_338] {strides = array<i32>} : memref<20096xf32, #tpu.memory_space<vmem>>, vector<16xf32>,
      tpu.vector_store %arg10[%swap3A_338], %gather3A_337 {strides = array<i32>} : memref<20096xf32, #tpu.memory_space<vmem>>, vector<16xf32>,
      %add3A_340 = arith.constant 64 : i32
      %add3A_341 = arith.addi %mul3A_312, %add3A_340 : i32
      %get3A_342 = arith.index_cast %add3A_341 : i32 to index
      %get3A_343 = tpu.vector_load %arg8[%get3A_342] {strides = array<i32>} : memref<20096xi32, #tpu.memory_space<vmem>>, vector<16xi32>,
      %gather3A_344 = tpu.vector_load_idx %arg11[%get3A_343] : memref<10240xf32, #tpu.memory_space<vmem>>[vector<16xi32>], vector<16xf32>,
      %swap3A_345 = arith.index_cast %add3A_341 : i32 to index
      %swap3A_346 = tpu.vector_load %arg10[%swap3A_345] {strides = array<i32>} : memref<20096xf32, #tpu.memory_space<vmem>>, vector<16xf32>,
      tpu.vector_store %arg10[%swap3A_345], %gather3A_344 {strides = array<i32>} : memref<20096xf32, #tpu.memory_space<vmem>>, vector<16xf32>,
      %add3A_347 = arith.constant 80 : i32
      %add3A_348 = arith.addi %mul3A_312, %add3A_347 : i32
      %get3A_349 = arith.index_cast %add3A_348 : i32 to index
      %get3A_350 = tpu.vector_load %arg8[%get3A_349] {strides = array<i32>} : memref<20096xi32, #tpu.memory_space<vmem>>, vector<16xi32>,
      %gather3A_351 = tpu.vector_load_idx %arg11[%get3A_350] : memref<10240xf32, #tpu.memory_space<vmem>>[vector<16xi32>], vector<16xf32>,
      %swap3A_352 = arith.index_cast %add3A_348 : i32 to index
      %swap3A_353 = tpu.vector_load %arg10[%swap3A_352] {strides = array<i32>} : memref<20096xf32, #tpu.memory_space<vmem>>, vector<16xf32>,
      tpu.vector_store %arg10[%swap3A_352], %gather3A_351 {strides = array<i32>} : memref<20096xf32, #tpu.memory_space<vmem>>, vector<16xf32>,
      %add3A_354 = arith.constant 96 : i32
      %add3A_355 = arith.addi %mul3A_312, %add3A_354 : i32
      %get3A_356 = arith.index_cast %add3A_355 : i32 to index
      %get3A_357 = tpu.vector_load %arg8[%get3A_356] {strides = array<i32>} : memref<20096xi32, #tpu.memory_space<vmem>>, vector<16xi32>,
      %gather3A_358 = tpu.vector_load_idx %arg11[%get3A_357] : memref<10240xf32, #tpu.memory_space<vmem>>[vector<16xi32>], vector<16xf32>,
      %swap3A_359 = arith.index_cast %add3A_355 : i32 to index
      %swap3A_360 = tpu.vector_load %arg10[%swap3A_359] {strides = array<i32>} : memref<20096xf32, #tpu.memory_space<vmem>>, vector<16xf32>,
      tpu.vector_store %arg10[%swap3A_359], %gather3A_358 {strides = array<i32>} : memref<20096xf32, #tpu.memory_space<vmem>>, vector<16xf32>,
      %add3A_361 = arith.constant 112 : i32
      %add3A_362 = arith.addi %mul3A_312, %add3A_361 : i32
      %get3A_363 = arith.index_cast %add3A_362 : i32 to index
      %get3A_364 = tpu.vector_load %arg8[%get3A_363] {strides = array<i32>} : memref<20096xi32, #tpu.memory_space<vmem>>, vector<16xi32>,
      %gather3A_365 = tpu.vector_load_idx %arg11[%get3A_364] : memref<10240xf32, #tpu.memory_space<vmem>>[vector<16xi32>], vector<16xf32>,
      %swap3A_366 = arith.index_cast %add3A_362 : i32 to index
      %swap3A_367 = tpu.vector_load %arg10[%swap3A_366] {strides = array<i32>} : memref<20096xf32, #tpu.memory_space<vmem>>, vector<16xf32>,
      tpu.vector_store %arg10[%swap3A_366], %gather3A_365 {strides = array<i32>} : memref<20096xf32, #tpu.memory_space<vmem>>, vector<16xf32>,
      %dma_start3A_368 = tpu.memref_slice %arg10[%mul3A_312] : memref<20096xf32, #tpu.memory_space<vmem>> -> memref<128xf32, #tpu.memory_space<vmem>>
      %dma_start3A_369 = arith.constant 0 : i32
      %dma_start3A_370 = tpu.memref_slice %arg9[%scan3A_309, %dma_start3A_369] : memref<157x128xi32, #tpu.memory_space<vmem>> -> memref<1x128xi32, #tpu.memory_space<vmem>>
      %dma_start3A_371 = tpu.memref_squeeze %dma_start3A_370 : memref<1x128xi32, #tpu.memory_space<vmem>> -> memref<128xi32, #tpu.memory_space<vmem>>
      %dma_start3A_372 = arith.constant 0 : i32
      %dma_start3A_373 = tpu.memref_slice %arg19[%dma_start3A_372] : memref<10240xf32, #tpu.memory_space<vmem_shared>> -> memref<10240xf32, #tpu.memory_space<vmem_shared>>
      tpu.enqueue_indirect_dma source(%dma_start3A_368 : memref<128xf32, #tpu.memory_space<vmem>>) target(%dma_start3A_373 : memref<10240xf32, #tpu.memory_space<vmem_shared>>) offsets(%dma_start3A_371 : memref<128xi32, #tpu.memory_space<vmem>>) semaphore(%arg22 : memref<!tpu.dma_semaphore, #tpu.memory_space<semaphore_mem>>) {add = true}
      %scan3A_374 = arith.constant 0 : i32
      scf.yield %scan3A_374 : i32
    }
    %scan3A_239 = arith.constant 157 : i32
    %scan3A_240 = arith.constant 0 : i32
    %scan3A_241 = arith.constant 0 : i32
    %scan3A_242 = arith.constant 157 : i32
    %scan3A_243 = arith.addi %scan3A_241, %scan3A_242 : i32
    %scan3A_244 = arith.constant 1 : i32
    %scan3A_245 = scf.for %scan3A_309 = %scan3A_241 to %scan3A_243 step %scan3A_244 iter_args(%scan3A_310 = %scan3A_240) -> (i32)  : i32 {
      %mul3A_311 = arith.constant 128 : i32
      %mul3A_312 = arith.muli %scan3A_309, %mul3A_311 : i32
      %dma_wait3A_313 = tpu.memref_slice %arg10[%mul3A_312] : memref<20096xf32, #tpu.memory_space<vmem>> -> memref<128xf32, #tpu.memory_space<vmem>>
      %dma_wait3A_314 = arith.constant 0 : i32
      %dma_wait3A_315 = tpu.memref_slice %arg9[%scan3A_309, %dma_wait3A_314] : memref<157x128xi32, #tpu.memory_space<vmem>> -> memref<1x128xi32, #tpu.memory_space<vmem>>
      %dma_wait3A_316 = tpu.memref_squeeze %dma_wait3A_315 : memref<1x128xi32, #tpu.memory_space<vmem>> -> memref<128xi32, #tpu.memory_space<vmem>>
      %dma_wait3A_317 = arith.constant 0 : i32
      %dma_wait3A_318 = tpu.memref_slice %arg19[%dma_wait3A_317] : memref<10240xf32, #tpu.memory_space<vmem_shared>> -> memref<10240xf32, #tpu.memory_space<vmem_shared>>
      tpu.wait_indirect_dma semaphore(%arg22 : memref<!tpu.dma_semaphore, #tpu.memory_space<semaphore_mem>>) src(%dma_wait3A_313 : memref<128xf32, #tpu.memory_space<vmem>>) dst(%dma_wait3A_318 : memref<10240xf32, #tpu.memory_space<vmem_shared>>)
      %scan3A_319 = arith.constant 0 : i32
      scf.yield %scan3A_319 : i32
    }
    %scan3A_246 = arith.constant 157 : i32
    %barrier3A_247 = arith.constant 0 : index
    tpu.barrier barrier_id(%barrier3A_247)
    %mul3A_248 = arith.constant 640 : i32
    %mul3A_249 = arith.muli %arg1, %mul3A_248 : i32
    "tpu.region"() ({
      %run_scoped3A = tpu.sem_alloc : memref<!tpu.dma_semaphore, #tpu.memory_space<semaphore_mem>>
      %dma_start3A_309 = tpu.memref_slice %arg19[%mul3A_249] : memref<10240xf32, #tpu.memory_space<vmem_shared>> -> memref<640xf32, #tpu.memory_space<vmem_shared>>
      %dma_start3A_310 = tpu.memref_slice %arg19[%mul3A_249] : memref<10240xf32, #tpu.memory_space<vmem_shared>> -> memref<640xf32, #tpu.memory_space<vmem_shared>>
      tpu.enqueue_dma source(%dma_start3A_310 : memref<640xf32, #tpu.memory_space<vmem_shared>>) target(%arg13 : memref<640xf32, #tpu.memory_space<vmem>>) target_semaphore(%run_scoped3A : memref<!tpu.dma_semaphore, #tpu.memory_space<semaphore_mem>>)
      %dma_wait3A_311 = tpu.memref_slice %arg19[%mul3A_249] : memref<10240xf32, #tpu.memory_space<vmem_shared>> -> memref<640xf32, #tpu.memory_space<vmem_shared>>
      %dma_wait3A_312 = tpu.memref_slice %arg19[%mul3A_249] : memref<10240xf32, #tpu.memory_space<vmem_shared>> -> memref<640xf32, #tpu.memory_space<vmem_shared>>
      tpu.wait_dma2 semaphore(%run_scoped3A : memref<!tpu.dma_semaphore, #tpu.memory_space<semaphore_mem>>) src(%dma_wait3A_312 : memref<640xf32, #tpu.memory_space<vmem_shared>>) dst(%arg13 : memref<640xf32, #tpu.memory_space<vmem>>)
      tpu.yield
    }) : () -> ()
    %get3A_250 = arith.constant 2 : i32
    %get3A_251 = arith.index_cast %get3A_250 : i32 to index
    %get3A_252 = arith.constant 0 : index
    %get3A_253 = tpu.vector_load %arg17[%get3A_251, %get3A_252] {strides = array<i32>} : memref<8x128xf32, #tpu.memory_space<vmem>>, vector<16xf32>,
    %scan3A_254 = arith.constant 0 : i32
    %scan3A_255 = arith.constant 0 : i32
    %scan3A_256 = arith.constant 40 : i32
    %scan3A_257 = arith.addi %scan3A_255, %scan3A_256 : i32
    %scan3A_258 = arith.constant 1 : i32
    %scan3A_259 = scf.for %scan3A_309 = %scan3A_255 to %scan3A_257 step %scan3A_258 iter_args(%scan3A_310 = %scan3A_254) -> (i32)  : i32 {
      %mul3A_311 = arith.constant 16 : i32
      %mul3A_312 = arith.muli %scan3A_309, %mul3A_311 : i32
      %get3A_313 = arith.index_cast %mul3A_312 : i32 to index
      %get3A_314 = tpu.vector_load %arg12[%get3A_313] {strides = array<i32>} : memref<640xf32, #tpu.memory_space<vmem>>, vector<16xf32>,
      %get3A_315 = arith.index_cast %mul3A_312 : i32 to index
      %get3A_316 = tpu.vector_load %arg13[%get3A_315] {strides = array<i32>} : memref<640xf32, #tpu.memory_space<vmem>>, vector<16xf32>,
      %mul3A_317 = arith.mulf %get3A_314, %get3A_316 : vector<16xf32>
      %add3A_318 = arith.addf %mul3A_317, %get3A_253 : vector<16xf32>
      %mul3A_319 = arith.mulf %get3A_314, %add3A_318 : vector<16xf32>
      %swap3A_320 = arith.index_cast %mul3A_312 : i32 to index
      %swap3A_321 = tpu.vector_load %arg13[%swap3A_320] {strides = array<i32>} : memref<640xf32, #tpu.memory_space<vmem>>, vector<16xf32>,
      tpu.vector_store %arg13[%swap3A_320], %mul3A_319 {strides = array<i32>} : memref<640xf32, #tpu.memory_space<vmem>>, vector<16xf32>,
      %scan3A_322 = arith.constant 0 : i32
      scf.yield %scan3A_322 : i32
    }
    %scan3A_260 = arith.constant 40 : i32
    %mul3A_261 = arith.constant 640 : i32
    %mul3A_262 = arith.muli %arg1, %mul3A_261 : i32
    "tpu.region"() ({
      %run_scoped3A = tpu.sem_alloc : memref<!tpu.dma_semaphore, #tpu.memory_space<semaphore_mem>>
      %dma_start3A_309 = tpu.memref_slice %arg7[%arg0, %mul3A_262] : memref<1x10240xf32, #tpu.memory_space<hbm>> -> memref<1x640xf32, #tpu.memory_space<hbm>>
      %dma_start3A_310 = tpu.memref_squeeze %dma_start3A_309 : memref<1x640xf32, #tpu.memory_space<hbm>> -> memref<640xf32, #tpu.memory_space<hbm>>
      %dma_start3A_311 = tpu.memref_slice %arg7[%arg0, %mul3A_262] : memref<1x10240xf32, #tpu.memory_space<hbm>> -> memref<1x640xf32, #tpu.memory_space<hbm>>
      %dma_start3A_312 = tpu.memref_squeeze %dma_start3A_311 : memref<1x640xf32, #tpu.memory_space<hbm>> -> memref<640xf32, #tpu.memory_space<hbm>>
      tpu.enqueue_dma source(%arg13 : memref<640xf32, #tpu.memory_space<vmem>>) target(%dma_start3A_312 : memref<640xf32, #tpu.memory_space<hbm>>) target_semaphore(%run_scoped3A : memref<!tpu.dma_semaphore, #tpu.memory_space<semaphore_mem>>)
      %dma_wait3A_313 = tpu.memref_slice %arg7[%arg0, %mul3A_262] : memref<1x10240xf32, #tpu.memory_space<hbm>> -> memref<1x640xf32, #tpu.memory_space<hbm>>
      %dma_wait3A_314 = tpu.memref_squeeze %dma_wait3A_313 : memref<1x640xf32, #tpu.memory_space<hbm>> -> memref<640xf32, #tpu.memory_space<hbm>>
      %dma_wait3A_315 = tpu.memref_slice %arg7[%arg0, %mul3A_262] : memref<1x10240xf32, #tpu.memory_space<hbm>> -> memref<1x640xf32, #tpu.memory_space<hbm>>
      %dma_wait3A_316 = tpu.memref_squeeze %dma_wait3A_315 : memref<1x640xf32, #tpu.memory_space<hbm>> -> memref<640xf32, #tpu.memory_space<hbm>>
      tpu.wait_dma2 semaphore(%run_scoped3A : memref<!tpu.dma_semaphore, #tpu.memory_space<semaphore_mem>>) src(%arg13 : memref<640xf32, #tpu.memory_space<vmem>>) dst(%dma_wait3A_316 : memref<640xf32, #tpu.memory_space<hbm>>)
      tpu.yield
    }) : () -> ()
    %mul3A_263 = arith.constant 640 : i32
    %mul3A_264 = arith.muli %arg1, %mul3A_263 : i32
    "tpu.region"() ({
      %run_scoped3A = tpu.sem_alloc : memref<!tpu.dma_semaphore, #tpu.memory_space<semaphore_mem>>
      %dma_start3A_309 = tpu.memref_slice %arg19[%mul3A_264] : memref<10240xf32, #tpu.memory_space<vmem_shared>> -> memref<640xf32, #tpu.memory_space<vmem_shared>>
      %dma_start3A_310 = tpu.memref_slice %arg19[%mul3A_264] : memref<10240xf32, #tpu.memory_space<vmem_shared>> -> memref<640xf32, #tpu.memory_space<vmem_shared>>
      tpu.enqueue_dma source(%arg14 : memref<640xf32, #tpu.memory_space<vmem>>) target(%dma_start3A_310 : memref<640xf32, #tpu.memory_space<vmem_shared>>) target_semaphore(%run_scoped3A : memref<!tpu.dma_semaphore, #tpu.memory_space<semaphore_mem>>)
      %dma_wait3A_311 = tpu.memref_slice %arg19[%mul3A_264] : memref<10240xf32, #tpu.memory_space<vmem_shared>> -> memref<640xf32, #tpu.memory_space<vmem_shared>>
      %dma_wait3A_312 = tpu.memref_slice %arg19[%mul3A_264] : memref<10240xf32, #tpu.memory_space<vmem_shared>> -> memref<640xf32, #tpu.memory_space<vmem_shared>>
      tpu.wait_dma2 semaphore(%run_scoped3A : memref<!tpu.dma_semaphore, #tpu.memory_space<semaphore_mem>>) src(%arg14 : memref<640xf32, #tpu.memory_space<vmem>>) dst(%dma_wait3A_312 : memref<640xf32, #tpu.memory_space<vmem_shared>>)
      tpu.yield
    }) : () -> ()
    %barrier3A_265 = arith.constant 0 : index
    tpu.barrier barrier_id(%barrier3A_265)
    "tpu.region"() ({
      %run_scoped3A = tpu.sem_alloc : memref<!tpu.dma_semaphore, #tpu.memory_space<semaphore_mem>>
      %dma_start3A_309 = arith.constant 0 : i32
      %dma_start3A_310 = tpu.memref_slice %arg7[%arg0, %dma_start3A_309] : memref<1x10240xf32, #tpu.memory_space<hbm>> -> memref<1x10240xf32, #tpu.memory_space<hbm>>
      %dma_start3A_311 = tpu.memref_squeeze %dma_start3A_310 : memref<1x10240xf32, #tpu.memory_space<hbm>> -> memref<10240xf32, #tpu.memory_space<hbm>>
      %dma_start3A_312 = arith.constant 0 : i32
      %dma_start3A_313 = tpu.memref_slice %arg7[%arg0, %dma_start3A_312] : memref<1x10240xf32, #tpu.memory_space<hbm>> -> memref<1x10240xf32, #tpu.memory_space<hbm>>
      %dma_start3A_314 = tpu.memref_squeeze %dma_start3A_313 : memref<1x10240xf32, #tpu.memory_space<hbm>> -> memref<10240xf32, #tpu.memory_space<hbm>>
      tpu.enqueue_dma source(%dma_start3A_314 : memref<10240xf32, #tpu.memory_space<hbm>>) target(%arg11 : memref<10240xf32, #tpu.memory_space<vmem>>) target_semaphore(%run_scoped3A : memref<!tpu.dma_semaphore, #tpu.memory_space<semaphore_mem>>)
      %dma_wait3A_315 = arith.constant 0 : i32
      %dma_wait3A_316 = tpu.memref_slice %arg7[%arg0, %dma_wait3A_315] : memref<1x10240xf32, #tpu.memory_space<hbm>> -> memref<1x10240xf32, #tpu.memory_space<hbm>>
      %dma_wait3A_317 = tpu.memref_squeeze %dma_wait3A_316 : memref<1x10240xf32, #tpu.memory_space<hbm>> -> memref<10240xf32, #tpu.memory_space<hbm>>
      %dma_wait3A_318 = arith.constant 0 : i32
      %dma_wait3A_319 = tpu.memref_slice %arg7[%arg0, %dma_wait3A_318] : memref<1x10240xf32, #tpu.memory_space<hbm>> -> memref<1x10240xf32, #tpu.memory_space<hbm>>
      %dma_wait3A_320 = tpu.memref_squeeze %dma_wait3A_319 : memref<1x10240xf32, #tpu.memory_space<hbm>> -> memref<10240xf32, #tpu.memory_space<hbm>>
      tpu.wait_dma2 semaphore(%run_scoped3A : memref<!tpu.dma_semaphore, #tpu.memory_space<semaphore_mem>>) src(%dma_wait3A_320 : memref<10240xf32, #tpu.memory_space<hbm>>) dst(%arg11 : memref<10240xf32, #tpu.memory_space<vmem>>)
      tpu.yield
    }) : () -> ()
    %scan3A_266 = arith.constant 0 : i32
    %scan3A_267 = arith.constant 0 : i32
    %scan3A_268 = arith.constant 157 : i32
    %scan3A_269 = arith.addi %scan3A_267, %scan3A_268 : i32
    %scan3A_270 = arith.constant 1 : i32
    %scan3A_271 = scf.for %scan3A_309 = %scan3A_267 to %scan3A_269 step %scan3A_270 iter_args(%scan3A_310 = %scan3A_266) -> (i32)  : i32 {
      %mul3A_311 = arith.constant 128 : i32
      %mul3A_312 = arith.muli %scan3A_309, %mul3A_311 : i32
      %add3A_313 = arith.constant 0 : i32
      %add3A_314 = arith.addi %mul3A_312, %add3A_313 : i32
      %get3A_315 = arith.index_cast %add3A_314 : i32 to index
      %get3A_316 = tpu.vector_load %arg8[%get3A_315] {strides = array<i32>} : memref<20096xi32, #tpu.memory_space<vmem>>, vector<16xi32>,
      %gather3A = tpu.vector_load_idx %arg11[%get3A_316] : memref<10240xf32, #tpu.memory_space<vmem>>[vector<16xi32>], vector<16xf32>,
      %swap3A_317 = arith.index_cast %add3A_314 : i32 to index
      %swap3A_318 = tpu.vector_load %arg10[%swap3A_317] {strides = array<i32>} : memref<20096xf32, #tpu.memory_space<vmem>>, vector<16xf32>,
      tpu.vector_store %arg10[%swap3A_317], %gather3A {strides = array<i32>} : memref<20096xf32, #tpu.memory_space<vmem>>, vector<16xf32>,
      %add3A_319 = arith.constant 16 : i32
      %add3A_320 = arith.addi %mul3A_312, %add3A_319 : i32
      %get3A_321 = arith.index_cast %add3A_320 : i32 to index
      %get3A_322 = tpu.vector_load %arg8[%get3A_321] {strides = array<i32>} : memref<20096xi32, #tpu.memory_space<vmem>>, vector<16xi32>,
      %gather3A_323 = tpu.vector_load_idx %arg11[%get3A_322] : memref<10240xf32, #tpu.memory_space<vmem>>[vector<16xi32>], vector<16xf32>,
      %swap3A_324 = arith.index_cast %add3A_320 : i32 to index
      %swap3A_325 = tpu.vector_load %arg10[%swap3A_324] {strides = array<i32>} : memref<20096xf32, #tpu.memory_space<vmem>>, vector<16xf32>,
      tpu.vector_store %arg10[%swap3A_324], %gather3A_323 {strides = array<i32>} : memref<20096xf32, #tpu.memory_space<vmem>>, vector<16xf32>,
      %add3A_326 = arith.constant 32 : i32
      %add3A_327 = arith.addi %mul3A_312, %add3A_326 : i32
      %get3A_328 = arith.index_cast %add3A_327 : i32 to index
      %get3A_329 = tpu.vector_load %arg8[%get3A_328] {strides = array<i32>} : memref<20096xi32, #tpu.memory_space<vmem>>, vector<16xi32>,
      %gather3A_330 = tpu.vector_load_idx %arg11[%get3A_329] : memref<10240xf32, #tpu.memory_space<vmem>>[vector<16xi32>], vector<16xf32>,
      %swap3A_331 = arith.index_cast %add3A_327 : i32 to index
      %swap3A_332 = tpu.vector_load %arg10[%swap3A_331] {strides = array<i32>} : memref<20096xf32, #tpu.memory_space<vmem>>, vector<16xf32>,
      tpu.vector_store %arg10[%swap3A_331], %gather3A_330 {strides = array<i32>} : memref<20096xf32, #tpu.memory_space<vmem>>, vector<16xf32>,
      %add3A_333 = arith.constant 48 : i32
      %add3A_334 = arith.addi %mul3A_312, %add3A_333 : i32
      %get3A_335 = arith.index_cast %add3A_334 : i32 to index
      %get3A_336 = tpu.vector_load %arg8[%get3A_335] {strides = array<i32>} : memref<20096xi32, #tpu.memory_space<vmem>>, vector<16xi32>,
      %gather3A_337 = tpu.vector_load_idx %arg11[%get3A_336] : memref<10240xf32, #tpu.memory_space<vmem>>[vector<16xi32>], vector<16xf32>,
      %swap3A_338 = arith.index_cast %add3A_334 : i32 to index
      %swap3A_339 = tpu.vector_load %arg10[%swap3A_338] {strides = array<i32>} : memref<20096xf32, #tpu.memory_space<vmem>>, vector<16xf32>,
      tpu.vector_store %arg10[%swap3A_338], %gather3A_337 {strides = array<i32>} : memref<20096xf32, #tpu.memory_space<vmem>>, vector<16xf32>,
      %add3A_340 = arith.constant 64 : i32
      %add3A_341 = arith.addi %mul3A_312, %add3A_340 : i32
      %get3A_342 = arith.index_cast %add3A_341 : i32 to index
      %get3A_343 = tpu.vector_load %arg8[%get3A_342] {strides = array<i32>} : memref<20096xi32, #tpu.memory_space<vmem>>, vector<16xi32>,
      %gather3A_344 = tpu.vector_load_idx %arg11[%get3A_343] : memref<10240xf32, #tpu.memory_space<vmem>>[vector<16xi32>], vector<16xf32>,
      %swap3A_345 = arith.index_cast %add3A_341 : i32 to index
      %swap3A_346 = tpu.vector_load %arg10[%swap3A_345] {strides = array<i32>} : memref<20096xf32, #tpu.memory_space<vmem>>, vector<16xf32>,
      tpu.vector_store %arg10[%swap3A_345], %gather3A_344 {strides = array<i32>} : memref<20096xf32, #tpu.memory_space<vmem>>, vector<16xf32>,
      %add3A_347 = arith.constant 80 : i32
      %add3A_348 = arith.addi %mul3A_312, %add3A_347 : i32
      %get3A_349 = arith.index_cast %add3A_348 : i32 to index
      %get3A_350 = tpu.vector_load %arg8[%get3A_349] {strides = array<i32>} : memref<20096xi32, #tpu.memory_space<vmem>>, vector<16xi32>,
      %gather3A_351 = tpu.vector_load_idx %arg11[%get3A_350] : memref<10240xf32, #tpu.memory_space<vmem>>[vector<16xi32>], vector<16xf32>,
      %swap3A_352 = arith.index_cast %add3A_348 : i32 to index
      %swap3A_353 = tpu.vector_load %arg10[%swap3A_352] {strides = array<i32>} : memref<20096xf32, #tpu.memory_space<vmem>>, vector<16xf32>,
      tpu.vector_store %arg10[%swap3A_352], %gather3A_351 {strides = array<i32>} : memref<20096xf32, #tpu.memory_space<vmem>>, vector<16xf32>,
      %add3A_354 = arith.constant 96 : i32
      %add3A_355 = arith.addi %mul3A_312, %add3A_354 : i32
      %get3A_356 = arith.index_cast %add3A_355 : i32 to index
      %get3A_357 = tpu.vector_load %arg8[%get3A_356] {strides = array<i32>} : memref<20096xi32, #tpu.memory_space<vmem>>, vector<16xi32>,
      %gather3A_358 = tpu.vector_load_idx %arg11[%get3A_357] : memref<10240xf32, #tpu.memory_space<vmem>>[vector<16xi32>], vector<16xf32>,
      %swap3A_359 = arith.index_cast %add3A_355 : i32 to index
      %swap3A_360 = tpu.vector_load %arg10[%swap3A_359] {strides = array<i32>} : memref<20096xf32, #tpu.memory_space<vmem>>, vector<16xf32>,
      tpu.vector_store %arg10[%swap3A_359], %gather3A_358 {strides = array<i32>} : memref<20096xf32, #tpu.memory_space<vmem>>, vector<16xf32>,
      %add3A_361 = arith.constant 112 : i32
      %add3A_362 = arith.addi %mul3A_312, %add3A_361 : i32
      %get3A_363 = arith.index_cast %add3A_362 : i32 to index
      %get3A_364 = tpu.vector_load %arg8[%get3A_363] {strides = array<i32>} : memref<20096xi32, #tpu.memory_space<vmem>>, vector<16xi32>,
      %gather3A_365 = tpu.vector_load_idx %arg11[%get3A_364] : memref<10240xf32, #tpu.memory_space<vmem>>[vector<16xi32>], vector<16xf32>,
      %swap3A_366 = arith.index_cast %add3A_362 : i32 to index
      %swap3A_367 = tpu.vector_load %arg10[%swap3A_366] {strides = array<i32>} : memref<20096xf32, #tpu.memory_space<vmem>>, vector<16xf32>,
      tpu.vector_store %arg10[%swap3A_366], %gather3A_365 {strides = array<i32>} : memref<20096xf32, #tpu.memory_space<vmem>>, vector<16xf32>,
      %dma_start3A_368 = tpu.memref_slice %arg10[%mul3A_312] : memref<20096xf32, #tpu.memory_space<vmem>> -> memref<128xf32, #tpu.memory_space<vmem>>
      %dma_start3A_369 = arith.constant 0 : i32
      %dma_start3A_370 = tpu.memref_slice %arg9[%scan3A_309, %dma_start3A_369] : memref<157x128xi32, #tpu.memory_space<vmem>> -> memref<1x128xi32, #tpu.memory_space<vmem>>
      %dma_start3A_371 = tpu.memref_squeeze %dma_start3A_370 : memref<1x128xi32, #tpu.memory_space<vmem>> -> memref<128xi32, #tpu.memory_space<vmem>>
      %dma_start3A_372 = arith.constant 0 : i32
      %dma_start3A_373 = tpu.memref_slice %arg19[%dma_start3A_372] : memref<10240xf32, #tpu.memory_space<vmem_shared>> -> memref<10240xf32, #tpu.memory_space<vmem_shared>>
      tpu.enqueue_indirect_dma source(%dma_start3A_368 : memref<128xf32, #tpu.memory_space<vmem>>) target(%dma_start3A_373 : memref<10240xf32, #tpu.memory_space<vmem_shared>>) offsets(%dma_start3A_371 : memref<128xi32, #tpu.memory_space<vmem>>) semaphore(%arg22 : memref<!tpu.dma_semaphore, #tpu.memory_space<semaphore_mem>>) {add = true}
      %scan3A_374 = arith.constant 0 : i32
      scf.yield %scan3A_374 : i32
    }
    %scan3A_272 = arith.constant 157 : i32
    %scan3A_273 = arith.constant 0 : i32
    %scan3A_274 = arith.constant 0 : i32
    %scan3A_275 = arith.constant 157 : i32
    %scan3A_276 = arith.addi %scan3A_274, %scan3A_275 : i32
    %scan3A_277 = arith.constant 1 : i32
    %scan3A_278 = scf.for %scan3A_309 = %scan3A_274 to %scan3A_276 step %scan3A_277 iter_args(%scan3A_310 = %scan3A_273) -> (i32)  : i32 {
      %mul3A_311 = arith.constant 128 : i32
      %mul3A_312 = arith.muli %scan3A_309, %mul3A_311 : i32
      %dma_wait3A_313 = tpu.memref_slice %arg10[%mul3A_312] : memref<20096xf32, #tpu.memory_space<vmem>> -> memref<128xf32, #tpu.memory_space<vmem>>
      %dma_wait3A_314 = arith.constant 0 : i32
      %dma_wait3A_315 = tpu.memref_slice %arg9[%scan3A_309, %dma_wait3A_314] : memref<157x128xi32, #tpu.memory_space<vmem>> -> memref<1x128xi32, #tpu.memory_space<vmem>>
      %dma_wait3A_316 = tpu.memref_squeeze %dma_wait3A_315 : memref<1x128xi32, #tpu.memory_space<vmem>> -> memref<128xi32, #tpu.memory_space<vmem>>
      %dma_wait3A_317 = arith.constant 0 : i32
      %dma_wait3A_318 = tpu.memref_slice %arg19[%dma_wait3A_317] : memref<10240xf32, #tpu.memory_space<vmem_shared>> -> memref<10240xf32, #tpu.memory_space<vmem_shared>>
      tpu.wait_indirect_dma semaphore(%arg22 : memref<!tpu.dma_semaphore, #tpu.memory_space<semaphore_mem>>) src(%dma_wait3A_313 : memref<128xf32, #tpu.memory_space<vmem>>) dst(%dma_wait3A_318 : memref<10240xf32, #tpu.memory_space<vmem_shared>>)
      %scan3A_319 = arith.constant 0 : i32
      scf.yield %scan3A_319 : i32
    }
    %scan3A_279 = arith.constant 157 : i32
    %barrier3A_280 = arith.constant 0 : index
    tpu.barrier barrier_id(%barrier3A_280)
    %mul3A_281 = arith.constant 640 : i32
    %mul3A_282 = arith.muli %arg1, %mul3A_281 : i32
    "tpu.region"() ({
      %run_scoped3A = tpu.sem_alloc : memref<!tpu.dma_semaphore, #tpu.memory_space<semaphore_mem>>
      %dma_start3A_309 = tpu.memref_slice %arg19[%mul3A_282] : memref<10240xf32, #tpu.memory_space<vmem_shared>> -> memref<640xf32, #tpu.memory_space<vmem_shared>>
      %dma_start3A_310 = tpu.memref_slice %arg19[%mul3A_282] : memref<10240xf32, #tpu.memory_space<vmem_shared>> -> memref<640xf32, #tpu.memory_space<vmem_shared>>
      tpu.enqueue_dma source(%dma_start3A_310 : memref<640xf32, #tpu.memory_space<vmem_shared>>) target(%arg13 : memref<640xf32, #tpu.memory_space<vmem>>) target_semaphore(%run_scoped3A : memref<!tpu.dma_semaphore, #tpu.memory_space<semaphore_mem>>)
      %dma_wait3A_311 = tpu.memref_slice %arg19[%mul3A_282] : memref<10240xf32, #tpu.memory_space<vmem_shared>> -> memref<640xf32, #tpu.memory_space<vmem_shared>>
      %dma_wait3A_312 = tpu.memref_slice %arg19[%mul3A_282] : memref<10240xf32, #tpu.memory_space<vmem_shared>> -> memref<640xf32, #tpu.memory_space<vmem_shared>>
      tpu.wait_dma2 semaphore(%run_scoped3A : memref<!tpu.dma_semaphore, #tpu.memory_space<semaphore_mem>>) src(%dma_wait3A_312 : memref<640xf32, #tpu.memory_space<vmem_shared>>) dst(%arg13 : memref<640xf32, #tpu.memory_space<vmem>>)
      tpu.yield
    }) : () -> ()
    %get3A_283 = arith.constant 3 : i32
    %get3A_284 = arith.index_cast %get3A_283 : i32 to index
    %get3A_285 = arith.constant 0 : index
    %get3A_286 = tpu.vector_load %arg17[%get3A_284, %get3A_285] {strides = array<i32>} : memref<8x128xf32, #tpu.memory_space<vmem>>, vector<16xf32>,
    %scan3A_287 = arith.constant 0 : i32
    %scan3A_288 = arith.constant 0 : i32
    %scan3A_289 = arith.constant 40 : i32
    %scan3A_290 = arith.addi %scan3A_288, %scan3A_289 : i32
    %scan3A_291 = arith.constant 1 : i32
    %scan3A_292 = scf.for %scan3A_309 = %scan3A_288 to %scan3A_290 step %scan3A_291 iter_args(%scan3A_310 = %scan3A_287) -> (i32)  : i32 {
      %mul3A_311 = arith.constant 16 : i32
      %mul3A_312 = arith.muli %scan3A_309, %mul3A_311 : i32
      %get3A_313 = arith.index_cast %mul3A_312 : i32 to index
      %get3A_314 = tpu.vector_load %arg12[%get3A_313] {strides = array<i32>} : memref<640xf32, #tpu.memory_space<vmem>>, vector<16xf32>,
      %get3A_315 = arith.index_cast %mul3A_312 : i32 to index
      %get3A_316 = tpu.vector_load %arg13[%get3A_315] {strides = array<i32>} : memref<640xf32, #tpu.memory_space<vmem>>, vector<16xf32>,
      %mul3A_317 = arith.mulf %get3A_314, %get3A_316 : vector<16xf32>
      %add3A_318 = arith.addf %mul3A_317, %get3A_286 : vector<16xf32>
      %swap3A_319 = arith.index_cast %mul3A_312 : i32 to index
      %swap3A_320 = tpu.vector_load %arg13[%swap3A_319] {strides = array<i32>} : memref<640xf32, #tpu.memory_space<vmem>>, vector<16xf32>,
      tpu.vector_store %arg13[%swap3A_319], %add3A_318 {strides = array<i32>} : memref<640xf32, #tpu.memory_space<vmem>>, vector<16xf32>,
      %scan3A_321 = arith.constant 0 : i32
      scf.yield %scan3A_321 : i32
    }
    %scan3A_293 = arith.constant 40 : i32
    %scan3A_294 = arith.constant 0 : i32
    %scan3A_295 = arith.constant 0 : i32
    %scan3A_296 = arith.constant 5 : i32
    %scan3A_297 = arith.addi %scan3A_295, %scan3A_296 : i32
    %scan3A_298 = arith.constant 1 : i32
    %scan3A_299 = scf.for %scan3A_309 = %scan3A_295 to %scan3A_297 step %scan3A_298 iter_args(%scan3A_310 = %scan3A_294) -> (i32)  : i32 {
      %mul3A_311 = arith.constant 128 : i32
      %mul3A_312 = arith.muli %scan3A_309, %mul3A_311 : i32
      "tpu.region"() ({
        %run_scoped3A = tpu.sem_alloc : memref<!tpu.dma_semaphore, #tpu.memory_space<semaphore_mem>>
        %dma_start3A_314 = tpu.memref_slice %arg13[%mul3A_312] : memref<640xf32, #tpu.memory_space<vmem>> -> memref<128xf32, #tpu.memory_space<vmem>>
        %dma_start3A_315 = arith.constant 0 : i32
        %dma_start3A_316 = tpu.memref_slice %arg16[%scan3A_309, %dma_start3A_315] : memref<5x128xi32, #tpu.memory_space<vmem>> -> memref<1x128xi32, #tpu.memory_space<vmem>>
        %dma_start3A_317 = tpu.memref_squeeze %dma_start3A_316 : memref<1x128xi32, #tpu.memory_space<vmem>> -> memref<128xi32, #tpu.memory_space<vmem>>
        %dma_start3A_318 = arith.constant 0 : i32
        %dma_start3A_319 = tpu.memref_slice %arg20[%dma_start3A_318] : memref<64xf32, #tpu.memory_space<vmem_shared>> -> memref<64xf32, #tpu.memory_space<vmem_shared>>
        tpu.enqueue_indirect_dma source(%dma_start3A_314 : memref<128xf32, #tpu.memory_space<vmem>>) target(%dma_start3A_319 : memref<64xf32, #tpu.memory_space<vmem_shared>>) offsets(%dma_start3A_317 : memref<128xi32, #tpu.memory_space<vmem>>) semaphore(%run_scoped3A : memref<!tpu.dma_semaphore, #tpu.memory_space<semaphore_mem>>) {add = true}
        %dma_wait3A_320 = tpu.memref_slice %arg13[%mul3A_312] : memref<640xf32, #tpu.memory_space<vmem>> -> memref<128xf32, #tpu.memory_space<vmem>>
        %dma_wait3A_321 = arith.constant 0 : i32
        %dma_wait3A_322 = tpu.memref_slice %arg16[%scan3A_309, %dma_wait3A_321] : memref<5x128xi32, #tpu.memory_space<vmem>> -> memref<1x128xi32, #tpu.memory_space<vmem>>
        %dma_wait3A_323 = tpu.memref_squeeze %dma_wait3A_322 : memref<1x128xi32, #tpu.memory_space<vmem>> -> memref<128xi32, #tpu.memory_space<vmem>>
        %dma_wait3A_324 = arith.constant 0 : i32
        %dma_wait3A_325 = tpu.memref_slice %arg20[%dma_wait3A_324] : memref<64xf32, #tpu.memory_space<vmem_shared>> -> memref<64xf32, #tpu.memory_space<vmem_shared>>
        tpu.wait_indirect_dma semaphore(%run_scoped3A : memref<!tpu.dma_semaphore, #tpu.memory_space<semaphore_mem>>) src(%dma_wait3A_320 : memref<128xf32, #tpu.memory_space<vmem>>) dst(%dma_wait3A_325 : memref<64xf32, #tpu.memory_space<vmem_shared>>)
        tpu.yield
      }) : () -> ()
      "tpu.region"() ({
        %run_scoped3A = tpu.sem_alloc : memref<!tpu.dma_semaphore, #tpu.memory_space<semaphore_mem>>
        %dma_start3A_314 = arith.constant 0 : i32
        %dma_start3A_315 = tpu.memref_slice %arg15[%dma_start3A_314] : memref<640xf32, #tpu.memory_space<vmem>> -> memref<128xf32, #tpu.memory_space<vmem>>
        %dma_start3A_316 = arith.constant 0 : i32
        %dma_start3A_317 = tpu.memref_slice %arg16[%scan3A_309, %dma_start3A_316] : memref<5x128xi32, #tpu.memory_space<vmem>> -> memref<1x128xi32, #tpu.memory_space<vmem>>
        %dma_start3A_318 = tpu.memref_squeeze %dma_start3A_317 : memref<1x128xi32, #tpu.memory_space<vmem>> -> memref<128xi32, #tpu.memory_space<vmem>>
        %dma_start3A_319 = arith.constant 0 : i32
        %dma_start3A_320 = tpu.memref_slice %arg21[%dma_start3A_319] : memref<64xf32, #tpu.memory_space<vmem_shared>> -> memref<64xf32, #tpu.memory_space<vmem_shared>>
        tpu.enqueue_indirect_dma source(%dma_start3A_315 : memref<128xf32, #tpu.memory_space<vmem>>) target(%dma_start3A_320 : memref<64xf32, #tpu.memory_space<vmem_shared>>) offsets(%dma_start3A_318 : memref<128xi32, #tpu.memory_space<vmem>>) semaphore(%run_scoped3A : memref<!tpu.dma_semaphore, #tpu.memory_space<semaphore_mem>>) {add = true}
        %dma_wait3A_321 = arith.constant 0 : i32
        %dma_wait3A_322 = tpu.memref_slice %arg15[%dma_wait3A_321] : memref<640xf32, #tpu.memory_space<vmem>> -> memref<128xf32, #tpu.memory_space<vmem>>
        %dma_wait3A_323 = arith.constant 0 : i32
        %dma_wait3A_324 = tpu.memref_slice %arg16[%scan3A_309, %dma_wait3A_323] : memref<5x128xi32, #tpu.memory_space<vmem>> -> memref<1x128xi32, #tpu.memory_space<vmem>>
        %dma_wait3A_325 = tpu.memref_squeeze %dma_wait3A_324 : memref<1x128xi32, #tpu.memory_space<vmem>> -> memref<128xi32, #tpu.memory_space<vmem>>
        %dma_wait3A_326 = arith.constant 0 : i32
        %dma_wait3A_327 = tpu.memref_slice %arg21[%dma_wait3A_326] : memref<64xf32, #tpu.memory_space<vmem_shared>> -> memref<64xf32, #tpu.memory_space<vmem_shared>>
        tpu.wait_indirect_dma semaphore(%run_scoped3A : memref<!tpu.dma_semaphore, #tpu.memory_space<semaphore_mem>>) src(%dma_wait3A_322 : memref<128xf32, #tpu.memory_space<vmem>>) dst(%dma_wait3A_327 : memref<64xf32, #tpu.memory_space<vmem_shared>>)
        tpu.yield
      }) : () -> ()
      %scan3A_313 = arith.constant 0 : i32
      scf.yield %scan3A_313 : i32
    }
    %scan3A_300 = arith.constant 5 : i32
    %barrier3A_301 = arith.constant 0 : index
    tpu.barrier barrier_id(%barrier3A_301)
    %eq3A_302 = arith.constant 0 : i32
    %eq3A_303 = arith.cmpi eq, %arg1, %eq3A_302 : i32
    %eq3A_304 = arith.constant 0 : i32
    %eq3A_305 = arith.cmpi eq, %arg0, %eq3A_304 : i32
    %and3A = arith.andi %eq3A_303, %eq3A_305 : i1
    %convert_element_type3A_306 = arith.extui %and3A : i1 to i32
    %cond3A_307 = arith.constant 0 : i32
    %cond3A_308 = arith.cmpi ne, %convert_element_type3A_306, %cond3A_307 : i32
    scf.if %cond3A_308 {
      "tpu.region"() ({
        %run_scoped3A = tpu.sem_alloc : memref<!tpu.dma_semaphore, #tpu.memory_space<semaphore_mem>>
        tpu.enqueue_dma source(%arg20 : memref<64xf32, #tpu.memory_space<vmem_shared>>) target(%arg18 : memref<64xf32, #tpu.memory_space<vmem>>) target_semaphore(%run_scoped3A : memref<!tpu.dma_semaphore, #tpu.memory_space<semaphore_mem>>)
        tpu.wait_dma2 semaphore(%run_scoped3A : memref<!tpu.dma_semaphore, #tpu.memory_space<semaphore_mem>>) src(%arg20 : memref<64xf32, #tpu.memory_space<vmem_shared>>) dst(%arg18 : memref<64xf32, #tpu.memory_space<vmem>>)
        tpu.yield
      }) : () -> ()
      "tpu.region"() ({
        %run_scoped3A = tpu.sem_alloc : memref<!tpu.dma_semaphore, #tpu.memory_space<semaphore_mem>>
        %dma_start3A_333 = arith.constant 0 : i32
        %dma_start3A_334 = tpu.memref_slice %arg13[%dma_start3A_333] : memref<640xf32, #tpu.memory_space<vmem>> -> memref<64xf32, #tpu.memory_space<vmem>>
        %dma_start3A_335 = arith.constant 0 : i32
        %dma_start3A_336 = tpu.memref_slice %arg13[%dma_start3A_335] : memref<640xf32, #tpu.memory_space<vmem>> -> memref<64xf32, #tpu.memory_space<vmem>>
        tpu.enqueue_dma source(%arg21 : memref<64xf32, #tpu.memory_space<vmem_shared>>) target(%dma_start3A_336 : memref<64xf32, #tpu.memory_space<vmem>>) target_semaphore(%run_scoped3A : memref<!tpu.dma_semaphore, #tpu.memory_space<semaphore_mem>>)
        %dma_wait3A_337 = arith.constant 0 : i32
        %dma_wait3A_338 = tpu.memref_slice %arg13[%dma_wait3A_337] : memref<640xf32, #tpu.memory_space<vmem>> -> memref<64xf32, #tpu.memory_space<vmem>>
        %dma_wait3A_339 = arith.constant 0 : i32
        %dma_wait3A_340 = tpu.memref_slice %arg13[%dma_wait3A_339] : memref<640xf32, #tpu.memory_space<vmem>> -> memref<64xf32, #tpu.memory_space<vmem>>
        tpu.wait_dma2 semaphore(%run_scoped3A : memref<!tpu.dma_semaphore, #tpu.memory_space<semaphore_mem>>) src(%arg21 : memref<64xf32, #tpu.memory_space<vmem_shared>>) dst(%dma_wait3A_340 : memref<64xf32, #tpu.memory_space<vmem>>)
        tpu.yield
      }) : () -> ()
      %get3A_309 = arith.constant 0 : index
      %get3A_310 = tpu.vector_load %arg13[%get3A_309] {strides = array<i32>} : memref<640xf32, #tpu.memory_space<vmem>>, vector<16xf32>,
      %get3A_311 = arith.constant 16 : index
      %get3A_312 = tpu.vector_load %arg13[%get3A_311] {strides = array<i32>} : memref<640xf32, #tpu.memory_space<vmem>>, vector<16xf32>,
      %max3A = arith.maximumf %get3A_310, %get3A_312 : vector<16xf32>
      %reduce_max3A = arith.constant true
      %reduce_max3A_313 = vector.broadcast %reduce_max3A : i1 to vector<16xi1>
      %reduce_max3A_314 = tpu.scan <max>, %max3A masked %reduce_max3A_313 : vector<16xf32>, vector<16xi1> -> vector<16xf32>
      %reduce_max3A_315 = vector.extract %reduce_max3A_314[15] : f32 from vector<16xf32>
      %get3A_316 = arith.constant 4 : i32
      %get3A_317 = arith.index_cast %get3A_316 : i32 to index
      %get3A_318 = arith.constant 0 : index
      %get3A_319 = tpu.vector_load %arg17[%get3A_317, %get3A_318] {strides = array<i32>} : memref<8x128xf32, #tpu.memory_space<vmem>>, vector<16xf32>,
      %get3A_320 = arith.constant 0 : index
      %get3A_321 = tpu.vector_load %arg18[%get3A_320] {strides = array<i32>} : memref<64xf32, #tpu.memory_space<vmem>>, vector<16xf32>,
      %div3A = vector.broadcast %reduce_max3A_315 : f32 to vector<16xf32>
      %div3A_322 = arith.divf %get3A_321, %div3A : vector<16xf32>
      %add3A_323 = arith.addf %div3A_322, %get3A_319 : vector<16xf32>
      %swap3A_324 = arith.constant 0 : index
      %swap3A_325 = tpu.vector_load %arg18[%swap3A_324] {strides = array<i32>} : memref<64xf32, #tpu.memory_space<vmem>>, vector<16xf32>,
      tpu.vector_store %arg18[%swap3A_324], %add3A_323 {strides = array<i32>} : memref<64xf32, #tpu.memory_space<vmem>>, vector<16xf32>,
      %get3A_326 = arith.constant 16 : index
      %get3A_327 = tpu.vector_load %arg18[%get3A_326] {strides = array<i32>} : memref<64xf32, #tpu.memory_space<vmem>>, vector<16xf32>,
      %div3A_328 = vector.broadcast %reduce_max3A_315 : f32 to vector<16xf32>
      %div3A_329 = arith.divf %get3A_327, %div3A_328 : vector<16xf32>
      %add3A_330 = arith.addf %div3A_329, %get3A_319 : vector<16xf32>
      %swap3A_331 = arith.constant 16 : index
      %swap3A_332 = tpu.vector_load %arg18[%swap3A_331] {strides = array<i32>} : memref<64xf32, #tpu.memory_space<vmem>>, vector<16xf32>,
      tpu.vector_store %arg18[%swap3A_331], %add3A_330 {strides = array<i32>} : memref<64xf32, #tpu.memory_space<vmem>>, vector<16xf32>,
      "tpu.region"() ({
        %run_scoped3A = tpu.sem_alloc : memref<!tpu.dma_semaphore, #tpu.memory_space<semaphore_mem>>
        %dma_start3A_333 = arith.constant 0 : i32
        %dma_start3A_334 = tpu.memref_slice %arg18[%dma_start3A_333] : memref<64xf32, #tpu.memory_space<vmem>> -> memref<32xf32, #tpu.memory_space<vmem>>
        %dma_start3A_335 = arith.constant 0 : i32
        %dma_start3A_336 = tpu.memref_slice %arg18[%dma_start3A_335] : memref<64xf32, #tpu.memory_space<vmem>> -> memref<32xf32, #tpu.memory_space<vmem>>
        tpu.enqueue_dma source(%dma_start3A_336 : memref<32xf32, #tpu.memory_space<vmem>>) target(%arg6 : memref<32xf32, #tpu.memory_space<hbm>>) target_semaphore(%run_scoped3A : memref<!tpu.dma_semaphore, #tpu.memory_space<semaphore_mem>>)
        %dma_wait3A_337 = arith.constant 0 : i32
        %dma_wait3A_338 = tpu.memref_slice %arg18[%dma_wait3A_337] : memref<64xf32, #tpu.memory_space<vmem>> -> memref<32xf32, #tpu.memory_space<vmem>>
        %dma_wait3A_339 = arith.constant 0 : i32
        %dma_wait3A_340 = tpu.memref_slice %arg18[%dma_wait3A_339] : memref<64xf32, #tpu.memory_space<vmem>> -> memref<32xf32, #tpu.memory_space<vmem>>
        tpu.wait_dma2 semaphore(%run_scoped3A : memref<!tpu.dma_semaphore, #tpu.memory_space<semaphore_mem>>) src(%dma_wait3A_340 : memref<32xf32, #tpu.memory_space<vmem>>) dst(%arg6 : memref<32xf32, #tpu.memory_space<hbm>>)
        tpu.yield
      }) : () -> ()
    } else {
    }
    return
  }
}

module attributes {stable_mosaic.version = 14 : i64} {
  func.func @_tc_body(%arg0: memref<10000x128xf32, #tpu.memory_space<vmem>>, %arg1: memref<128x64xf32, #tpu.memory_space<vmem>>, %arg2: memref<64x64xf32, #tpu.memory_space<vmem>>, %arg3: memref<64x64xf32, #tpu.memory_space<vmem>>, %arg4: memref<64x64xf32, #tpu.memory_space<vmem>>, %arg5: memref<64x1xf32, #tpu.memory_space<vmem>>, %arg6: memref<1x64xf32, #tpu.memory_space<vmem>>, %arg7: memref<1x64xf32, #tpu.memory_space<vmem>>, %arg8: memref<1x64xf32, #tpu.memory_space<vmem>>, %arg9: memref<1x64xf32, #tpu.memory_space<vmem>>, %arg10: memref<1x1xf32, #tpu.memory_space<vmem>>, %arg11: memref<10000x1xf32, #tpu.memory_space<vmem>>, %arg12: memref<8x128xf32, #tpu.memory_space<vmem>>) attributes {dimension_semantics = [], scalar_prefetch = 0 : i64, scratch_operands = 0 : i64, tpu.core_type = #tpu.core_type<tc>} {
    %get3A = arith.constant 0 : index
    %get3A_0 = arith.constant 0 : index
    %get3A_1 = vector.load %arg1[%get3A, %get3A_0] : memref<128x64xf32, #tpu.memory_space<vmem>>, vector<128x64xf32>
    %convert_element_type3A = arith.truncf %get3A_1 : vector<128x64xf32> to vector<128x64xbf16>
    %convert_element_type3A_2 = arith.extf %convert_element_type3A : vector<128x64xbf16> to vector<128x64xf32>
    %get3A_3 = arith.constant 0 : index
    %get3A_4 = arith.constant 0 : index
    %get3A_5 = vector.load %arg2[%get3A_3, %get3A_4] : memref<64x64xf32, #tpu.memory_space<vmem>>, vector<64x64xf32>
    %convert_element_type3A_6 = arith.truncf %get3A_5 : vector<64x64xf32> to vector<64x64xbf16>
    %convert_element_type3A_7 = arith.extf %convert_element_type3A_6 : vector<64x64xbf16> to vector<64x64xf32>
    %get3A_8 = arith.constant 0 : index
    %get3A_9 = arith.constant 0 : index
    %get3A_10 = vector.load %arg3[%get3A_8, %get3A_9] : memref<64x64xf32, #tpu.memory_space<vmem>>, vector<64x64xf32>
    %convert_element_type3A_11 = arith.truncf %get3A_10 : vector<64x64xf32> to vector<64x64xbf16>
    %convert_element_type3A_12 = arith.extf %convert_element_type3A_11 : vector<64x64xbf16> to vector<64x64xf32>
    %get3A_13 = arith.constant 0 : index
    %get3A_14 = arith.constant 0 : index
    %get3A_15 = vector.load %arg4[%get3A_13, %get3A_14] : memref<64x64xf32, #tpu.memory_space<vmem>>, vector<64x64xf32>
    %convert_element_type3A_16 = arith.truncf %get3A_15 : vector<64x64xf32> to vector<64x64xbf16>
    %convert_element_type3A_17 = arith.extf %convert_element_type3A_16 : vector<64x64xbf16> to vector<64x64xf32>
    %get3A_18 = arith.constant 0 : index
    %get3A_19 = arith.constant 0 : index
    %get3A_20 = vector.load %arg5[%get3A_18, %get3A_19] : memref<64x1xf32, #tpu.memory_space<vmem>>, vector<64x1xf32>
    %convert_element_type3A_21 = arith.truncf %get3A_20 : vector<64x1xf32> to vector<64x1xbf16>
    %convert_element_type3A_22 = arith.extf %convert_element_type3A_21 : vector<64x1xbf16> to vector<64x1xf32>
    %dot_general3A = arith.constant dense<0.000000e+00> : vector<64x1xf32>
    %dot_general3A_23 = tpu.matmul %convert_element_type3A_17, %convert_element_type3A_22, %dot_general3A {dimension_numbers = #tpu.dot_dimension_numbers<[1], [0], [0], [1], [0, 0, 1, 1], [], []>, precision = #tpu.contract_precision<fp32>, transpose_lhs_hint = false} : vector<64x64xf32>, vector<64x1xf32>, vector<64x1xf32> -> vector<64x1xf32>
    %dot_general3A_24 = arith.constant dense<0.000000e+00> : vector<64x1xf32>
    %dot_general3A_25 = tpu.matmul %convert_element_type3A_12, %dot_general3A_23, %dot_general3A_24 {dimension_numbers = #tpu.dot_dimension_numbers<[1], [0], [0], [1], [0, 0, 1, 1], [], []>, precision = #tpu.contract_precision<fp32>, transpose_lhs_hint = false} : vector<64x64xf32>, vector<64x1xf32>, vector<64x1xf32> -> vector<64x1xf32>
    %dot_general3A_26 = arith.constant dense<0.000000e+00> : vector<64x1xf32>
    %dot_general3A_27 = tpu.matmul %convert_element_type3A_7, %dot_general3A_25, %dot_general3A_26 {dimension_numbers = #tpu.dot_dimension_numbers<[1], [0], [0], [1], [0, 0, 1, 1], [], []>, precision = #tpu.contract_precision<fp32>, transpose_lhs_hint = false} : vector<64x64xf32>, vector<64x1xf32>, vector<64x1xf32> -> vector<64x1xf32>
    %dot_general3A_28 = arith.constant dense<0.000000e+00> : vector<128x1xf32>
    %dot_general3A_29 = tpu.matmul %convert_element_type3A_2, %dot_general3A_27, %dot_general3A_28 {dimension_numbers = #tpu.dot_dimension_numbers<[1], [0], [0], [1], [0, 0, 1, 1], [], []>, precision = #tpu.contract_precision<fp32>, transpose_lhs_hint = false} : vector<128x64xf32>, vector<64x1xf32>, vector<128x1xf32> -> vector<128x1xf32>
    %get3A_30 = arith.constant 0 : index
    %get3A_31 = arith.constant 0 : index
    %get3A_32 = vector.load %arg0[%get3A_30, %get3A_31] : memref<10000x128xf32, #tpu.memory_space<vmem>>, vector<10000x128xf32>
    %convert_element_type3A_33 = arith.truncf %get3A_32 : vector<10000x128xf32> to vector<10000x128xbf16>
    %convert_element_type3A_34 = arith.extf %convert_element_type3A_33 : vector<10000x128xbf16> to vector<10000x128xf32>
    %dot_general3A_35 = arith.constant dense<0.000000e+00> : vector<10000x1xf32>
    %dot_general3A_36 = tpu.matmul %convert_element_type3A_34, %dot_general3A_29, %dot_general3A_35 {dimension_numbers = #tpu.dot_dimension_numbers<[1], [0], [0], [1], [0, 0, 1, 1], [], []>, precision = #tpu.contract_precision<fp32>, transpose_lhs_hint = false} : vector<10000x128xf32>, vector<128x1xf32>, vector<10000x1xf32> -> vector<10000x1xf32>
    %swap3A = arith.constant 0 : index
    %swap3A_37 = arith.constant 0 : index
    %swap3A_38 = vector.load %arg11[%swap3A, %swap3A_37] : memref<10000x1xf32, #tpu.memory_space<vmem>>, vector<10000x1xf32>
    tpu.vector_store %arg11[%swap3A, %swap3A_37], %dot_general3A_36 {strides = array<i32>} : memref<10000x1xf32, #tpu.memory_space<vmem>>, vector<10000x1xf32>,
    %get3A_39 = arith.constant 0 : index
    %get3A_40 = arith.constant 0 : index
    %get3A_41 = vector.load %arg6[%get3A_39, %get3A_40] : memref<1x64xf32, #tpu.memory_space<vmem>>, vector<1x64xf32>
    %dot_general3A_42 = arith.constant dense<0.000000e+00> : vector<1x1xf32>
    %dot_general3A_43 = tpu.matmul %get3A_41, %dot_general3A_27, %dot_general3A_42 {dimension_numbers = #tpu.dot_dimension_numbers<[1], [0], [0], [1], [0, 0, 1, 1], [], []>, precision = #tpu.contract_precision<fp32>, transpose_lhs_hint = false} : vector<1x64xf32>, vector<64x1xf32>, vector<1x1xf32> -> vector<1x1xf32>
    %get3A_44 = arith.constant 0 : index
    %get3A_45 = arith.constant 0 : index
    %get3A_46 = vector.load %arg7[%get3A_44, %get3A_45] : memref<1x64xf32, #tpu.memory_space<vmem>>, vector<1x64xf32>
    %dot_general3A_47 = arith.constant dense<0.000000e+00> : vector<1x1xf32>
    %dot_general3A_48 = tpu.matmul %get3A_46, %dot_general3A_25, %dot_general3A_47 {dimension_numbers = #tpu.dot_dimension_numbers<[1], [0], [0], [1], [0, 0, 1, 1], [], []>, precision = #tpu.contract_precision<fp32>, transpose_lhs_hint = false} : vector<1x64xf32>, vector<64x1xf32>, vector<1x1xf32> -> vector<1x1xf32>
    %get3A_49 = arith.constant 0 : index
    %get3A_50 = arith.constant 0 : index
    %get3A_51 = vector.load %arg8[%get3A_49, %get3A_50] : memref<1x64xf32, #tpu.memory_space<vmem>>, vector<1x64xf32>
    %dot_general3A_52 = arith.constant dense<0.000000e+00> : vector<1x1xf32>
    %dot_general3A_53 = tpu.matmul %get3A_51, %dot_general3A_23, %dot_general3A_52 {dimension_numbers = #tpu.dot_dimension_numbers<[1], [0], [0], [1], [0, 0, 1, 1], [], []>, precision = #tpu.contract_precision<fp32>, transpose_lhs_hint = false} : vector<1x64xf32>, vector<64x1xf32>, vector<1x1xf32> -> vector<1x1xf32>
    %get3A_54 = arith.constant 0 : index
    %get3A_55 = arith.constant 0 : index
    %get3A_56 = vector.load %arg9[%get3A_54, %get3A_55] : memref<1x64xf32, #tpu.memory_space<vmem>>, vector<1x64xf32>
    %dot_general3A_57 = arith.constant dense<0.000000e+00> : vector<1x1xf32>
    %dot_general3A_58 = tpu.matmul %get3A_56, %convert_element_type3A_22, %dot_general3A_57 {dimension_numbers = #tpu.dot_dimension_numbers<[1], [0], [0], [1], [0, 0, 1, 1], [], []>, precision = #tpu.contract_precision<fp32>, transpose_lhs_hint = false} : vector<1x64xf32>, vector<64x1xf32>, vector<1x1xf32> -> vector<1x1xf32>
    %get3A_59 = arith.constant 0 : index
    %get3A_60 = arith.constant 0 : index
    %get3A_61 = vector.load %arg10[%get3A_59, %get3A_60] : memref<1x1xf32, #tpu.memory_space<vmem>>, vector<1x1xf32>
    %broadcast_in_dim3A = arith.constant 0.000000e+00 : f32
    %broadcast_in_dim3A_62 = vector.broadcast %broadcast_in_dim3A : f32 to vector<3x1xf32>
    %concatenate3A = tpu.concatenate %dot_general3A_43, %dot_general3A_48, %dot_general3A_53, %dot_general3A_58, %get3A_61, %broadcast_in_dim3A_62 in 0 : vector<1x1xf32>, vector<1x1xf32>, vector<1x1xf32>, vector<1x1xf32>, vector<1x1xf32>, vector<3x1xf32> -> vector<8x1xf32>
    %broadcast_in_dim3A_63 = vector.shape_cast %concatenate3A : vector<8x1xf32> to vector<8x1xf32>
    %broadcast_in_dim3A_64 = vector.broadcast %broadcast_in_dim3A_63 : vector<8x1xf32> to vector<8x128xf32>
    %swap3A_65 = arith.constant 0 : index
    %swap3A_66 = arith.constant 0 : index
    %swap3A_67 = vector.load %arg12[%swap3A_65, %swap3A_66] : memref<8x128xf32, #tpu.memory_space<vmem>>, vector<8x128xf32>
    tpu.vector_store %arg12[%swap3A_65, %swap3A_66], %broadcast_in_dim3A_64 {strides = array<i32>} : memref<8x128xf32, #tpu.memory_space<vmem>>, vector<8x128xf32>,
    return
  }
}

</mosaic_0001>

<sc_bundles>
// kernel: kernel.4.cloned.1.call-start
scs
__scs_entry_jumppad:
0x0: {  	(pc) =	sbr.rel $0x88, $3  }
0x1: {  	(tag) =	ssettag $0x0;
	lr =	simm.s32 $0x1  }
0x2: {  	[smem:$0x3F94] =	sst lr;
	_ =	strace $0xD0000000  }
0x3: {  	_ = 	snop  }
0x4: {  	_ = 	snop  }
0x5: {  	_ = 	snop  }
0x6: {  	_ = 	snop  }
0x7: {  	_ = 	snop  }
__scs_overlays_trampoline_lowered:
0x8: {  	[smem:$0x3FA3] =	sst s0  }
0x9: {  	[smem:$0x3FA4] =	sst s1  }
0xa: {  	[smem:$0x3FA5] =	sst s2  }
0xb: {  	[smem:$0x3FA6] =	sst s3  }
0xc: {  	[smem:$0x3FA7] =	sst s4  }
0xd: {  	[smem:$0x3FA8] =	sst s5  }
0xe: {  	[smem:$0x3FA9] =	sst s6  }
0xf: {  	[smem:$0x3FAA] =	sst s7  }
0x10: {  	[smem:$0x3FAB] =	sst s8  }
0x11: {  	[smem:$0x3FAC] =	sst s9;
	s0 =	simm.s32 @!p0 $0x0  }
0x12: {  	s1 =	sld [smem:$0x3F92];
	s0 =	simm.s32 @p0 $0x1  }
0x13: {  	[smem:$0x3FAD] =	sst s0;
	s0 =	simm.s32 @!p1 $0x0  }
0x14: {  	s2 =	sld [smem:$0x3F91];
	s0 =	simm.s32 @p1 $0x1  }
0x15: {  	[smem:$0x3FAE] =	sst s0;
	s0 =	simm.s32 @!p2 $0x0  }
0x16: {  	s3 =	sld [smem:$0x3FDB];
	s0 =	simm.s32 @p2 $0x1  }
0x17: {  	s4 =	simm.s32 $0x1BF5;
	[smem:$0x3FB0] =	sst s0  }
0x18: {  	s0 =	sld [smem:$0x3F93];
	_ =	swait.ge [sflag:s4], $0x0  }
0x19: {  	s7 =	sld [smem:$0x3F94]  }
0x1a: {  	s8 =	sadd.s32 $0xFFFFE003, lr  }
0x1b: {  	s9 =	sadd.s32 $0xFFFFFEF7, lr;
	s5 =	simm.s32 $0xFFFFFFFF;
	p2 =	slt.u32 s8, $0xFFFFF086  }
0x1c: {  	p1 =	slt.u32 s9, $0xF7A;
	s5 =	simm.s32 @!p2 $0x0  }
0x1d: {  	s5 =	simm.s32 @p1 $0x1;
	p0 =	seq.s32 s7, s2  }
0x1e: {  	s7 =	smul.u32 @!p0 $0xF7A, s2;
	p2 =	seq.s32 @!p0 s5, $0x0  }
0x1f: {  	s9 =	smul.u32 $0xF7A, s1;
	s8 =	simm.s32 @!p0 $0x1BF5;
	p2 =	por !p2, p0  }
0x20: {  	[sflag:s8] =	ssyncset.s32 @!p0 $0xFFFFF086;
	s6 =	sadd.s32 @!p0 s3, s7;
	s7 =	simm.s32 @!p0 $0x108  }
0x21: {  	s3 =	sadd.s32 s3, s9;
	s6 =	sadd.s32 @!p0 $0x88, s6;
	s7 =	simm.s32 @p2 $0x1082  }
0x22: {  	[simem:s7], [sflag:s8] =	dma.local @!p0 [hbm:s6], $0xF7A  }
0x23: {  	s9 =	sor.u32 $0xD0000000, s2;
	s6 =	simm.s32 $0x108;
	_ =	swait.ge @!p0 [sflag:s8], $0x0  }
0x24: {  	s3 =	sadd.s32 $0x88, s3;
	s6 =	simm.s32 @!p1 $0x1082;
	[sflag:s4] =	ssyncset.s32 $0xFFFFF086  }
0x25: {  	[simem:s6], [sflag:s4] =	dma.local [hbm:s3], $0xF7A  }
0x26: {  	[smem:$0x3F94] =	sst s1;
	(tag) =	ssettag s2;
	_ =	strace s9  }
0x27: {  	s1 =	sld [smem:$0x3FA4]  }
0x28: {  	s2 =	sld [smem:$0x3FA5]  }
0x29: {  	s4 =	sld [smem:$0x3FA7]  }
0x2a: {  	p0 =	seq.s32 s5, $0x0;
	s5 =	sld [smem:$0x3FA8]  }
0x2b: {  	s6 =	sld [smem:$0x3FA9]  }
0x2c: {  	s7 =	sld [smem:$0x3FAA]  }
0x2d: {  	s3 =	simm.s32 $0x108;
	s8 =	sld [smem:$0x3FAB]  }
0x2e: {  	s3 =	simm.s32 @!p0 $0x1082;
	s9 =	sld [smem:$0x3FAC]  }
0x2f: {  	lr =	sadd.s32 s0, s3;
	s0 =	sld [smem:$0x3FA3]  }
0x30: {  	s3 =	sld [smem:$0x3FA6]  }
0x31: {  	[smem:$0x3FAF] =	sst s10  }
0x32: {  	s10 =	sld [smem:$0x3FAD];
	_ =	sdelay $0x3  }
0x33: {  	p0 =	seq.s32 s10, $0x1;
	s10 =	sld [smem:$0x3FAF];
	_ =	sdelay $0x3  }
0x34: {  	[smem:$0x3FAF] =	sst s10  }
0x35: {  	s10 =	sld [smem:$0x3FAE];
	_ =	sdelay $0x3  }
0x36: {  	p1 =	seq.s32 s10, $0x1;
	s10 =	sld [smem:$0x3FAF];
	_ =	sdelay $0x3  }
0x37: {  	[smem:$0x3FAF] =	sst s10  }
0x38: {  	s10 =	sld [smem:$0x3FB0]  }
0x39: {  	_ = 	snop;
	(pc) =	sbr.ind lr, $3  }
0x3a: {  	_ = 	snop  }
0x3b: {  	_ = 	snop  }
0x3c: {  	p2 =	seq.s32 s10, $0x1;
	s10 =	sld [smem:$0x3FAF]  }
0x3d: {  	_ =	shalt  }
0x3e: {  	_ =	shalt  }
0x3f: {  	_ =	shalt  }
0x40: {  	_ =	shalt  }
0x41: {  	_ =	shalt  }
0x42: {  	_ =	shalt  }
0x43: {  	_ =	shalt  }
0x44: {  	_ =	shalt  }
0x45: {  	_ =	shalt  }
0x46: {  	_ =	shalt  }
0x47: {  	_ =	shalt  }
0x48: {  	_ =	shalt  }
0x49: {  	_ =	shalt  }
0x4a: {  	_ =	shalt  }
0x4b: {  	_ =	shalt  }
0x4c: {  	_ =	shalt  }
0x4d: {  	_ =	shalt  }
0x4e: {  	_ =	shalt  }
0x4f: {  	_ =	shalt  }
0x50: {  	_ =	shalt  }
0x51: {  	_ =	shalt  }
0x52: {  	_ =	shalt  }
0x53: {  	_ =	shalt  }
0x54: {  	_ =	shalt  }
0x55: {  	_ =	shalt  }
0x56: {  	_ =	shalt  }
0x57: {  	_ =	shalt  }
0x58: {  	_ =	shalt  }
0x59: {  	_ =	shalt  }
0x5a: {  	_ =	shalt  }
0x5b: {  	_ =	shalt  }
0x5c: {  	_ =	shalt  }
0x5d: {  	_ =	shalt  }
0x5e: {  	_ =	shalt  }
0x5f: {  	_ =	shalt  }
0x60: {  	_ =	shalt  }
0x61: {  	_ =	shalt  }
0x62: {  	_ =	shalt  }
0x63: {  	_ =	shalt  }
0x64: {  	_ =	shalt  }
0x65: {  	_ =	shalt  }
0x66: {  	_ =	shalt  }
0x67: {  	_ =	shalt  }
0x68: {  	_ =	shalt  }
0x69: {  	_ =	shalt  }
0x6a: {  	_ =	shalt  }
0x6b: {  	_ =	shalt  }
0x6c: {  	_ =	shalt  }
0x6d: {  	_ =	shalt  }
0x6e: {  	_ =	shalt  }
0x6f: {  	_ =	shalt  }
0x70: {  	_ =	shalt  }
0x71: {  	_ =	shalt  }
0x72: {  	_ =	shalt  }
0x73: {  	_ =	shalt  }
0x74: {  	_ =	shalt  }
0x75: {  	_ =	shalt  }
0x76: {  	_ =	shalt  }
0x77: {  	_ =	shalt  }
0x78: {  	_ =	shalt  }
0x79: {  	_ =	shalt  }
0x7a: {  	_ =	shalt  }
0x7b: {  	_ =	shalt  }
0x7c: {  	_ =	shalt  }
0x7d: {  	_ =	shalt  }
0x7e: {  	_ =	shalt  }
0x7f: {  	_ =	shalt  }
0x80: {  	_ =	shalt  }
0x81: {  	_ =	shalt  }
0x82: {  	_ =	shalt  }
0x83: {  	_ =	shalt  }
0x84: {  	_ =	shalt  }
0x85: {  	_ =	shalt  }
0x86: {  	_ =	shalt  }
0x87: {  	_ =	shalt  }
.Lfunc_end0:
.L_simem_size_0:
called_computation_lowered:
.L_overlay_start_0:
0x88: {  	s0 =	sld [smem:$0x3FD9]  }
0x89: {  	s1 =	sld [smem:$0x3FFE];
	_ =	sdelay $0x3  }
0x8a: {  	s0 =	sadd.s32 s1, s0  }
0x8b: {  	[smem:$0x3FBB] =	sst s0  }
0x8c: {  	_ = 	snop  }
0x8d: {  	s0 =	sld [smem:$0x3FC7]  }
0x8e: {  	s16 =	sld [smem:$0x3FD0];
	(tm) =	ssettm $0x1  }
0x8f: {  	s2 =	sld [smem:$0x3FFB];
	_ =	sdelay $0x3  }
0x90: {  	_ =	strace s2  }
0x91: {  	s2 =	sld [smem:$0x3FFC];
	_ =	sdelay $0x3  }
0x92: {  	_ =	strace s2  }
0x93: {  	s2 =	sld [smem:$0x3FFD];
	_ =	sdelay $0x3  }
0x94: {  	_ =	strace s2  }
0x95: {  	_ =	strace $0x8FFFFFFF  }
0x96: {  	s17 =	sld [smem:$0x3FDB];
	_ =	sdelay $0x1  }
0x97: {  	s3 =	simm.s32 $_scs_section_size  }
0x98: {  	s4 =	simm.s32 $_size__tile_overlayer_lowered;
	s5 =	simm.s32 $_tile_overlayer_lowered  }
0x99: {  	s20 =	simm.s32 $0x1BFF;
	s19 =	sshll.u32 s5, $0x1;
	s2 =	sadd.s32 s3, s17  }
0x9a: {  	s6 =	simm.s32 $0x0;
	s18 =	sshll.u32 s4, $0x1;
	s4 =	sadd.s32 s19, s2  }
0x9b: {  	[timem:s6], [sflag:s20] =	dma.local [hbm:s4], s18  }
0x9c: {  	_ =	swait.ge [sflag:s20], s18  }
0x9d: {  	s3 =	ssub.s32 $0x0, s18;
	[sflag:s20] =	ssyncset.done $0x0  }
0x9e: {  	[sflag:s20] =	ssyncadd.s32 s3;
	_ =	sdelay $0x1  }
0x9f: {  	s21 =	simm.s32 $0x1B8B  }
0xa0: {  	_ =	swait.ge [sflag:s21], $0x1  }
0xa1: {  	[sflag:s21] =	ssyncset.done $0x0  }
0xa2: {  	s23 =	simm.s32 $0x1B8E;
	s22 =	sld [smem:$0x3FFE];
	[sflag:s21] =	ssyncadd.s32 $0xFFFFFFFF  }
0xa3: {  	s24 =	simm.s32 $execute0_lowered;
	[smem:$0x3FD2] =	sst s23  }
0xa4: {  	s4 =	sshll.u32 s24, $0x1;
	_ =	strace $0x80000046;
	[dreg:$0x1] =	wrdreg $0xFFFFFFFF  }
0xa5: {  	s25 =	simm.s32 $_size_execute0_lowered;
	s2 =	sadd.s32 s2, s4;
	[dreg:$0x0] =	wrdreg $0x0  }
0xa6: {  	s4 =	sshll.u32 s25, $0x1;
	[dreg:$0x2] =	wrdreg s2  }
0xa7: {  	[dreg:$0x3] =	wrdreg s4  }
0xa8: {  	[dreg:$0x4] =	wrdreg $0xC0  }
0xa9: {  	_ =	task [dreg:s6], $0x5FFFF  }
0xaa: {  	[dreg:$0x1] =	wrdreg $0xFFFFFFFF  }
0xab: {  	[dreg:$0x0] =	wrdreg $0x60  }
0xac: {  	[dreg:$0x2] =	wrdreg s22  }
0xad: {  	[dreg:$0x3] =	wrdreg s0  }
0xae: {  	[dreg:$0x4] =	wrdreg s16  }
0xaf: {  	[dreg:$0x5] =	wrdreg $0x127800  }
0xb0: {  	[dreg:$0x6] =	wrdreg $0x12A000  }
0xb1: {  	[dreg:$0x7] =	wrdreg $0x12A080  }
0xb2: {  	[dreg:$0x8] =	wrdreg $0x9  }
0xb3: {  	_ =	task.clear_ibuf [dreg:s6], $0x9FFFF;
	_ =	strace $0x90000046  }
0xb4: {  	s26 =	simm.s32 $0x9;
	_ =	strace $0x80000048  }
0xb5: {  	_ =	swait.ge [sflag:s26], $0x1  }
0xb6: {  	[sflag:s26] =	ssyncadd.s32 $0xFFFFFFFF  }
0xb7: {  	_ =	strace $0x90000048  }
0xb8: {  	_ =	sfence  }
0xb9: {  	s28 =	sld [smem:$0x0];
	_ =	sdelay $0x1  }
0xba: {  	s29 =	srdreg.scid  }
0xbb: {  	s30 =	sshll.u32 s29, $0xD;
	s31 =	sshrl.u32 s29, $0x2  }
0xbc: {  	s1 =	sand.u32 $0x1, s29;
	s2 =	sand.u32 $0x4000, s30;
	s0 =	sadd.s32 s31, s28  }
0xbd: {  	s1 =	sor.u32 s2, s1;
	s0 =	sshll.u32 s0, $0x11  }
0xbe: {  	s0 =	sor.u32 s0, s1  }
0xbf: {  	s0 =	sadd.s32 $0x8F2B, s0  }
0xc0: {  	[sflag:s0] =	ssyncadd.remote.s32 $0x1  }
0xc1: {  	_ =	sfence.sel $0xFFFF  }
0xc2: {  	[dreg:$0x0] =	wrdreg $0xFFFFFFFF;
	(pc) =	sbr.abs _section_cstart, $3  }
0xc3: {  	[dreg:$0x1] =	wrdreg $0xFFFFFFFF  }
0xc4: {  	_ =	task.clear_ibuf [dreg:s6], $0x2FFFF;
	_ =	strace $0x9FFFFFFF  }
0xc5: {  	(tm) =	ssettm $0x7FFFFFFF  }
tec
execute0_lowered:
.L_overlay_start_1:
0x0: {  	(tag) =	ssettag $0x1  }
0x1: {  	s6 =	rddreg [dreg:$0x0]  }
0x2: {  	s5 =	rddreg [dreg:$0x1]  }
0x3: {  	s1 =	rddreg [dreg:$0x2]  }
0x4: {  	s4 =	rddreg [dreg:$0x3]  }
0x5: {  	s3 =	rddreg [dreg:$0x4]  }
0x6: {  	s9 =	stileid.u32;
	s2 =	rddreg [dreg:$0x5]  }
0x7: {  	s0 =	rddreg [dreg:$0x6];
	s10 =	simm.s32 $0x0;
	s7 =	smul.u32 $0x4E20, s9  }
0x8: {  	s14 =	simm.s32 $0x10;
	s15 =	simm.s32 $0x4F00;
	s13 =	smul.u32 $0x9C4, s9  }
0x9: {  	[smem:$0x7FF] =	sst s10;
	s12 =	sadd.s32 $0x1800, s6;
	s7 =	sshrl.u32 s7, $0x3  }
0xa: {  	_ =	strace $0x80000047;
	s11 =	sadd.s32 s12, s7;
	s12 =	sadd.s32 s13, s12  }
0xb: {  	[tilespmem:s10], [sflag:$0x1] =	stream.linear.gather [hbm4b:s11+s10], $0x4E20, $0x38;
	[tilespmem:$0x12A10] =	vst v63  }
0xc: {  	s8 =	sadd.s32 $0x15200, s6;
	s7 =	sadd.s32 $0x15400, s6;
	s12 =	sadd.s32 $0x9C40, s12  }
0xd: {  	s6 =	sadd.s32 $0x15A00, s6;
	s13 =	simm.s32 $0x4E80;
	s16 =	sadd.s32 $0x0, s12  }
.LBB2_1:
0xe: {  	[tilespmem:s13], [sflag:$0x1] =	stream.linear.gather [hbm4b:s16+s10], $0x80, $0x38;
	[tilespmem:$0x12A10] =	vst v63  }
0xf: {  	s16 =	smov.u32 s14;
	s13 =	smov.u32 s15;
	p0 =	sne.s32 s14, $0x9B0  }
.Ltmp0:
0x10: {  	s14 =	sadd.s32 $0x10, s14;
	(pc) =	sbr.rel @p0 .LBB2_1-.Ltmp0, $2  }
0x11: {  	_ =	sdelay $0x2  }
0x12: {  	s15 =	sadd.s32 $0x80, s15;
	s16 =	sadd.s32 s16, s12  }
0x13: {  	[tilespmem:s13], [sflag:$0x1] =	stream.linear.gather [hbm4b:s16+s10], $0x80, $0x38;
	[tilespmem:$0x12A10] =	vst v63  }
0x14: {  	s28 =	sadd.s32 $0xA600, s11  }
0x15: {  	p0 =	seq.s32 s9, $0xF;
	s29 =	simm.s32 $0x0;
	s12 =	simm.s32 $0x9C80  }
0x16: {  	[tilespmem:s12], [sflag:$0x1] =	stream.linear.gather [hbm4b:s28+s29], $0x20, $0x38;
	[tilespmem:$0x12A10] =	vst v63  }
0x17: {  	s10 =	sadd.s32 @p0 $0x4B0, s5;
	s13 =	simm.s32 @p0 $0x11F00;
	s12 =	simm.s32 @p0 $0x0  }
0x18: {  	[tilespmem:s13], [sflag:$0x1] =	stream.linear.gather @p0 [hbm4b:s10+s12], $0x80, $0x38;
	[tilespmem:$0x12A10] =	vst v63  }
0x19: {  	s10 =	sadd.s32 @p0 $0x4C0, s5;
	s13 =	simm.s32 @p0 $0x11F80  }
0x1a: {  	[tilespmem:s13], [sflag:$0x1] =	stream.linear.gather @p0 [hbm4b:s10+s12], $0x80, $0x38;
	[tilespmem:$0x12A10] =	vst v63  }
0x1b: {  	s14 =	simm.s32 @p0 $0x12000;
	s10 =	smul.u32 $0x280, s9;
	s13 =	sadd.s32 @p0 $0x4D0, s5  }
0x1c: {  	[tilespmem:s14], [sflag:$0x1] =	stream.linear.gather @p0 [hbm4b:s13+s12], $0x80, $0x38;
	[tilespmem:$0x12A10] =	vst v63  }
0x1d: {  	s15 =	simm.s32 @p0 $0x12080;
	s13 =	sshrl.u32 s10, $0x3;
	s14 =	sadd.s32 @p0 $0x4E0, s5  }
0x1e: {  	[tilespmem:s15], [sflag:$0x1] =	stream.linear.gather @p0 [hbm4b:s14+s12], $0x10, $0x38;
	[tilespmem:$0x12A10] =	vst v63  }
0x1f: {  	s12 =	sadd.s32 @!p0 s5, s13;
	s14 =	simm.s32 @!p0 $0x0;
	s15 =	simm.s32 @!p0 $0x11F00  }
0x20: {  	[tilespmem:s15], [sflag:$0x1] =	stream.linear.gather @!p0 [hbm4b:s12+s14], $0x80, $0x38;
	[tilespmem:$0x12A10] =	vst v63  }
0x21: {  	s12 =	sshrl.u32 @!p0 s10, $0x3  }
0x22: {  	s5 =	sadd.s32 @!p0 s5, s12  }
0x23: {  	s15 =	simm.s32 @!p0 $0x11F80;
	s12 =	sadd.s32 @!p0 $0x10, s5  }
0x24: {  	[tilespmem:s15], [sflag:$0x1] =	stream.linear.gather @!p0 [hbm4b:s12+s14], $0x80, $0x38;
	[tilespmem:$0x12A10] =	vst v63  }
0x25: {  	s12 =	sadd.s32 @!p0 $0x20, s5;
	s15 =	simm.s32 @!p0 $0x12000  }
0x26: {  	[tilespmem:s15], [sflag:$0x1] =	stream.linear.gather @!p0 [hbm4b:s12+s14], $0x80, $0x38;
	[tilespmem:$0x12A10] =	vst v63  }
0x27: {  	s12 =	sadd.s32 @!p0 $0x30, s5;
	s15 =	simm.s32 @!p0 $0x12080  }
0x28: {  	[tilespmem:s15], [sflag:$0x1] =	stream.linear.gather @!p0 [hbm4b:s12+s14], $0x80, $0x38;
	[tilespmem:$0x12A10] =	vst v63  }
0x29: {  	s5 =	sadd.s32 @!p0 $0x40, s5;
	s12 =	simm.s32 @!p0 $0x12100  }
0x2a: {  	[tilespmem:s12], [sflag:$0x1] =	stream.linear.gather @!p0 [hbm4b:s5+s14], $0x80, $0x38;
	[tilespmem:$0x12A10] =	vst v63  }
0x2b: {  	s30 =	simm.s32 $0x12300;
	s31 =	simm.s32 $0x2  }
0x2c: {  	[tilespmem:s30], [sflag:$0x2] =	stream.linear.gather [hbm4b:s8+s29], $0x400, $0x38;
	[tilespmem:$0x12A10] =	vst v63  }
0x2d: {  	s11 =	simm.s32 $0x0;
	_ =	swait.ge [sflag:s31], $0x400  }
0x2e: {  	s5 =	sadd.s32 s10, s4;
	s10 =	simm.s32 $0x40;
	[sflag:s31] =	ssyncset.done $0x0  }
0x2f: {  	v0 =	vimm.f32 $0.0e+00;
	v1 =	vimm.f32 $1.000000000e+00;
	s8 =	sadd.s32 s7, s13;
	s7 =	sadd.s32 s6, s13;
	[sflag:s31] =	ssyncadd.s32 $0xFFFFFC00  }
.LBB2_3:
0x30: {  	p1 =	sne.s32 s10, $0x9C0;
	[tilespmem:s11+$0x11A00] =	vst v0;
	s12 =	smov.u32 s10;
	s10 =	sadd.s32 $0x40, s10  }
.Ltmp1:
0x31: {  	[tilespmem:s11+$0x11C80] =	vst v1;
	(pc) =	sbr.rel @p1 .LBB2_3-.Ltmp1, $2  }
0x32: {  	_ =	sdelay $0x2  }
0x33: {  	s11 =	sshra.s32 s12, $0x2  }
0x34: {  	[tilespmem:s11+$0x11A00] =	vst v0  }
0x35: {  	[tilespmem:s11+$0x11C80] =	vst v1;
	v0 =	vimm.f32 $1.000000000e+00;
	s10 =	simm.s32 $0x0;
	s11 =	simm.s32 $0x200  }
.LBB2_5:
0x36: {  	p1 =	sne.s32 s11, $0x13800;
	[tilespmem:s10+$0x9EF0] =	vst v0  }
0x37: {  	[tilespmem:s10+$0x9E80] =	vst v0  }
0x38: {  	[tilespmem:s10+$0x9E90] =	vst v0  }
.Ltmp2:
0x39: {  	[tilespmem:s10+$0x9EA0] =	vst v0;
	(pc) =	sbr.rel @p1 .LBB2_5-.Ltmp2, $4  }
0x3a: {  	[tilespmem:s10+$0x9EB0] =	vst v0  }
0x3b: {  	[tilespmem:s10+$0x9EC0] =	vst v0  }
0x3c: {  	[tilespmem:s10+$0x9ED0] =	vst v0  }
0x3d: {  	[tilespmem:s10+$0x9EE0] =	vst v0;
	s10 =	sshra.s32 s11, $0x2;
	s11 =	sadd.s32 $0x200, s11  }
0x3e: {  	[tilespmem:s10+$0x9EF0] =	vst v0  }
0x3f: {  	[tilespmem:s10+$0x9E80] =	vst v0  }
0x40: {  	[tilespmem:s10+$0x9E90] =	vst v0  }
0x41: {  	[tilespmem:s10+$0x9EA0] =	vst v0  }
0x42: {  	[tilespmem:s10+$0x9EB0] =	vst v0  }
0x43: {  	[tilespmem:s10+$0x9EC0] =	vst v0  }
0x44: {  	[tilespmem:s10+$0x9ED0] =	vst v0  }
0x45: {  	[tilespmem:s10+$0x9EE0] =	vst v0;
	s10 =	simm.s32 $0x1  }
0x46: {  	_ =	swait.ge [sflag:s10], $0x4E20  }
0x47: {  	[sflag:s10] =	ssyncset.done $0x0  }
0x48: {  	[sflag:s10] =	ssyncadd.s32 $0xFFFFB1E0  }
0x49: {  	_ =	swait.ge [sflag:s10], $0x80  }
0x4a: {  	s11 =	simm.s32 $0x9B;
	[sflag:s10] =	ssyncset.done $0x0  }
.LBB2_7:
0x4b: {  	p1 =	sne.s32 s11, $0x1;
	s11 =	sadd.s32 $0xFFFFFFFF, s11;
	[sflag:s10] =	ssyncadd.s32 $0xFFFFFF80  }
.Ltmp3:
0x4c: {  	(pc) =	sbr.rel @p1 .LBB2_7-.Ltmp3, $3  }
0x4d: {  	_ =	sdelay $0x1  }
0x4e: {  	_ =	swait.ge [sflag:s10], $0x80  }
0x4f: {  	[sflag:s10] =	ssyncset.done $0x0  }
0x50: {  	[sflag:s10] =	ssyncadd.s32 $0xFFFFFF80;
	s29 =	simm.s32 $0x1  }
0x51: {  	_ =	swait.ge [sflag:s29], $0x20  }
0x52: {  	[sflag:s29] =	ssyncset.done $0x0  }
0x53: {  	[sflag:s29] =	ssyncadd.s32 $0xFFFFFFE0  }
0x54: {  	_ =	swait.ge [sflag:s29], $0x80  }
0x55: {  	[sflag:s29] =	ssyncset.done $0x0  }
0x56: {  	[sflag:s29] =	ssyncadd.s32 $0xFFFFFF80  }
0x57: {  	_ =	swait.ge [sflag:s29], $0x80  }
0x58: {  	[sflag:s29] =	ssyncset.done $0x0  }
0x59: {  	[sflag:s29] =	ssyncadd.s32 $0xFFFFFF80  }
0x5a: {  	_ =	swait.ge [sflag:s29], $0x80  }
0x5b: {  	[sflag:s29] =	ssyncset.done $0x0  }
0x5c: {  	s10 =	simm.s32 @p0 $0x1;
	[sflag:s29] =	ssyncadd.s32 $0xFFFFFF80  }
0x5d: {  	_ =	swait.ge @p0 [sflag:s10], $0x10  }
0x5e: {  	[sflag:s10] =	ssyncset.done @p0 $0x0  }
0x5f: {  	v0 =	vimm.s32 @p0 $0x20;
	[sflag:s10] =	ssyncadd.s32 @p0 $0xFFFFFFF0  }
0x60: {  	[tilespmem:$0x12090] =	vst @p0 v0  }
0x61: {  	[tilespmem:$0x120A0] =	vst @p0 v0  }
0x62: {  	[tilespmem:$0x120B0] =	vst @p0 v0  }
0x63: {  	[tilespmem:$0x120C0] =	vst @p0 v0  }
0x64: {  	[tilespmem:$0x120D0] =	vst @p0 v0  }
0x65: {  	[tilespmem:$0x120E0] =	vst @p0 v0  }
0x66: {  	[tilespmem:$0x120F0] =	vst @p0 v0  }
0x67: {  	[tilespmem:$0x12100] =	vst @p0 v0  }
0x68: {  	[tilespmem:$0x12110] =	vst @p0 v0  }
0x69: {  	[tilespmem:$0x12120] =	vst @p0 v0  }
0x6a: {  	[tilespmem:$0x12130] =	vst @p0 v0  }
0x6b: {  	[tilespmem:$0x12140] =	vst @p0 v0  }
0x6c: {  	[tilespmem:$0x12150] =	vst @p0 v0  }
0x6d: {  	[tilespmem:$0x12160] =	vst @p0 v0  }
0x6e: {  	s10 =	simm.s32 @!p0 $0x1;
	[tilespmem:$0x12170] =	vst @p0 v0  }
0x6f: {  	_ =	swait.ge @!p0 [sflag:s10], $0x80  }
0x70: {  	[sflag:s10] =	ssyncset.done @!p0 $0x0  }
0x71: {  	[sflag:s10] =	ssyncadd.s32 @!p0 $0xFFFFFF80  }
0x72: {  	_ =	swait.ge @!p0 [sflag:s10], $0x80  }
0x73: {  	[sflag:s10] =	ssyncset.done @!p0 $0x0  }
0x74: {  	v62 =	vimm.s32 $0x0;
	[sflag:s10] =	ssyncadd.s32 @!p0 $0xFFFFFF80  }
0x75: {  	[tilespmem:$0x4E20] =	vst v62  }
0x76: {  	[tilespmem:$0x4E30] =	vst v62  }
0x77: {  	[tilespmem:$0x4E40] =	vst v62  }
0x78: {  	[tilespmem:$0x4E50] =	vst v62  }
0x79: {  	[tilespmem:$0x4E60] =	vst v62  }
0x7a: {  	v63 =	vimm.s32 $0x2720;
	[tilespmem:$0x4E70] =	vst v62  }
0x7b: {  	[tilespmem:$0x9CA0] =	vst v63  }
0x7c: {  	[tilespmem:$0x9CB0] =	vst v63  }
0x7d: {  	[tilespmem:$0x9CC0] =	vst v63  }
0x7e: {  	[tilespmem:$0x9CD0] =	vst v63  }
0x7f: {  	[tilespmem:$0x9CE0] =	vst v63  }
0x80: {  	s30 =	simm.s32 $0x11A00;
	s31 =	simm.s32 $0x2;
	[tilespmem:$0x9CF0] =	vst v63  }
0x81: {  	[spmem:s5] =	stream.linear.scatter [tilespmem:s30], [sflag:$0x2], $0x280, $0x38;
	[tilespmem:$0x12A10] =	vst v63  }
0x82: {  	_ =	swait.ge [sflag:s31], $0x280  }
0x83: {  	p0 =	sne.s32 s9, $0x0;
	[sflag:s31] =	ssyncset.done $0x0  }
0x84: {  	s9 =	simm.s32 @!p0 $0x11A00;
	s10 =	simm.s32 @!p0 $0x2;
	[sflag:s31] =	ssyncadd.s32 $0xFFFFFD80  }
0x85: {  	[spmem:s3] =	stream.linear.scatter @!p0 [tilespmem:s9], [sflag:$0x2], $0x40, $0x38;
	[tilespmem:$0x12A10] =	vst v63  }
0x86: {  	_ =	swait.ge @!p0 [sflag:s10], $0x40  }
0x87: {  	[sflag:s10] =	ssyncset.done @!p0 $0x0  }
0x88: {  	[sflag:s10] =	ssyncadd.s32 @!p0 $0xFFFFFFC0  }
0x89: {  	[spmem:s2] =	stream.linear.scatter @!p0 [tilespmem:s9], [sflag:$0x2], $0x40, $0x38;
	[tilespmem:$0x12A10] =	vst v63  }
0x8a: {  	_ =	swait.ge @!p0 [sflag:s10], $0x40  }
0x8b: {  	[sflag:s10] =	ssyncset.done @!p0 $0x0  }
0x8c: {  	[sflag:s10] =	ssyncadd.s32 @!p0 $0xFFFFFFC0  }
0x8d: {  	s9 =	simm.s32 $0x0;
	s10 =	simm.s32 $0x80;
	[bflag:$0x0] =	sbarrier.arrive $0xFFFF  }
.LBB2_9:
0x8e: {  	p1 =	sne.s32 s9, $0x13800  }
.Ltmp4:
0x8f: {  	_ = 	snop;
	(pc) =	sbr.rel @p1 .LBB2_9-.Ltmp4, $4  }
0x90: {  	_ = 	snop  }
0x91: {  	s11 =	sshra.s32 s9, $0x2  }
0x92: {  	s9 =	sadd.s32 $0x200, s9;
	s12 =	sadd.s32 $0x9E80, s11;
	s11 =	sadd.s32 $0x4E80, s11  }
0x93: {  	[spmem:s4] =	stream.indirect.scatter.add.f32 [tilespmem:s12], [sflag:$0x1], $0x1, s11, s10, $0xb8;
	[tilespmem:$0x12A10] =	vst v63  }
0x94: {  	s9 =	simm.s32 $0x1  }
0x95: {  	_ =	swait.ge [sflag:s9], $0x80  }
0x96: {  	s10 =	simm.s32 $0x9C;
	[sflag:s9] =	ssyncset.done $0x0  }
.LBB2_11:
0x97: {  	p1 =	sne.s32 s10, $0x1;
	s10 =	sadd.s32 $0xFFFFFFFF, s10;
	[sflag:s9] =	ssyncadd.s32 $0xFFFFFF80  }
.Ltmp5:
0x98: {  	(pc) =	sbr.rel @p1 .LBB2_11-.Ltmp5, $3  }
0x99: {  	_ =	sdelay $0x1  }
0x9a: {  	_ =	swait.ge [sflag:s9], $0x80  }
0x9b: {  	[sflag:s9] =	ssyncset.done $0x0  }
0x9c: {  	[sflag:s9] =	ssyncadd.s32 $0xFFFFFF80  }
0x9d: {  	s30 =	simm.s32 $0x11780;
	s31 =	simm.s32 $0x2;
	[bflag:$0x0] =	sbarrier.arrive $0xFFFF  }
0x9e: {  	[tilespmem:s30], [sflag:$0x2] =	stream.linear.gather [spmem:s5], $0x280, $0x38;
	[tilespmem:$0x12A10] =	vst v63  }
0x9f: {  	_ =	swait.ge [sflag:s31], $0x280  }
0xa0: {  	[sflag:s31] =	ssyncset.done $0x0  }
0xa1: {  	s10 =	simm.s32 $0x0;
	[sflag:s31] =	ssyncadd.s32 $0xFFFFFD80  }
0xa2: {  	v5 =	vld [tilespmem:s10+$0x11780];
	_ =	sdelay $0x4  }
0xa3: {  	s9 =	simm.s32 $0x10;
	v1 =	vmax.f32 v5, $1.000000000e+00  }
0xa4: {  	v0 =	vld [tilespmem:s9+$0x11780];
	v2 =	vshrl.u32 v1, $0x1;
	v7 =	vmul.f32 $5.000000000e-01, v1  }
0xa5: {  	v2 =	vsub.s32 $0x5F3759DF, v2  }
0xa6: {  	v1 =	vmul.f32 v2, v7;
	_ =	sdelay $0x1  }
0xa7: {  	s12 =	simm.s32 $0x20;
	v3 =	vmul.f32 v2, v1  }
0xa8: {  	v4 =	vmax.f32 v0, $1.000000000e+00;
	v1 =	vld [tilespmem:s12+$0x11780]  }
0xa9: {  	v6 =	vshrl.u32 v4, $0x1;
	v11 =	vmul.f32 $5.000000000e-01, v4;
	v3 =	vsub.f32 $1.500000000e+00, v3  }
0xaa: {  	v6 =	vsub.s32 $0x5F3759DF, v6  }
0xab: {  	v4 =	vmul.f32 v6, v11;
	v8 =	vmul.f32 v2, v3;
	_ =	sdelay $0x1  }
0xac: {  	s11 =	simm.s32 $0x30;
	v9 =	vmul.f32 v6, v4;
	v3 =	vmax.f32 v1, $1.000000000e+00;
	v10 =	vmul.f32 v8, v7  }
0xad: {  	v2 =	vld [tilespmem:s11+$0x11780];
	v12 =	vshrl.u32 v3, $0x1;
	v4 =	vmul.f32 $5.000000000e-01, v3  }
0xae: {  	v3 =	vsub.f32 $1.500000000e+00, v9;
	v9 =	vmul.f32 v10, v8;
	v10 =	vsub.s32 $0x5F3759DF, v12  }
0xaf: {  	v12 =	vmul.f32 v10, v4  }
0xb0: {  	v13 =	vmul.f32 v6, v3;
	v6 =	vsub.f32 $1.500000000e+00, v9  }
0xb1: {  	s13 =	simm.s32 $0x40;
	v9 =	vmul.f32 v10, v12  }
0xb2: {  	v3 =	vld [tilespmem:s13+$0x11780];
	v14 =	vmul.f32 v13, v11;
	v12 =	vmax.f32 v2, $1.000000000e+00;
	v15 =	vmul.f32 v6, v8  }
0xb3: {  	v8 =	vshrl.u32 v12, $0x1;
	v6 =	vmul.f32 $5.000000000e-01, v12;
	v9 =	vsub.f32 $1.500000000e+00, v9  }
0xb4: {  	v12 =	vmul.f32 v14, v13;
	v14 =	vsub.s32 $0x5F3759DF, v8;
	v7 =	vmul.f32 v15, v7  }
0xb5: {  	v8 =	vmul.f32 v14, v6;
	v9 =	vmul.f32 v10, v9  }
0xb6: {  	vm0 =	vge.f32 v5, $5.000000000e-01;
	v10 =	vsub.f32 $1.500000000e+00, v12;
	v12 =	vmul.f32 v7, v15  }
0xb7: {  	v16 =	vmax.f32 v3, $1.000000000e+00;
	v17 =	vmul.f32 v14, v8;
	v18 =	vmul.f32 v9, v4  }
0xb8: {  	s14 =	simm.s32 $0x50;
	v19 =	vshrl.u32 v16, $0x1;
	v7 =	vmul.f32 v10, v13;
	v12 =	vsub.f32 $1.500000000e+00, v12  }
0xb9: {  	v5 =	vld [tilespmem:s14+$0x11780];
	v8 =	vmul.f32 $5.000000000e-01, v16;
	v13 =	vsub.f32 $1.500000000e+00, v17;
	v16 =	vmul.f32 v18, v9  }
0xba: {  	v10 =	vsub.s32 $0x5F3759DF, v19;
	v17 =	vmul.f32 v7, v11;
	v12 =	vmul.f32 v12, v15  }
0xbb: {  	v15 =	vmul.f32 v10, v8;
	v11 =	vmul.f32 v14, v13  }
0xbc: {  	s15 =	simm.s32 $0x180;
	v14 =	vsub.f32 $1.500000000e+00, v16;
	v13 =	vmul.f32 v17, v7;
	v12 =	vnsel vm0, $0x0, v12  }
.LBB2_13:
0xbd: {  	s16 =	sshra.s32 s15, $0x2  }
0xbe: {  	v16 =	vmax.f32 v5, $1.000000000e+00;
	v15 =	vmul.f32 v10, v15;
	v17 =	vmul.f32 v11, v6;
	[tilespmem:s10+$0x11500] =	vst v12;
	v18 =	vmovc v5;
	s10 =	smov.u32 s9;
	s9 =	smov.u32 s12;
	p1 =	sne.s32 s15, $0x9C0  }
.Ltmp6:
0xbf: {  	v19 =	vmovc v6;
	v6 =	vmovc v8;
	s12 =	smov.u32 s11;
	s11 =	smov.u32 s13;
	v5 =	vld [tilespmem:s16+$0x11780];
	v12 =	vshrl.u32 v16, $0x1;
	v14 =	vmul.f32 v14, v9;
	v13 =	vsub.f32 $1.500000000e+00, v13;
	(pc) =	sbr.rel @p1 .LBB2_13-.Ltmp6, $4  }
0xc0: {  	s15 =	sadd.s32 $0x40, s15;
	v20 =	vmovc v10;
	s13 =	smov.u32 s14;
	v8 =	vmul.f32 $5.000000000e-01, v16;
	v9 =	vmovc v11;
	v16 =	vsub.f32 $1.500000000e+00, v15;
	v17 =	vmul.f32 v17, v11  }
0xc1: {  	s14 =	smov.u32 s16;
	v10 =	vsub.s32 $0x5F3759DF, v12;
	v12 =	vmul.f32 v14, v4;
	v21 =	vmul.f32 v13, v7;
	v7 =	vmovc v14;
	v4 =	vmovc v19  }
0xc2: {  	vm0 =	vge.f32 v0, $5.000000000e-01;
	v0 =	vmovc v1;
	v1 =	vmovc v2;
	v15 =	vmul.f32 v10, v8;
	v11 =	vmul.f32 v20, v16  }
0xc3: {  	v2 =	vmovc v3;
	v3 =	vmovc v18;
	v14 =	vsub.f32 $1.500000000e+00, v17;
	v13 =	vmul.f32 v12, v7;
	v12 =	vnsel vm0, $0x0, v21  }
0xc4: {  	v16 =	vmax.f32 v5, $1.000000000e+00  }
0xc5: {  	v17 =	vshrl.u32 v16, $0x1;
	v16 =	vmul.f32 $5.000000000e-01, v16  }
0xc6: {  	v17 =	vsub.s32 $0x5F3759DF, v17  }
0xc7: {  	v18 =	vmul.f32 v17, v16  }
0xc8: {  	v15 =	vmul.f32 v10, v15  }
0xc9: {  	v18 =	vmul.f32 v17, v18  }
0xca: {  	v15 =	vsub.f32 $1.500000000e+00, v15  }
0xcb: {  	v18 =	vsub.f32 $1.500000000e+00, v18  }
0xcc: {  	v54 =	vmul.f32 v10, v15  }
0xcd: {  	v55 =	vmul.f32 v11, v6;
	v17 =	vmul.f32 v17, v18  }
0xce: {  	v56 =	vmul.f32 v54, v8  }
0xcf: {  	v15 =	vmul.f32 v55, v11;
	v19 =	vmul.f32 v17, v16  }
0xd0: {  	v18 =	vmul.f32 v56, v54  }
0xd1: {  	v15 =	vsub.f32 $1.500000000e+00, v15;
	v19 =	vmul.f32 v19, v17  }
0xd2: {  	v9 =	vmul.f32 v14, v9;
	v57 =	vsub.f32 $1.500000000e+00, v18  }
0xd3: {  	v58 =	vmul.f32 v15, v11;
	v59 =	vsub.f32 $1.500000000e+00, v19  }
0xd4: {  	v4 =	vmul.f32 v9, v4;
	v10 =	vmul.f32 v57, v54  }
0xd5: {  	v60 =	vmul.f32 v58, v6;
	v61 =	vmul.f32 v59, v17  }
0xd6: {  	v4 =	vmul.f32 v4, v9;
	v62 =	vmul.f32 v10, v8  }
0xd7: {  	v13 =	vsub.f32 $1.500000000e+00, v13;
	v6 =	vmul.f32 v60, v58;
	v15 =	vmul.f32 v61, v16  }
0xd8: {  	vm0 =	vge.f32 v0, $5.000000000e-01;
	v4 =	vsub.f32 $1.500000000e+00, v4;
	v8 =	vmul.f32 v62, v10  }
0xd9: {  	v7 =	vmul.f32 v13, v7;
	v0 =	vsub.f32 $1.500000000e+00, v6;
	v63 =	vmul.f32 v15, v61  }
0xda: {  	vm12 =	vge.f32 v1, $5.000000000e-01;
	v4 =	vmul.f32 v4, v9;
	v8 =	vsub.f32 $1.500000000e+00, v8  }
0xdb: {  	[tilespmem:s10+$0x11500] =	vst v12;
	v7 =	vnsel vm0, $0x0, v7;
	v0 =	vmul.f32 v0, v58;
	v1 =	vsub.f32 $1.500000000e+00, v63  }
0xdc: {  	vm13 =	vge.f32 v2, $5.000000000e-01;
	[tilespmem:s9+$0x11500] =	vst v7;
	v4 =	vnsel vm12, $0x0, v4;
	v2 =	vmul.f32 v8, v10  }
0xdd: {  	vm14 =	vge.f32 v3, $5.000000000e-01;
	[tilespmem:s12+$0x11500] =	vst v4;
	v0 =	vnsel vm13, $0x0, v0;
	v1 =	vmul.f32 v1, v61  }
0xde: {  	vm15 =	vge.f32 v5, $5.000000000e-01;
	[tilespmem:s11+$0x11500] =	vst v0;
	v0 =	vnsel vm14, $0x0, v2  }
0xdf: {  	[tilespmem:s13+$0x11500] =	vst v0;
	v0 =	vnsel vm15, $0x0, v1  }
0xe0: {  	s29 =	simm.s32 $0x0;
	s30 =	simm.s32 $0x11780;
	s31 =	simm.s32 $0x2;
	[tilespmem:s14+$0x11500] =	vst v0  }
0xe1: {  	[tilespmem:s30], [sflag:$0x2] =	stream.linear.gather [hbm4b:s8+s29], $0x280, $0x38;
	[tilespmem:$0x12A10] =	vst v63  }
0xe2: {  	_ =	swait.ge [sflag:s31], $0x280  }
0xe3: {  	[sflag:s31] =	ssyncset.done $0x0  }
0xe4: {  	s8 =	simm.s32 $0x0;
	[sflag:s31] =	ssyncadd.s32 $0xFFFFFD80  }
0xe5: {  	s9 =	simm.s32 $0x40;
	v0 =	vld [tilespmem:s8+$0x11500]  }
.LBB2_15:
0xe6: {  	p1 =	sne.s32 s9, $0x9C0;
	v1 =	vld [tilespmem:s8+$0x11780];
	_ =	sdelay $0x2  }
.Ltmp7:
0xe7: {  	(pc) =	sbr.rel @p1 .LBB2_15-.Ltmp7, $4  }
0xe8: {  	_ = 	snop  }
0xe9: {  	v1 =	vmul.f32 v0, v1  }
0xea: {  	s10 =	sshra.s32 s9, $0x2  }
0xeb: {  	s9 =	sadd.s32 $0x40, s9;
	v0 =	vld [tilespmem:s10+$0x11500];
	[tilespmem:s8+$0x11780] =	vst v1;
	s8 =	smov.u32 s10  }
0xec: {  	v1 =	vld [tilespmem:s8+$0x11780];
	_ =	sdelay $0x4  }
0xed: {  	v0 =	vmul.f32 v0, v1;
	_ =	sdelay $0x1  }
0xee: {  	s9 =	simm.s32 $0x0;
	s30 =	simm.s32 $0x11780;
	s10 =	simm.s32 $0x2;
	[tilespmem:s8+$0x11780] =	vst v0  }
0xef: {  	[hbm4b:s7+s9] =	stream.linear.scatter [tilespmem:s30], [sflag:$0x2], $0x280, $0x38;
	[tilespmem:$0x12A10] =	vst v63  }
0xf0: {  	_ =	swait.ge [sflag:s10], $0x280  }
0xf1: {  	[sflag:s10] =	ssyncset.done $0x0  }
0xf2: {  	s31 =	simm.s32 $0x11A00;
	[sflag:s10] =	ssyncadd.s32 $0xFFFFFD80  }
0xf3: {  	[spmem:s5] =	stream.linear.scatter [tilespmem:s31], [sflag:$0x2], $0x280, $0x38;
	[tilespmem:$0x12A10] =	vst v63  }
0xf4: {  	_ =	swait.ge [sflag:s10], $0x280  }
0xf5: {  	[sflag:s10] =	ssyncset.done $0x0  }
0xf6: {  	[sflag:s10] =	ssyncadd.s32 $0xFFFFFD80  }
0xf7: {  	s8 =	simm.s32 $0xED00;
	[bflag:$0x0] =	sbarrier.arrive $0xFFFF  }
0xf8: {  	[tilespmem:s8], [sflag:$0x2] =	stream.linear.gather [hbm4b:s6+s9], $0x2800, $0x38;
	[tilespmem:$0x12A10] =	vst v63  }
0xf9: {  	_ =	swait.ge [sflag:s10], $0x2800  }
0xfa: {  	[sflag:s10] =	ssyncset.done $0x0  }
0xfb: {  	[sflag:s10] =	ssyncadd.s32 $0xFFFFD800;
	s10 =	simm.s32 $0x0  }
0xfc: {  	s11 =	simm.s32 $0x200;
	s9 =	simm.s32 $0x80;
	v0 =	vld [tilespmem:s10+$0x0]  }
.LBB2_17:
0xfd: {  	p1 =	sne.s32 s11, $0x13800;
	_ =	sdelay $0x5  }
0xfe: {  	v1 =	vld [tilespmem:s10+$0x10]  }
0xff: {  	v0 =	vld.idx.msk [tilespmem:v0+s8+$0x0], $0xffff;
	_ =	sdelay $0x5  }
0x100: {  	[tilespmem:s10+$0x9E80] =	vst v0;
	v0 =	vld [tilespmem:s10+$0x20]  }
0x101: {  	v1 =	vld.idx.msk [tilespmem:v1+s8+$0x0], $0xffff;
	_ =	sdelay $0x5  }
0x102: {  	[tilespmem:s10+$0x9E90] =	vst v1;
	v1 =	vld [tilespmem:s10+$0x30]  }
0x103: {  	v0 =	vld.idx.msk [tilespmem:v0+s8+$0x0], $0xffff;
	_ =	sdelay $0x5  }
0x104: {  	[tilespmem:s10+$0x9EA0] =	vst v0;
	v0 =	vld [tilespmem:s10+$0x40]  }
0x105: {  	v1 =	vld.idx.msk [tilespmem:v1+s8+$0x0], $0xffff;
	_ =	sdelay $0x5  }
0x106: {  	[tilespmem:s10+$0x9EB0] =	vst v1;
	v1 =	vld [tilespmem:s10+$0x50]  }
0x107: {  	v0 =	vld.idx.msk [tilespmem:v0+s8+$0x0], $0xffff;
	_ =	sdelay $0x5  }
0x108: {  	[tilespmem:s10+$0x9EC0] =	vst v0;
	v0 =	vld [tilespmem:s10+$0x60]  }
0x109: {  	v1 =	vld.idx.msk [tilespmem:v1+s8+$0x0], $0xffff;
	_ =	sdelay $0x5  }
0x10a: {  	[tilespmem:s10+$0x9ED0] =	vst v1;
	v1 =	vld [tilespmem:s10+$0x70]  }
0x10b: {  	v0 =	vld.idx.msk [tilespmem:v0+s8+$0x0], $0xffff;
	_ =	sdelay $0x5  }
0x10c: {  	[tilespmem:s10+$0x9EE0] =	vst v0  }
0x10d: {  	v0 =	vld.idx.msk [tilespmem:v1+s8+$0x0], $0xffff;
	_ =	sdelay $0x2  }
.Ltmp8:
0x10e: {  	(pc) =	sbr.rel @p1 .LBB2_17-.Ltmp8, $4  }
0x10f: {  	_ = 	snop  }
0x110: {  	s12 =	sshra.s32 s11, $0x2;
	s13 =	sadd.s32 $0x9E80, s10;
	s14 =	sadd.s32 $0x4E80, s10  }
0x111: {  	[tilespmem:s10+$0x9EF0] =	vst v0;
	[spmem:s4] =	stream.indirect.scatter.add.f32 [tilespmem:s13], [sflag:$0x1], $0x1, s14, s9, $0xb8  }
0x112: {  	s11 =	sadd.s32 $0x200, s11;
	s10 =	smov.u32 s12;
	v0 =	vld [tilespmem:s12+$0x0]  }
0x113: {  	_ =	sdelay $0x5  }
0x114: {  	v1 =	vld [tilespmem:s10+$0x10];
	_ =	sdelay $0x1  }
0x115: {  	v0 =	vld.idx.msk [tilespmem:v0+s8+$0x0], $0xffff;
	_ =	sdelay $0x3  }
0x116: {  	v58 =	vld [tilespmem:s10+$0x20]  }
0x117: {  	[tilespmem:s10+$0x9E80] =	vst v0  }
0x118: {  	v1 =	vld.idx.msk [tilespmem:v1+s8+$0x0], $0xffff;
	_ =	sdelay $0x3  }
0x119: {  	v59 =	vld [tilespmem:s10+$0x30]  }
0x11a: {  	[tilespmem:s10+$0x9E90] =	vst v1  }
0x11b: {  	v0 =	vld.idx.msk [tilespmem:v58+s8+$0x0], $0xffff;
	_ =	sdelay $0x3  }
0x11c: {  	v60 =	vld [tilespmem:s10+$0x40]  }
0x11d: {  	[tilespmem:s10+$0x9EA0] =	vst v0  }
0x11e: {  	v1 =	vld.idx.msk [tilespmem:v59+s8+$0x0], $0xffff;
	_ =	sdelay $0x3  }
0x11f: {  	v61 =	vld [tilespmem:s10+$0x50]  }
0x120: {  	[tilespmem:s10+$0x9EB0] =	vst v1  }
0x121: {  	v0 =	vld.idx.msk [tilespmem:v60+s8+$0x0], $0xffff;
	_ =	sdelay $0x3  }
0x122: {  	v62 =	vld [tilespmem:s10+$0x60]  }
0x123: {  	[tilespmem:s10+$0x9EC0] =	vst v0  }
0x124: {  	v1 =	vld.idx.msk [tilespmem:v61+s8+$0x0], $0xffff;
	_ =	sdelay $0x3  }
0x125: {  	v63 =	vld [tilespmem:s10+$0x70]  }
0x126: {  	[tilespmem:s10+$0x9ED0] =	vst v1  }
0x127: {  	v0 =	vld.idx.msk [tilespmem:v62+s8+$0x0], $0xffff;
	_ =	sdelay $0x4  }
0x128: {  	[tilespmem:s10+$0x9EE0] =	vst v0  }
0x129: {  	v0 =	vld.idx.msk [tilespmem:v63+s8+$0x0], $0xffff;
	_ =	sdelay $0x4  }
0x12a: {  	s31 =	sadd.s32 $0x9E80, s10;
	s11 =	sadd.s32 $0x4E80, s10;
	s8 =	simm.s32 $0x1;
	[tilespmem:s10+$0x9EF0] =	vst v0  }
0x12b: {  	[spmem:s4] =	stream.indirect.scatter.add.f32 [tilespmem:s31], [sflag:$0x1], $0x1, s11, s9, $0xb8;
	[tilespmem:$0x12A10] =	vst v63  }
0x12c: {  	_ =	swait.ge [sflag:s8], $0x80  }
0x12d: {  	s9 =	simm.s32 $0x9C;
	[sflag:s8] =	ssyncset.done $0x0  }
.LBB2_19:
0x12e: {  	p1 =	sne.s32 s9, $0x1;
	s9 =	sadd.s32 $0xFFFFFFFF, s9;
	[sflag:s8] =	ssyncadd.s32 $0xFFFFFF80  }
.Ltmp9:
0x12f: {  	(pc) =	sbr.rel @p1 .LBB2_19-.Ltmp9, $3  }
0x130: {  	_ =	sdelay $0x1  }
0x131: {  	_ =	swait.ge [sflag:s8], $0x80  }
0x132: {  	[sflag:s8] =	ssyncset.done $0x0  }
0x133: {  	[sflag:s8] =	ssyncadd.s32 $0xFFFFFF80  }
0x134: {  	s30 =	simm.s32 $0x11780;
	s31 =	simm.s32 $0x2;
	[bflag:$0x0] =	sbarrier.arrive $0xFFFF  }
0x135: {  	[tilespmem:s30], [sflag:$0x2] =	stream.linear.gather [spmem:s5], $0x280, $0x38;
	[tilespmem:$0x12A10] =	vst v63  }
0x136: {  	_ =	swait.ge [sflag:s31], $0x280  }
0x137: {  	[sflag:s31] =	ssyncset.done $0x0  }
0x138: {  	[sflag:s31] =	ssyncadd.s32 $0xFFFFFD80  }
0x139: {  	s8 =	simm.s32 $0x0;
	v0 =	vld [tilespmem:$0x12300]  }
0x13a: {  	s9 =	simm.s32 $0x40;
	v1 =	vld [tilespmem:s8+$0x11500]  }
.LBB2_21:
0x13b: {  	p1 =	sne.s32 s9, $0x9C0;
	v2 =	vld [tilespmem:s8+$0x11780];
	_ =	sdelay $0x4  }
0x13c: {  	v2 =	vmul.f32 v2, v1;
	_ =	sdelay $0x1  }
.Ltmp10:
0x13d: {  	v2 =	vadd.f32 v2, v0;
	(pc) =	sbr.rel @p1 .LBB2_21-.Ltmp10, $4  }
0x13e: {  	_ = 	snop  }
0x13f: {  	v2 =	vmul.f32 v2, v1  }
0x140: {  	s10 =	sshra.s32 s9, $0x2  }
0x141: {  	s9 =	sadd.s32 $0x40, s9;
	v1 =	vld [tilespmem:s10+$0x11500];
	[tilespmem:s8+$0x11780] =	vst v2;
	s8 =	smov.u32 s10  }
0x142: {  	v2 =	vld [tilespmem:s8+$0x11780];
	_ =	sdelay $0x4  }
0x143: {  	v2 =	vmul.f32 v2, v1;
	_ =	sdelay $0x1  }
0x144: {  	v0 =	vadd.f32 v2, v0;
	_ =	sdelay $0x1  }
0x145: {  	v0 =	vmul.f32 v0, v1;
	_ =	sdelay $0x1  }
0x146: {  	s9 =	simm.s32 $0x0;
	s30 =	simm.s32 $0x11780;
	s10 =	simm.s32 $0x2;
	[tilespmem:s8+$0x11780] =	vst v0  }
0x147: {  	[hbm4b:s7+s9] =	stream.linear.scatter [tilespmem:s30], [sflag:$0x2], $0x280, $0x38;
	[tilespmem:$0x12A10] =	vst v63  }
0x148: {  	_ =	swait.ge [sflag:s10], $0x280  }
0x149: {  	[sflag:s10] =	ssyncset.done $0x0  }
0x14a: {  	s31 =	simm.s32 $0x11A00;
	[sflag:s10] =	ssyncadd.s32 $0xFFFFFD80  }
0x14b: {  	[spmem:s5] =	stream.linear.scatter [tilespmem:s31], [sflag:$0x2], $0x280, $0x38;
	[tilespmem:$0x12A10] =	vst v63  }
0x14c: {  	_ =	swait.ge [sflag:s10], $0x280  }
0x14d: {  	[sflag:s10] =	ssyncset.done $0x0  }
0x14e: {  	[sflag:s10] =	ssyncadd.s32 $0xFFFFFD80  }
0x14f: {  	s8 =	simm.s32 $0xED00;
	[bflag:$0x0] =	sbarrier.arrive $0xFFFF  }
0x150: {  	[tilespmem:s8], [sflag:$0x2] =	stream.linear.gather [hbm4b:s6+s9], $0x2800, $0x38;
	[tilespmem:$0x12A10] =	vst v63  }
0x151: {  	_ =	swait.ge [sflag:s10], $0x2800  }
0x152: {  	[sflag:s10] =	ssyncset.done $0x0  }
0x153: {  	[sflag:s10] =	ssyncadd.s32 $0xFFFFD800;
	s10 =	simm.s32 $0x0  }
0x154: {  	s11 =	simm.s32 $0x200;
	s9 =	simm.s32 $0x80;
	v0 =	vld [tilespmem:s10+$0x0]  }
.LBB2_23:
0x155: {  	p1 =	sne.s32 s11, $0x13800;
	_ =	sdelay $0x5  }
0x156: {  	v1 =	vld [tilespmem:s10+$0x10]  }
0x157: {  	v0 =	vld.idx.msk [tilespmem:v0+s8+$0x0], $0xffff;
	_ =	sdelay $0x5  }
0x158: {  	[tilespmem:s10+$0x9E80] =	vst v0;
	v0 =	vld [tilespmem:s10+$0x20]  }
0x159: {  	v1 =	vld.idx.msk [tilespmem:v1+s8+$0x0], $0xffff;
	_ =	sdelay $0x5  }
0x15a: {  	[tilespmem:s10+$0x9E90] =	vst v1;
	v1 =	vld [tilespmem:s10+$0x30]  }
0x15b: {  	v0 =	vld.idx.msk [tilespmem:v0+s8+$0x0], $0xffff;
	_ =	sdelay $0x5  }
0x15c: {  	[tilespmem:s10+$0x9EA0] =	vst v0;
	v0 =	vld [tilespmem:s10+$0x40]  }
0x15d: {  	v1 =	vld.idx.msk [tilespmem:v1+s8+$0x0], $0xffff;
	_ =	sdelay $0x5  }
0x15e: {  	[tilespmem:s10+$0x9EB0] =	vst v1;
	v1 =	vld [tilespmem:s10+$0x50]  }
0x15f: {  	v0 =	vld.idx.msk [tilespmem:v0+s8+$0x0], $0xffff;
	_ =	sdelay $0x5  }
0x160: {  	[tilespmem:s10+$0x9EC0] =	vst v0;
	v0 =	vld [tilespmem:s10+$0x60]  }
0x161: {  	v1 =	vld.idx.msk [tilespmem:v1+s8+$0x0], $0xffff;
	_ =	sdelay $0x5  }
0x162: {  	[tilespmem:s10+$0x9ED0] =	vst v1;
	v1 =	vld [tilespmem:s10+$0x70]  }
0x163: {  	v0 =	vld.idx.msk [tilespmem:v0+s8+$0x0], $0xffff;
	_ =	sdelay $0x5  }
0x164: {  	[tilespmem:s10+$0x9EE0] =	vst v0  }
0x165: {  	v0 =	vld.idx.msk [tilespmem:v1+s8+$0x0], $0xffff;
	_ =	sdelay $0x2  }
.Ltmp11:
0x166: {  	(pc) =	sbr.rel @p1 .LBB2_23-.Ltmp11, $4  }
0x167: {  	_ = 	snop  }
0x168: {  	s12 =	sshra.s32 s11, $0x2;
	s13 =	sadd.s32 $0x9E80, s10;
	s14 =	sadd.s32 $0x4E80, s10  }
0x169: {  	[tilespmem:s10+$0x9EF0] =	vst v0;
	[spmem:s4] =	stream.indirect.scatter.add.f32 [tilespmem:s13], [sflag:$0x1], $0x1, s14, s9, $0xb8  }
0x16a: {  	s11 =	sadd.s32 $0x200, s11;
	s10 =	smov.u32 s12;
	v0 =	vld [tilespmem:s12+$0x0]  }
0x16b: {  	_ =	sdelay $0x5  }
0x16c: {  	v1 =	vld [tilespmem:s10+$0x10];
	_ =	sdelay $0x1  }
0x16d: {  	v0 =	vld.idx.msk [tilespmem:v0+s8+$0x0], $0xffff;
	_ =	sdelay $0x3  }
0x16e: {  	v58 =	vld [tilespmem:s10+$0x20]  }
0x16f: {  	[tilespmem:s10+$0x9E80] =	vst v0  }
0x170: {  	v1 =	vld.idx.msk [tilespmem:v1+s8+$0x0], $0xffff;
	_ =	sdelay $0x3  }
0x171: {  	v59 =	vld [tilespmem:s10+$0x30]  }
0x172: {  	[tilespmem:s10+$0x9E90] =	vst v1  }
0x173: {  	v0 =	vld.idx.msk [tilespmem:v58+s8+$0x0], $0xffff;
	_ =	sdelay $0x3  }
0x174: {  	v60 =	vld [tilespmem:s10+$0x40]  }
0x175: {  	[tilespmem:s10+$0x9EA0] =	vst v0  }
0x176: {  	v1 =	vld.idx.msk [tilespmem:v59+s8+$0x0], $0xffff;
	_ =	sdelay $0x3  }
0x177: {  	v61 =	vld [tilespmem:s10+$0x50]  }
0x178: {  	[tilespmem:s10+$0x9EB0] =	vst v1  }
0x179: {  	v0 =	vld.idx.msk [tilespmem:v60+s8+$0x0], $0xffff;
	_ =	sdelay $0x3  }
0x17a: {  	v62 =	vld [tilespmem:s10+$0x60]  }
0x17b: {  	[tilespmem:s10+$0x9EC0] =	vst v0  }
0x17c: {  	v1 =	vld.idx.msk [tilespmem:v61+s8+$0x0], $0xffff;
	_ =	sdelay $0x3  }
0x17d: {  	v63 =	vld [tilespmem:s10+$0x70]  }
0x17e: {  	[tilespmem:s10+$0x9ED0] =	vst v1  }
0x17f: {  	v0 =	vld.idx.msk [tilespmem:v62+s8+$0x0], $0xffff;
	_ =	sdelay $0x4  }
0x180: {  	[tilespmem:s10+$0x9EE0] =	vst v0  }
0x181: {  	v0 =	vld.idx.msk [tilespmem:v63+s8+$0x0], $0xffff;
	_ =	sdelay $0x4  }
0x182: {  	s31 =	sadd.s32 $0x9E80, s10;
	s11 =	sadd.s32 $0x4E80, s10;
	s8 =	simm.s32 $0x1;
	[tilespmem:s10+$0x9EF0] =	vst v0  }
0x183: {  	[spmem:s4] =	stream.indirect.scatter.add.f32 [tilespmem:s31], [sflag:$0x1], $0x1, s11, s9, $0xb8;
	[tilespmem:$0x12A10] =	vst v63  }
0x184: {  	_ =	swait.ge [sflag:s8], $0x80  }
0x185: {  	s9 =	simm.s32 $0x9C;
	[sflag:s8] =	ssyncset.done $0x0  }
.LBB2_25:
0x186: {  	p1 =	sne.s32 s9, $0x1;
	s9 =	sadd.s32 $0xFFFFFFFF, s9;
	[sflag:s8] =	ssyncadd.s32 $0xFFFFFF80  }
.Ltmp12:
0x187: {  	(pc) =	sbr.rel @p1 .LBB2_25-.Ltmp12, $3  }
0x188: {  	_ =	sdelay $0x1  }
0x189: {  	_ =	swait.ge [sflag:s8], $0x80  }
0x18a: {  	[sflag:s8] =	ssyncset.done $0x0  }
0x18b: {  	[sflag:s8] =	ssyncadd.s32 $0xFFFFFF80  }
0x18c: {  	s30 =	simm.s32 $0x11780;
	s31 =	simm.s32 $0x2;
	[bflag:$0x0] =	sbarrier.arrive $0xFFFF  }
0x18d: {  	[tilespmem:s30], [sflag:$0x2] =	stream.linear.gather [spmem:s5], $0x280, $0x38;
	[tilespmem:$0x12A10] =	vst v63  }
0x18e: {  	_ =	swait.ge [sflag:s31], $0x280  }
0x18f: {  	[sflag:s31] =	ssyncset.done $0x0  }
0x190: {  	[sflag:s31] =	ssyncadd.s32 $0xFFFFFD80  }
0x191: {  	s8 =	simm.s32 $0x0;
	v0 =	vld [tilespmem:$0x12380]  }
0x192: {  	s9 =	simm.s32 $0x40;
	v1 =	vld [tilespmem:s8+$0x11500]  }
.LBB2_27:
0x193: {  	p1 =	sne.s32 s9, $0x9C0;
	v2 =	vld [tilespmem:s8+$0x11780];
	_ =	sdelay $0x4  }
0x194: {  	v2 =	vmul.f32 v2, v1;
	_ =	sdelay $0x1  }
.Ltmp13:
0x195: {  	v2 =	vadd.f32 v2, v0;
	(pc) =	sbr.rel @p1 .LBB2_27-.Ltmp13, $4  }
0x196: {  	_ = 	snop  }
0x197: {  	v2 =	vmul.f32 v2, v1  }
0x198: {  	s10 =	sshra.s32 s9, $0x2  }
0x199: {  	s9 =	sadd.s32 $0x40, s9;
	v1 =	vld [tilespmem:s10+$0x11500];
	[tilespmem:s8+$0x11780] =	vst v2;
	s8 =	smov.u32 s10  }
0x19a: {  	v2 =	vld [tilespmem:s8+$0x11780];
	_ =	sdelay $0x4  }
0x19b: {  	v2 =	vmul.f32 v2, v1;
	_ =	sdelay $0x1  }
0x19c: {  	v0 =	vadd.f32 v2, v0;
	_ =	sdelay $0x1  }
0x19d: {  	v0 =	vmul.f32 v0, v1;
	_ =	sdelay $0x1  }
0x19e: {  	s9 =	simm.s32 $0x0;
	s30 =	simm.s32 $0x11780;
	s10 =	simm.s32 $0x2;
	[tilespmem:s8+$0x11780] =	vst v0  }
0x19f: {  	[hbm4b:s7+s9] =	stream.linear.scatter [tilespmem:s30], [sflag:$0x2], $0x280, $0x38;
	[tilespmem:$0x12A10] =	vst v63  }
0x1a0: {  	_ =	swait.ge [sflag:s10], $0x280  }
0x1a1: {  	[sflag:s10] =	ssyncset.done $0x0  }
0x1a2: {  	s31 =	simm.s32 $0x11A00;
	[sflag:s10] =	ssyncadd.s32 $0xFFFFFD80  }
0x1a3: {  	[spmem:s5] =	stream.linear.scatter [tilespmem:s31], [sflag:$0x2], $0x280, $0x38;
	[tilespmem:$0x12A10] =	vst v63  }
0x1a4: {  	_ =	swait.ge [sflag:s10], $0x280  }
0x1a5: {  	[sflag:s10] =	ssyncset.done $0x0  }
0x1a6: {  	[sflag:s10] =	ssyncadd.s32 $0xFFFFFD80  }
0x1a7: {  	s8 =	simm.s32 $0xED00;
	[bflag:$0x0] =	sbarrier.arrive $0xFFFF  }
0x1a8: {  	[tilespmem:s8], [sflag:$0x2] =	stream.linear.gather [hbm4b:s6+s9], $0x2800, $0x38;
	[tilespmem:$0x12A10] =	vst v63  }
0x1a9: {  	_ =	swait.ge [sflag:s10], $0x2800  }
0x1aa: {  	[sflag:s10] =	ssyncset.done $0x0  }
0x1ab: {  	[sflag:s10] =	ssyncadd.s32 $0xFFFFD800;
	s10 =	simm.s32 $0x0  }
0x1ac: {  	s11 =	simm.s32 $0x200;
	s9 =	simm.s32 $0x80;
	v0 =	vld [tilespmem:s10+$0x0]  }
.LBB2_29:
0x1ad: {  	p1 =	sne.s32 s11, $0x13800;
	_ =	sdelay $0x5  }
0x1ae: {  	v1 =	vld [tilespmem:s10+$0x10]  }
0x1af: {  	v0 =	vld.idx.msk [tilespmem:v0+s8+$0x0], $0xffff;
	_ =	sdelay $0x5  }
0x1b0: {  	[tilespmem:s10+$0x9E80] =	vst v0;
	v0 =	vld [tilespmem:s10+$0x20]  }
0x1b1: {  	v1 =	vld.idx.msk [tilespmem:v1+s8+$0x0], $0xffff;
	_ =	sdelay $0x5  }
0x1b2: {  	[tilespmem:s10+$0x9E90] =	vst v1;
	v1 =	vld [tilespmem:s10+$0x30]  }
0x1b3: {  	v0 =	vld.idx.msk [tilespmem:v0+s8+$0x0], $0xffff;
	_ =	sdelay $0x5  }
0x1b4: {  	[tilespmem:s10+$0x9EA0] =	vst v0;
	v0 =	vld [tilespmem:s10+$0x40]  }
0x1b5: {  	v1 =	vld.idx.msk [tilespmem:v1+s8+$0x0], $0xffff;
	_ =	sdelay $0x5  }
0x1b6: {  	[tilespmem:s10+$0x9EB0] =	vst v1;
	v1 =	vld [tilespmem:s10+$0x50]  }
0x1b7: {  	v0 =	vld.idx.msk [tilespmem:v0+s8+$0x0], $0xffff;
	_ =	sdelay $0x5  }
0x1b8: {  	[tilespmem:s10+$0x9EC0] =	vst v0;
	v0 =	vld [tilespmem:s10+$0x60]  }
0x1b9: {  	v1 =	vld.idx.msk [tilespmem:v1+s8+$0x0], $0xffff;
	_ =	sdelay $0x5  }
0x1ba: {  	[tilespmem:s10+$0x9ED0] =	vst v1;
	v1 =	vld [tilespmem:s10+$0x70]  }
0x1bb: {  	v0 =	vld.idx.msk [tilespmem:v0+s8+$0x0], $0xffff;
	_ =	sdelay $0x5  }
0x1bc: {  	[tilespmem:s10+$0x9EE0] =	vst v0  }
0x1bd: {  	v0 =	vld.idx.msk [tilespmem:v1+s8+$0x0], $0xffff;
	_ =	sdelay $0x2  }
.Ltmp14:
0x1be: {  	(pc) =	sbr.rel @p1 .LBB2_29-.Ltmp14, $4  }
0x1bf: {  	_ = 	snop  }
0x1c0: {  	s12 =	sshra.s32 s11, $0x2;
	s13 =	sadd.s32 $0x9E80, s10;
	s14 =	sadd.s32 $0x4E80, s10  }
0x1c1: {  	[tilespmem:s10+$0x9EF0] =	vst v0;
	[spmem:s4] =	stream.indirect.scatter.add.f32 [tilespmem:s13], [sflag:$0x1], $0x1, s14, s9, $0xb8  }
0x1c2: {  	s11 =	sadd.s32 $0x200, s11;
	s10 =	smov.u32 s12;
	v0 =	vld [tilespmem:s12+$0x0]  }
0x1c3: {  	_ =	sdelay $0x5  }
0x1c4: {  	v1 =	vld [tilespmem:s10+$0x10];
	_ =	sdelay $0x1  }
0x1c5: {  	v0 =	vld.idx.msk [tilespmem:v0+s8+$0x0], $0xffff;
	_ =	sdelay $0x3  }
0x1c6: {  	v58 =	vld [tilespmem:s10+$0x20]  }
0x1c7: {  	[tilespmem:s10+$0x9E80] =	vst v0  }
0x1c8: {  	v1 =	vld.idx.msk [tilespmem:v1+s8+$0x0], $0xffff;
	_ =	sdelay $0x3  }
0x1c9: {  	v59 =	vld [tilespmem:s10+$0x30]  }
0x1ca: {  	[tilespmem:s10+$0x9E90] =	vst v1  }
0x1cb: {  	v0 =	vld.idx.msk [tilespmem:v58+s8+$0x0], $0xffff;
	_ =	sdelay $0x3  }
0x1cc: {  	v60 =	vld [tilespmem:s10+$0x40]  }
0x1cd: {  	[tilespmem:s10+$0x9EA0] =	vst v0  }
0x1ce: {  	v1 =	vld.idx.msk [tilespmem:v59+s8+$0x0], $0xffff;
	_ =	sdelay $0x3  }
0x1cf: {  	v61 =	vld [tilespmem:s10+$0x50]  }
0x1d0: {  	[tilespmem:s10+$0x9EB0] =	vst v1  }
0x1d1: {  	v0 =	vld.idx.msk [tilespmem:v60+s8+$0x0], $0xffff;
	_ =	sdelay $0x3  }
0x1d2: {  	v62 =	vld [tilespmem:s10+$0x60]  }
0x1d3: {  	[tilespmem:s10+$0x9EC0] =	vst v0  }
0x1d4: {  	v1 =	vld.idx.msk [tilespmem:v61+s8+$0x0], $0xffff;
	_ =	sdelay $0x3  }
0x1d5: {  	v63 =	vld [tilespmem:s10+$0x70]  }
0x1d6: {  	[tilespmem:s10+$0x9ED0] =	vst v1  }
0x1d7: {  	v0 =	vld.idx.msk [tilespmem:v62+s8+$0x0], $0xffff;
	_ =	sdelay $0x4  }
0x1d8: {  	[tilespmem:s10+$0x9EE0] =	vst v0  }
0x1d9: {  	v0 =	vld.idx.msk [tilespmem:v63+s8+$0x0], $0xffff;
	_ =	sdelay $0x4  }
0x1da: {  	s31 =	sadd.s32 $0x9E80, s10;
	s11 =	sadd.s32 $0x4E80, s10;
	s8 =	simm.s32 $0x1;
	[tilespmem:s10+$0x9EF0] =	vst v0  }
0x1db: {  	[spmem:s4] =	stream.indirect.scatter.add.f32 [tilespmem:s31], [sflag:$0x1], $0x1, s11, s9, $0xb8;
	[tilespmem:$0x12A10] =	vst v63  }
0x1dc: {  	_ =	swait.ge [sflag:s8], $0x80  }
0x1dd: {  	s9 =	simm.s32 $0x9C;
	[sflag:s8] =	ssyncset.done $0x0  }
.LBB2_31:
0x1de: {  	p1 =	sne.s32 s9, $0x1;
	s9 =	sadd.s32 $0xFFFFFFFF, s9;
	[sflag:s8] =	ssyncadd.s32 $0xFFFFFF80  }
.Ltmp15:
0x1df: {  	(pc) =	sbr.rel @p1 .LBB2_31-.Ltmp15, $3  }
0x1e0: {  	_ =	sdelay $0x1  }
0x1e1: {  	_ =	swait.ge [sflag:s8], $0x80  }
0x1e2: {  	[sflag:s8] =	ssyncset.done $0x0  }
0x1e3: {  	[sflag:s8] =	ssyncadd.s32 $0xFFFFFF80  }
0x1e4: {  	s30 =	simm.s32 $0x11780;
	s31 =	simm.s32 $0x2;
	[bflag:$0x0] =	sbarrier.arrive $0xFFFF  }
0x1e5: {  	[tilespmem:s30], [sflag:$0x2] =	stream.linear.gather [spmem:s5], $0x280, $0x38;
	[tilespmem:$0x12A10] =	vst v63  }
0x1e6: {  	_ =	swait.ge [sflag:s31], $0x280  }
0x1e7: {  	[sflag:s31] =	ssyncset.done $0x0  }
0x1e8: {  	[sflag:s31] =	ssyncadd.s32 $0xFFFFFD80  }
0x1e9: {  	s8 =	simm.s32 $0x0;
	v0 =	vld [tilespmem:$0x12400]  }
0x1ea: {  	s9 =	simm.s32 $0x40;
	v1 =	vld [tilespmem:s8+$0x11500]  }
.LBB2_33:
0x1eb: {  	p1 =	sne.s32 s9, $0x9C0;
	v2 =	vld [tilespmem:s8+$0x11780];
	_ =	sdelay $0x4  }
0x1ec: {  	v2 =	vmul.f32 v2, v1;
	_ =	sdelay $0x1  }
.Ltmp16:
0x1ed: {  	v2 =	vadd.f32 v2, v0;
	(pc) =	sbr.rel @p1 .LBB2_33-.Ltmp16, $4  }
0x1ee: {  	_ = 	snop  }
0x1ef: {  	v2 =	vmul.f32 v2, v1  }
0x1f0: {  	s10 =	sshra.s32 s9, $0x2  }
0x1f1: {  	s9 =	sadd.s32 $0x40, s9;
	v1 =	vld [tilespmem:s10+$0x11500];
	[tilespmem:s8+$0x11780] =	vst v2;
	s8 =	smov.u32 s10  }
0x1f2: {  	v2 =	vld [tilespmem:s8+$0x11780];
	_ =	sdelay $0x4  }
0x1f3: {  	v2 =	vmul.f32 v2, v1;
	_ =	sdelay $0x1  }
0x1f4: {  	v0 =	vadd.f32 v2, v0;
	_ =	sdelay $0x1  }
0x1f5: {  	v0 =	vmul.f32 v0, v1;
	_ =	sdelay $0x1  }
0x1f6: {  	s29 =	simm.s32 $0x0;
	s9 =	simm.s32 $0x11780;
	s30 =	simm.s32 $0x2;
	[tilespmem:s8+$0x11780] =	vst v0  }
0x1f7: {  	[hbm4b:s7+s29] =	stream.linear.scatter [tilespmem:s9], [sflag:$0x2], $0x280, $0x38;
	[tilespmem:$0x12A10] =	vst v63  }
0x1f8: {  	_ =	swait.ge [sflag:s30], $0x280  }
0x1f9: {  	[sflag:s30] =	ssyncset.done $0x0  }
0x1fa: {  	s31 =	simm.s32 $0x11A00;
	[sflag:s30] =	ssyncadd.s32 $0xFFFFFD80  }
0x1fb: {  	[spmem:s5] =	stream.linear.scatter [tilespmem:s31], [sflag:$0x2], $0x280, $0x38;
	[tilespmem:$0x12A10] =	vst v63  }
0x1fc: {  	_ =	swait.ge [sflag:s30], $0x280  }
0x1fd: {  	[sflag:s30] =	ssyncset.done $0x0  }
0x1fe: {  	[sflag:s30] =	ssyncadd.s32 $0xFFFFFD80  }
0x1ff: {  	s7 =	simm.s32 $0xED00;
	[bflag:$0x0] =	sbarrier.arrive $0xFFFF  }
0x200: {  	[tilespmem:s7], [sflag:$0x2] =	stream.linear.gather [hbm4b:s6+s29], $0x2800, $0x38;
	[tilespmem:$0x12A10] =	vst v63  }
0x201: {  	_ =	swait.ge [sflag:s30], $0x2800  }
0x202: {  	[sflag:s30] =	ssyncset.done $0x0  }
0x203: {  	s8 =	simm.s32 $0x0;
	[sflag:s30] =	ssyncadd.s32 $0xFFFFD800  }
0x204: {  	s9 =	simm.s32 $0x200;
	s6 =	simm.s32 $0x80;
	v0 =	vld [tilespmem:s8+$0x0]  }
.LBB2_35:
0x205: {  	p1 =	sne.s32 s9, $0x13800;
	_ =	sdelay $0x5  }
0x206: {  	v1 =	vld [tilespmem:s8+$0x10]  }
0x207: {  	v0 =	vld.idx.msk [tilespmem:v0+s7+$0x0], $0xffff;
	_ =	sdelay $0x5  }
0x208: {  	[tilespmem:s8+$0x9E80] =	vst v0;
	v0 =	vld [tilespmem:s8+$0x20]  }
0x209: {  	v1 =	vld.idx.msk [tilespmem:v1+s7+$0x0], $0xffff;
	_ =	sdelay $0x5  }
0x20a: {  	[tilespmem:s8+$0x9E90] =	vst v1;
	v1 =	vld [tilespmem:s8+$0x30]  }
0x20b: {  	v0 =	vld.idx.msk [tilespmem:v0+s7+$0x0], $0xffff;
	_ =	sdelay $0x5  }
0x20c: {  	[tilespmem:s8+$0x9EA0] =	vst v0;
	v0 =	vld [tilespmem:s8+$0x40]  }
0x20d: {  	v1 =	vld.idx.msk [tilespmem:v1+s7+$0x0], $0xffff;
	_ =	sdelay $0x5  }
0x20e: {  	[tilespmem:s8+$0x9EB0] =	vst v1;
	v1 =	vld [tilespmem:s8+$0x50]  }
0x20f: {  	v0 =	vld.idx.msk [tilespmem:v0+s7+$0x0], $0xffff;
	_ =	sdelay $0x5  }
0x210: {  	[tilespmem:s8+$0x9EC0] =	vst v0;
	v0 =	vld [tilespmem:s8+$0x60]  }
0x211: {  	v1 =	vld.idx.msk [tilespmem:v1+s7+$0x0], $0xffff;
	_ =	sdelay $0x5  }
0x212: {  	[tilespmem:s8+$0x9ED0] =	vst v1;
	v1 =	vld [tilespmem:s8+$0x70]  }
0x213: {  	v0 =	vld.idx.msk [tilespmem:v0+s7+$0x0], $0xffff;
	_ =	sdelay $0x5  }
0x214: {  	[tilespmem:s8+$0x9EE0] =	vst v0  }
0x215: {  	v0 =	vld.idx.msk [tilespmem:v1+s7+$0x0], $0xffff;
	_ =	sdelay $0x2  }
.Ltmp17:
0x216: {  	(pc) =	sbr.rel @p1 .LBB2_35-.Ltmp17, $4  }
0x217: {  	_ = 	snop  }
0x218: {  	s10 =	sshra.s32 s9, $0x2;
	s11 =	sadd.s32 $0x9E80, s8;
	s12 =	sadd.s32 $0x4E80, s8  }
0x219: {  	[tilespmem:s8+$0x9EF0] =	vst v0;
	[spmem:s4] =	stream.indirect.scatter.add.f32 [tilespmem:s11], [sflag:$0x1], $0x1, s12, s6, $0xb8  }
0x21a: {  	s9 =	sadd.s32 $0x200, s9;
	s8 =	smov.u32 s10;
	v0 =	vld [tilespmem:s10+$0x0]  }
0x21b: {  	_ =	sdelay $0x5  }
0x21c: {  	v1 =	vld [tilespmem:s8+$0x10];
	_ =	sdelay $0x1  }
0x21d: {  	v0 =	vld.idx.msk [tilespmem:v0+s7+$0x0], $0xffff;
	_ =	sdelay $0x3  }
0x21e: {  	v58 =	vld [tilespmem:s8+$0x20]  }
0x21f: {  	[tilespmem:s8+$0x9E80] =	vst v0  }
0x220: {  	v1 =	vld.idx.msk [tilespmem:v1+s7+$0x0], $0xffff;
	_ =	sdelay $0x3  }
0x221: {  	v59 =	vld [tilespmem:s8+$0x30]  }
0x222: {  	[tilespmem:s8+$0x9E90] =	vst v1  }
0x223: {  	v0 =	vld.idx.msk [tilespmem:v58+s7+$0x0], $0xffff;
	_ =	sdelay $0x3  }
0x224: {  	v60 =	vld [tilespmem:s8+$0x40]  }
0x225: {  	[tilespmem:s8+$0x9EA0] =	vst v0  }
0x226: {  	v1 =	vld.idx.msk [tilespmem:v59+s7+$0x0], $0xffff;
	_ =	sdelay $0x3  }
0x227: {  	v61 =	vld [tilespmem:s8+$0x50]  }
0x228: {  	[tilespmem:s8+$0x9EB0] =	vst v1  }
0x229: {  	v0 =	vld.idx.msk [tilespmem:v60+s7+$0x0], $0xffff;
	_ =	sdelay $0x3  }
0x22a: {  	v62 =	vld [tilespmem:s8+$0x60]  }
0x22b: {  	[tilespmem:s8+$0x9EC0] =	vst v0  }
0x22c: {  	v1 =	vld.idx.msk [tilespmem:v61+s7+$0x0], $0xffff;
	_ =	sdelay $0x3  }
0x22d: {  	v63 =	vld [tilespmem:s8+$0x70]  }
0x22e: {  	[tilespmem:s8+$0x9ED0] =	vst v1  }
0x22f: {  	v0 =	vld.idx.msk [tilespmem:v62+s7+$0x0], $0xffff;
	_ =	sdelay $0x4  }
0x230: {  	[tilespmem:s8+$0x9EE0] =	vst v0  }
0x231: {  	v0 =	vld.idx.msk [tilespmem:v63+s7+$0x0], $0xffff;
	_ =	sdelay $0x4  }
0x232: {  	s31 =	sadd.s32 $0x9E80, s8;
	s9 =	sadd.s32 $0x4E80, s8;
	[tilespmem:s8+$0x9EF0] =	vst v0  }
0x233: {  	[spmem:s4] =	stream.indirect.scatter.add.f32 [tilespmem:s31], [sflag:$0x1], $0x1, s9, s6, $0xb8;
	[tilespmem:$0x12A10] =	vst v63  }
0x234: {  	s4 =	simm.s32 $0x1  }
0x235: {  	_ =	swait.ge [sflag:s4], $0x80  }
0x236: {  	s6 =	simm.s32 $0x9C;
	[sflag:s4] =	ssyncset.done $0x0  }
.LBB2_37:
0x237: {  	p1 =	sne.s32 s6, $0x1;
	s6 =	sadd.s32 $0xFFFFFFFF, s6;
	[sflag:s4] =	ssyncadd.s32 $0xFFFFFF80  }
.Ltmp18:
0x238: {  	(pc) =	sbr.rel @p1 .LBB2_37-.Ltmp18, $3  }
0x239: {  	_ =	sdelay $0x1  }
0x23a: {  	_ =	swait.ge [sflag:s4], $0x80  }
0x23b: {  	[sflag:s4] =	ssyncset.done $0x0  }
0x23c: {  	[sflag:s4] =	ssyncadd.s32 $0xFFFFFF80  }
0x23d: {  	s30 =	simm.s32 $0x11780;
	s31 =	simm.s32 $0x2;
	[bflag:$0x0] =	sbarrier.arrive $0xFFFF  }
0x23e: {  	[tilespmem:s30], [sflag:$0x2] =	stream.linear.gather [spmem:s5], $0x280, $0x38;
	[tilespmem:$0x12A10] =	vst v63  }
0x23f: {  	_ =	swait.ge [sflag:s31], $0x280  }
0x240: {  	[sflag:s31] =	ssyncset.done $0x0  }
0x241: {  	[sflag:s31] =	ssyncadd.s32 $0xFFFFFD80  }
0x242: {  	s4 =	simm.s32 $0x0;
	v0 =	vld [tilespmem:$0x12480]  }
0x243: {  	s5 =	simm.s32 $0x40;
	v1 =	vld [tilespmem:s4+$0x11500]  }
.LBB2_39:
0x244: {  	p1 =	sne.s32 s5, $0x9C0;
	v2 =	vld [tilespmem:s4+$0x11780];
	_ =	sdelay $0x4  }
.Ltmp19:
0x245: {  	v1 =	vmul.f32 v2, v1;
	(pc) =	sbr.rel @p1 .LBB2_39-.Ltmp19, $4  }
0x246: {  	_ = 	snop  }
0x247: {  	v2 =	vadd.f32 v1, v0  }
0x248: {  	s6 =	sshra.s32 s5, $0x2  }
0x249: {  	s5 =	sadd.s32 $0x40, s5;
	v1 =	vld [tilespmem:s6+$0x11500];
	[tilespmem:s4+$0x11780] =	vst v2;
	s4 =	smov.u32 s6  }
0x24a: {  	v2 =	vld [tilespmem:s4+$0x11780];
	_ =	sdelay $0x4  }
0x24b: {  	v1 =	vmul.f32 v2, v1;
	_ =	sdelay $0x1  }
0x24c: {  	v0 =	vadd.f32 v1, v0  }
0x24d: {  	s22 =	simm.s32 $0x80  }
0x24e: {  	s5 =	simm.s32 $0x11F00;
	s6 =	simm.s32 $0x11780;
	s23 =	simm.s32 $0x2;
	[tilespmem:s4+$0x11780] =	vst v0  }
0x24f: {  	[spmem:s3] =	stream.indirect.scatter.add.f32 [tilespmem:s6], [sflag:$0x2], $0x1, s5, s22, $0xb8;
	[tilespmem:$0x12A10] =	vst v63  }
0x250: {  	_ =	swait.ge [sflag:s23], $0x80  }
0x251: {  	[sflag:s23] =	ssyncset.done $0x0  }
0x252: {  	s7 =	simm.s32 $0x11C80;
	[sflag:s23] =	ssyncadd.s32 $0xFFFFFF80  }
0x253: {  	[spmem:s2] =	stream.indirect.scatter.add.f32 [tilespmem:s7], [sflag:$0x2], $0x1, s5, s22, $0xb8;
	[tilespmem:$0x12A10] =	vst v63  }
0x254: {  	_ =	swait.ge [sflag:s23], $0x80  }
0x255: {  	[sflag:s23] =	ssyncset.done $0x0  }
0x256: {  	s24 =	simm.s32 $0x11F80;
	s8 =	simm.s32 $0x11800;
	[sflag:s23] =	ssyncadd.s32 $0xFFFFFF80  }
0x257: {  	[spmem:s3] =	stream.indirect.scatter.add.f32 [tilespmem:s8], [sflag:$0x2], $0x1, s24, s22, $0xb8;
	[tilespmem:$0x12A10] =	vst v63  }
0x258: {  	_ =	swait.ge [sflag:s23], $0x80  }
0x259: {  	[sflag:s23] =	ssyncset.done $0x0  }
0x25a: {  	[sflag:s23] =	ssyncadd.s32 $0xFFFFFF80  }
0x25b: {  	[spmem:s2] =	stream.indirect.scatter.add.f32 [tilespmem:s7], [sflag:$0x2], $0x1, s24, s22, $0xb8;
	[tilespmem:$0x12A10] =	vst v63  }
0x25c: {  	_ =	swait.ge [sflag:s23], $0x80  }
0x25d: {  	[sflag:s23] =	ssyncset.done $0x0  }
0x25e: {  	s25 =	simm.s32 $0x12000;
	s26 =	simm.s32 $0x11880;
	[sflag:s23] =	ssyncadd.s32 $0xFFFFFF80  }
0x25f: {  	[spmem:s3] =	stream.indirect.scatter.add.f32 [tilespmem:s26], [sflag:$0x2], $0x1, s25, s22, $0xb8;
	[tilespmem:$0x12A10] =	vst v63  }
0x260: {  	_ =	swait.ge [sflag:s23], $0x80  }
0x261: {  	[sflag:s23] =	ssyncset.done $0x0  }
0x262: {  	[sflag:s23] =	ssyncadd.s32 $0xFFFFFF80  }
0x263: {  	[spmem:s2] =	stream.indirect.scatter.add.f32 [tilespmem:s7], [sflag:$0x2], $0x1, s25, s22, $0xb8;
	[tilespmem:$0x12A10] =	vst v63  }
0x264: {  	_ =	swait.ge [sflag:s23], $0x80  }
0x265: {  	[sflag:s23] =	ssyncset.done $0x0  }
0x266: {  	s28 =	simm.s32 $0x12080;
	s29 =	simm.s32 $0x11900;
	[sflag:s23] =	ssyncadd.s32 $0xFFFFFF80  }
0x267: {  	[spmem:s3] =	stream.indirect.scatter.add.f32 [tilespmem:s29], [sflag:$0x2], $0x1, s28, s22, $0xb8;
	[tilespmem:$0x12A10] =	vst v63  }
0x268: {  	_ =	swait.ge [sflag:s23], $0x80  }
0x269: {  	[sflag:s23] =	ssyncset.done $0x0  }
0x26a: {  	[sflag:s23] =	ssyncadd.s32 $0xFFFFFF80  }
0x26b: {  	[spmem:s2] =	stream.indirect.scatter.add.f32 [tilespmem:s7], [sflag:$0x2], $0x1, s28, s22, $0xb8;
	[tilespmem:$0x12A10] =	vst v63  }
0x26c: {  	_ =	swait.ge [sflag:s23], $0x80  }
0x26d: {  	[sflag:s23] =	ssyncset.done $0x0  }
0x26e: {  	s30 =	simm.s32 $0x12100;
	s31 =	simm.s32 $0x11980;
	[sflag:s23] =	ssyncadd.s32 $0xFFFFFF80  }
0x26f: {  	[spmem:s3] =	stream.indirect.scatter.add.f32 [tilespmem:s31], [sflag:$0x2], $0x1, s30, s22, $0xb8;
	[tilespmem:$0x12A10] =	vst v63  }
0x270: {  	_ =	swait.ge [sflag:s23], $0x80  }
0x271: {  	[sflag:s23] =	ssyncset.done $0x0  }
0x272: {  	[sflag:s23] =	ssyncadd.s32 $0xFFFFFF80  }
0x273: {  	[spmem:s2] =	stream.indirect.scatter.add.f32 [tilespmem:s7], [sflag:$0x2], $0x1, s30, s22, $0xb8;
	[tilespmem:$0x12A10] =	vst v63  }
0x274: {  	_ =	swait.ge [sflag:s23], $0x80  }
0x275: {  	[sflag:s23] =	ssyncset.done $0x0  }
0x276: {  	[sflag:s23] =	ssyncadd.s32 $0xFFFFFF80  }
0x277: {  	[bflag:$0x0] =	sbarrier.arrive $0xFFFF  }
0x278: {  	_ =	sfence.sel @p0 $0x180000  }
0x279: {  	[bflag:$0x0] =	sbarrier.arrive @p0 $0xFFFF  }
0x27a: {  	_ =	strace @p0 $0x90000047  }
0x27b: {  	s4 =	simm.s32 @!p0 $0x12700;
	[bflag:$0x2] =	sbarrier.arrive @p0 $0xFFFF  }
0x27c: {  	[tilespmem:s4], [sflag:$0x2] =	stream.linear.gather @!p0 [spmem:s3], $0x80, $0x38;
	[tilespmem:$0x12A10] =	vst v63  }
0x27d: {  	s3 =	simm.s32 @!p0 $0x2  }
0x27e: {  	_ =	swait.ge @!p0 [sflag:s3], $0x80  }
0x27f: {  	[sflag:s3] =	ssyncset.done @!p0 $0x0  }
0x280: {  	s5 =	simm.s32 @!p0 $0x11780;
	[sflag:s3] =	ssyncadd.s32 @!p0 $0xFFFFFF80  }
0x281: {  	[tilespmem:s5], [sflag:$0x2] =	stream.linear.gather @!p0 [spmem:s2], $0x40, $0x38;
	[tilespmem:$0x12A10] =	vst v63  }
0x282: {  	_ =	swait.ge @!p0 [sflag:s3], $0x40  }
0x283: {  	[sflag:s3] =	ssyncset.done @!p0 $0x0  }
0x284: {  	[sflag:s3] =	ssyncadd.s32 @!p0 $0xFFFFFFC0  }
0x285: {  	v0 =	vld @!p0 [tilespmem:$0x11780]  }
0x286: {  	v1 =	vld @!p0 [tilespmem:$0x11790];
	_ =	sdelay $0x4  }
0x287: {  	v0 =	vmax.f32 @!p0 v0, v1  }
0x288: {  	(xrf0) =	vmax.scan.msk.f32 @!p0 $0xffff, v0;
	_ =	sdelay $0x5  }
0x289: {  	v0, _, _ =	vpop @!p0 (xrf0)  }
0x28a: {  	v0 =	vbroadcast @!p0 v0, $0xF;
	_ =	sdelay $0x1  }
0x28b: {  	(erf) = vrcp.f32 @!p0 v0;
	_ =	sdelay $0x4  }
0x28c: {  	v0 =	vld @!p0 [tilespmem:$0x12700]  }
0x28d: {  	v1 =	vld @!p0 [tilespmem:$0x12710]  }
0x28e: {  	v2 =	vld @!p0 [tilespmem:$0x12500];
	_ =	sdelay $0x1  }
0x28f: {  	v3 =	vpop @!p0 (erf)  }
0x290: {  	v0 =	vmul.f32 @!p0 v3, v0  }
0x291: {  	v1 =	vmul.f32 @!p0 v3, v1  }
0x292: {  	v0 =	vadd.f32 @!p0 v0, v2  }
0x293: {  	v1 =	vadd.f32 @!p0 v1, v2  }
0x294: {  	[tilespmem:$0x12700] =	vst @!p0 v0  }
0x295: {  	s2 =	simm.s32 @!p0 $0x0;
	[tilespmem:$0x12710] =	vst @!p0 v1  }
0x296: {  	[hbm4b:s1+s2] =	stream.linear.scatter @!p0 [tilespmem:s4], [sflag:$0x2], $0x20, $0x38;
	[tilespmem:$0x12A10] =	vst v63  }
0x297: {  	_ =	swait.ge @!p0 [sflag:s3], $0x20  }
0x298: {  	[sflag:s3] =	ssyncset.done @!p0 $0x0  }
0x299: {  	[sflag:s3] =	ssyncadd.s32 @!p0 $0xFFFFFFE0  }
0x29a: {  	_ =	sfence.sel @!p0 $0x180000  }
0x29b: {  	[bflag:$0x0] =	sbarrier.arrive @!p0 $0xFFFF  }
0x29c: {  	_ =	strace @!p0 $0x90000047  }
0x29d: {  	s0 =	sadd.s32 @!p0 $0x100000, s0;
	[bflag:$0x2] =	sbarrier.arrive @!p0 $0xFFFF  }
0x29e: {  	[sflag:s0] =	ssyncadd.tile.s32 @!p0 $0x1;
	_ =	shalt  }
.Lfunc_end2:
_tile_overlayer_lowered:
.L_overlay_start_2:
0x29f: {  	(tag) =	ssettag $0x2  }
0x2a0: {  	s0 =	rddreg [dreg:$0x0];
	s2 =	stileid.u32  }
0x2a1: {  	s1 =	rddreg [dreg:$0x1];
	p0 =	sne.s32 s2, $0x0  }
0x2a2: {  	s3 =	rddreg [dreg:$0x2];
	[bflag:$0x3] =	sbarrier.arrive $0xFFFF;
	s2 =	simm.s32 @!p0 $0x1C02  }
0x2a3: {  	[timem:s3], [sflag:s2] =	dma.local @!p0 [hbm:s0], s1  }
0x2a4: {  	s0 =	simm.s32 @!p0 $0x2  }
0x2a5: {  	_ =	swait.ge @!p0 [sflag:s0], s1  }
0x2a6: {  	s1 =	ssub.s32 @!p0 $0x0, s1;
	[sflag:s0] =	ssyncset.done @!p0 $0x0  }
0x2a7: {  	[sflag:s0] =	ssyncadd.s32 @!p0 s1  }
0x2a8: {  	[bflag:$0x3] =	sbarrier.arrive $0xFFFF  }
0x2a9: {  	_ =	shalt  }

</sc_bundles>
